<compile_context>
chip_gen: v7x
topology: tpu7x:2x2x1
jax: 0.10.2.dev20260603
libtpu: 0.0.44.dev20260713+nightly
codegen_flags: <defaults>
</compile_context>

<pallas_src>
import functools

import jax
import jax.numpy as jnp
from jax import lax
from jax.experimental import pallas as pl
from jax.experimental.pallas import tpu as pltpu
from jax.experimental.pallas import tpu_sc as plsc

N = 10000
NP = 10240
E = 320000
NW = 32
CHUNK = 64
CPW = 160
EP = NW * CPW * CHUNK
ROWS_PER_TILE = NP // 16
ROWS_STAGE = N // 16
RING = 4
BLK = 1000
GRID = N // BLK


def _make_prop(TW, NPASS, CH=CHUNK, CW=CPW):
    mesh = plsc.VectorSubcoreMesh(core_axis_name="c", subcore_axis_name="s")
    D = TW * NPASS

    @functools.partial(
        pl.kernel,
        out_type=jax.ShapeDtypeStruct((2, NP, D), jnp.float32),
        mesh=mesh,
        compiler_params=pltpu.CompilerParams(use_tc_tiling_on_sc=False),
        scratch_types=[
            pltpu.VMEM((CW, CH), jnp.int32),
            pltpu.VMEM((CW, CH), jnp.int32),
            [pltpu.VMEM((CH, TW), jnp.float32)] * RING,
            pltpu.VMEM_SHARED((NP, TW), jnp.float32),
            pltpu.VMEM_SHARED((NP, TW), jnp.float32),
            [pltpu.SemaphoreType.DMA] * RING,
            [pltpu.SemaphoreType.DMA] * RING,
        ],
    )
    def prop(g, srcw, dstw, zinit, out,
             src_v, dst_v, rows_v, gtab, acc, gsem, ssem):
        c = lax.axis_index("c")
        s = lax.axis_index("s")
        wid = s * 2 + c
        r0 = s * ROWS_PER_TILE
        pltpu.sync_copy(srcw.at[wid], src_v)
        pltpu.sync_copy(dstw.at[wid], dst_v)

        rs = s * ROWS_STAGE

        for p in range(NPASS):
            pltpu.sync_copy(g.at[pl.ds(rs, ROWS_STAGE), pl.ds(p * TW, TW)],
                            gtab.at[pl.ds(rs, ROWS_STAGE)])
            pltpu.sync_copy(zinit.at[pl.ds(r0, ROWS_PER_TILE)],
                            acc.at[pl.ds(r0, ROWS_PER_TILE)])
            plsc.subcore_barrier()

            for b in range(RING - 1):
                pltpu.async_copy(gtab.at[src_v.at[b]], rows_v[b], gsem[b])

            def body(jj, carry):
                for b in range(RING):
                    j = jj * RING + b
                    pltpu.make_async_copy(
                        gtab.at[src_v.at[j]], rows_v[b], gsem[b]).wait()
                    pltpu.async_copy(
                        rows_v[b], acc.at[dst_v.at[j]], ssem[b], add=True)

                    bn = (b + RING - 1) % RING

                    @pl.when(j + RING - 1 < CW)
                    def _():
                        @pl.when(j >= 1)
                        def _():
                            pltpu.make_async_copy(
                                rows_v[bn], acc.at[dst_v.at[j]],
                                ssem[bn]).wait()
                        pltpu.async_copy(
                            gtab.at[src_v.at[j + RING - 1]], rows_v[bn],
                            gsem[bn])
                return carry

            lax.fori_loop(0, CW // RING, body, 0)
            for b in range(RING):
                pltpu.make_async_copy(
                    rows_v[b], acc.at[dst_v.at[b]], ssem[b]).wait()
            plsc.subcore_barrier()
            pltpu.sync_copy(
                acc.at[pl.ds(r0, ROWS_PER_TILE)],
                out.at[c, pl.ds(r0, ROWS_PER_TILE), pl.ds(p * TW, TW)])

    return prop


_prop64x2 = _make_prop(64, 2)
_prop16x1 = _make_prop(16, 1, CH=128, CW=80)


def _make_deg():
    mesh = plsc.VectorSubcoreMesh(core_axis_name="c", subcore_axis_name="s")

    @functools.partial(
        pl.kernel,
        out_type=jax.ShapeDtypeStruct((2, NP, 8), jnp.float32),
        mesh=mesh,
        compiler_params=pltpu.CompilerParams(use_tc_tiling_on_sc=False),
        scratch_types=[
            pltpu.VMEM((CPW, CHUNK), jnp.int32),
            pltpu.VMEM((CHUNK, 16), jnp.float32),
            pltpu.VMEM_SHARED((NP, 16), jnp.float32),
            pltpu.SemaphoreType.DMA,
        ],
    )
    def deg(ones_hbm, dstw, zinit, out, dst_v, ones_v, acc, sem):
        c = lax.axis_index("c")
        s = lax.axis_index("s")
        wid = s * 2 + c
        r0 = s * ROWS_PER_TILE
        pltpu.sync_copy(zinit.at[pl.ds(r0, ROWS_PER_TILE)],
                        acc.at[pl.ds(r0, ROWS_PER_TILE)])
        pltpu.sync_copy(dstw.at[wid], dst_v)
        pltpu.sync_copy(ones_hbm, ones_v)
        plsc.subcore_barrier()

        def fire(j, carry):
            pltpu.async_copy(ones_v, acc.at[dst_v.at[j]], sem, add=True)
            return carry

        lax.fori_loop(0, CPW, fire, 0)

        def drain(j, carry):
            pltpu.make_async_copy(ones_v, acc.at[dst_v.at[j]], sem).wait()
            return carry

        lax.fori_loop(0, CPW, drain, 0)
        plsc.subcore_barrier()
        pltpu.sync_copy(acc.at[pl.ds(r0, ROWS_PER_TILE), pl.ds(0, 8)],
                        out.at[c, pl.ds(r0, ROWS_PER_TILE)])

    return deg


_deg16 = _make_deg()


def _tcA1_body(x_ref, w1_ref, h_ref):
    h_ref[...] = jnp.dot(x_ref[...], w1_ref[...],
                         preferred_element_type=jnp.float32)


def _tcA2_body(deg2_ref, h_ref, dinv_ref, g1_ref):
    deg = deg2_ref[0, :, 0] + deg2_ref[1, :, 0] + 1.0
    dinv = lax.rsqrt(deg)
    dinv_ref[...] = dinv[:, None]
    g1_ref[...] = h_ref[...] * dinv[:, None]


def _tcB_body(p_ref, g1_ref, dinv_ref, w2_ref, b1_ref, g2_ref):
    dinv = dinv_ref[...]
    tot = g1_ref[...] + p_ref[0] + p_ref[1]
    z = jnp.maximum(tot * dinv + b1_ref[...], 0.0)
    h2 = jnp.dot(z, w2_ref[...], preferred_element_type=jnp.float32)
    g2_ref[...] = h2 * dinv


def _tcC_body(q_ref, g2_ref, dinv_ref, b2_ref, out_ref):
    out_ref[...] = ((g2_ref[...] + q_ref[0] + q_ref[1])
                    * dinv_ref[...] + b2_ref[...])


def _tcA1(xp, W1):
    return pl.pallas_call(
        _tcA1_body,
        grid=(GRID,),
        in_specs=[
            pl.BlockSpec((BLK, 128), lambda i: (i, 0)),
            pl.BlockSpec((128, 128), lambda i: (0, 0)),
        ],
        out_specs=pl.BlockSpec((BLK, 128), lambda i: (i, 0)),
        out_shape=jax.ShapeDtypeStruct((N, 128), jnp.float32),
    )(xp, W1)


def _tcA2(deg2, h):
    return pl.pallas_call(
        _tcA2_body,
        grid=(GRID,),
        in_specs=[
            pl.BlockSpec((2, BLK, 8), lambda i: (0, i, 0)),
            pl.BlockSpec((BLK, 128), lambda i: (i, 0)),
        ],
        out_specs=[
            pl.BlockSpec((BLK, 1), lambda i: (i, 0)),
            pl.BlockSpec((BLK, 128), lambda i: (i, 0)),
        ],
        out_shape=[
            jax.ShapeDtypeStruct((N, 1), jnp.float32),
            jax.ShapeDtypeStruct((N, 128), jnp.float32),
        ],
    )(deg2, h)


def _tcB(p, g1, dinv, W2, b1):
    return pl.pallas_call(
        _tcB_body,
        grid=(GRID,),
        in_specs=[
            pl.BlockSpec((2, BLK, 128), lambda i: (0, i, 0)),
            pl.BlockSpec((BLK, 128), lambda i: (i, 0)),
            pl.BlockSpec((BLK, 1), lambda i: (i, 0)),
            pl.BlockSpec((128, 16), lambda i: (0, 0)),
            pl.BlockSpec((1, 128), lambda i: (0, 0)),
        ],
        out_specs=pl.BlockSpec((BLK, 16), lambda i: (i, 0)),
        out_shape=jax.ShapeDtypeStruct((N, 16), jnp.float32),
    )(p, g1, dinv, W2, b1)


def _tcC(q, g2, dinv, b2):
    return pl.pallas_call(
        _tcC_body,
        grid=(GRID,),
        in_specs=[
            pl.BlockSpec((2, BLK, 16), lambda i: (0, i, 0)),
            pl.BlockSpec((BLK, 16), lambda i: (i, 0)),
            pl.BlockSpec((BLK, 1), lambda i: (i, 0)),
            pl.BlockSpec((1, 16), lambda i: (0, 0)),
        ],
        out_specs=pl.BlockSpec((BLK, 16), lambda i: (i, 0)),
        out_shape=jax.ShapeDtypeStruct((N, 16), jnp.float32),
    )(q, g2, dinv, b2)


def kernel(x, edge_index, W1, b1, W2, b2):
    pad = EP - E
    padv = jnp.array([[N], [N + 1]], jnp.int32) * jnp.ones(
        (2, pad), jnp.int32)
    ep = jnp.concatenate([edge_index.astype(jnp.int32), padv], axis=1)
    srcp = ep[0].reshape(NW, CPW, CHUNK)
    dstp = ep[1].reshape(NW, CPW, CHUNK)
    ones_tile = jnp.ones((CHUNK, 16), jnp.float32)
    z16 = jnp.zeros((NP, 16), jnp.float32)
    z64 = jnp.zeros((NP, 64), jnp.float32)

    deg2 = _deg16(ones_tile, dstp, z16)
    h1 = _tcA1(x, W1)
    dinv, g1 = _tcA2(deg2, h1)
    p = _prop64x2(g1, srcp, dstp, z64)
    g2 = _tcB(p, g1, dinv, W2, b1.reshape(1, 128))
    srcp2 = ep[0].reshape(NW, 80, 128)
    dstp2 = ep[1].reshape(NW, 80, 128)
    q = _prop16x1(g2, srcp2, dstp2, z16)
    return _tcC(q, g2, dinv, b2.reshape(1, 16))

# --- scband reference (transcript-rebuilt; emitter-appended) ---
"""Pipeline reference for scband-gcn-39427799777294 (READ-ONLY COPY).

The authoritative reference and input builder live on the scoring server;
editing this copy changes nothing except your own understanding.
"""

import jax, jax.numpy as jnp
import numpy as np

N = 10000
E = 320000
F_IN = 128
HID = 128
C = 16


def gcn_conv(x, edge_index, W, b):
    n = x.shape[0]
    src = edge_index[0]
    dst = edge_index[1]
    loop = jnp.arange(n, dtype=src.dtype)
    src = jnp.concatenate([src, loop])
    dst = jnp.concatenate([dst, loop])
    ones = jnp.ones(src.shape[0], dtype=x.dtype)
    deg = jnp.zeros((n,), dtype=x.dtype).at[dst].add(ones)
    dinv = jnp.where(deg > 0, deg ** -0.5, 0.0)
    norm = dinv[src] * dinv[dst]
    h = x @ W
    msg = h[src] * norm[:, None]
    out = jnp.zeros((n, h.shape[1]), dtype=x.dtype).at[dst].add(msg)
    return out + b


def setup_inputs(seed: int = 0):
    key = jax.random.key(seed)
    k1, k2, k3, k4, k5, k6 = jax.random.split(key, 6)
    x = jax.random.normal(k1, (N, F_IN), dtype=jnp.float32)
    edge_index = jax.random.randint(k2, (2, E), 0, N).astype(jnp.int32)
    W1 = jax.random.normal(k3, (F_IN, HID), dtype=jnp.float32) * 0.05
    b1 = jnp.zeros((HID,), dtype=jnp.float32)
    W2 = jax.random.normal(k4, (HID, C), dtype=jnp.float32) * 0.05
    b2 = jnp.zeros((C,), dtype=jnp.float32)
    return {"x": x, "edge_index": edge_index, "W1": W1, "b1": b1, "W2": W2, "b2": b2}


def reference(x, edge_index, W1, b1, W2, b2):
    h = gcn_conv(x, edge_index, W1, b1)
    h = jax.nn.relu(h)
    # dropout is identity in eval mode (training=False)
    out = gcn_conv(h, edge_index, W2, b2)
    return out

if __name__ == "__main__":
    import jax
    _d = setup_inputs()
    print(jax.jit(kernel)(*tuple(_d.values())))

</pallas_src>

<mosaic_0001>
#map = affine_map<(d0, d1) -> (0, 0)>
#map1 = affine_map<(d0, d1) -> (0, 0, 0)>
module attributes {stable_mosaic.version = 14 : i64} {
  func.func @prop(%arg0: i32, %arg1: i32, %arg2: memref<10000x16xf32, #tpu.memory_space<hbm>>, %arg3: memref<32x80x128xi32, #tpu.memory_space<hbm>>, %arg4: memref<32x80x128xi32, #tpu.memory_space<hbm>>, %arg5: memref<10240x16xf32, #tpu.memory_space<hbm>>, %arg6: memref<2x10240x16xf32, #tpu.memory_space<hbm>>, %arg7: memref<80x128xi32, #tpu.memory_space<vmem>>, %arg8: memref<80x128xi32, #tpu.memory_space<vmem>>, %arg9: memref<128x16xf32, #tpu.memory_space<vmem>>, %arg10: memref<128x16xf32, #tpu.memory_space<vmem>>, %arg11: memref<128x16xf32, #tpu.memory_space<vmem>>, %arg12: memref<128x16xf32, #tpu.memory_space<vmem>>, %arg13: memref<10240x16xf32, #tpu.memory_space<vmem_shared>>, %arg14: memref<10240x16xf32, #tpu.memory_space<vmem_shared>>, %arg15: memref<!tpu.dma_semaphore, #tpu.memory_space<semaphore_mem>>, %arg16: memref<!tpu.dma_semaphore, #tpu.memory_space<semaphore_mem>>, %arg17: memref<!tpu.dma_semaphore, #tpu.memory_space<semaphore_mem>>, %arg18: memref<!tpu.dma_semaphore, #tpu.memory_space<semaphore_mem>>, %arg19: memref<!tpu.dma_semaphore, #tpu.memory_space<semaphore_mem>>, %arg20: memref<!tpu.dma_semaphore, #tpu.memory_space<semaphore_mem>>, %arg21: memref<!tpu.dma_semaphore, #tpu.memory_space<semaphore_mem>>, %arg22: memref<!tpu.dma_semaphore, #tpu.memory_space<semaphore_mem>>) attributes {dimension_semantics = [#tpu.dimension_semantics<core_parallel>, #tpu.dimension_semantics<subcore_parallel>], iteration_bounds = array<i64: 2, 16>, scalar_prefetch = 0 : i64, scratch_operands = 16 : i64, tpu.core_type = #tpu.core_type<sc_vector_subcore>, window_params = [{transform_indices = #map}, {transform_indices = #map1}, {transform_indices = #map1}, {transform_indices = #map}, {transform_indices = #map1}]} {
    %mul3A = arith.constant 2 : i32
    %mul3A_0 = arith.muli %arg1, %mul3A : i32
    %add3A = arith.addi %mul3A_0, %arg0 : i32
    %mul3A_1 = arith.constant 640 : i32
    %mul3A_2 = arith.muli %arg1, %mul3A_1 : i32
    "tpu.region"() ({
      %run_scoped3A = tpu.sem_alloc : memref<!tpu.dma_semaphore, #tpu.memory_space<semaphore_mem>>
      %dma_start3A_58 = arith.constant 0 : i32
      %dma_start3A_59 = arith.constant 0 : i32
      %dma_start3A_60 = tpu.memref_slice %arg3[%add3A, %dma_start3A_58, %dma_start3A_59] : memref<32x80x128xi32, #tpu.memory_space<hbm>> -> memref<1x80x128xi32, #tpu.memory_space<hbm>>
      %dma_start3A_61 = tpu.memref_squeeze %dma_start3A_60 : memref<1x80x128xi32, #tpu.memory_space<hbm>> -> memref<80x128xi32, #tpu.memory_space<hbm>>
      %dma_start3A_62 = arith.constant 0 : i32
      %dma_start3A_63 = arith.constant 0 : i32
      %dma_start3A_64 = tpu.memref_slice %arg3[%add3A, %dma_start3A_62, %dma_start3A_63] : memref<32x80x128xi32, #tpu.memory_space<hbm>> -> memref<1x80x128xi32, #tpu.memory_space<hbm>>
      %dma_start3A_65 = tpu.memref_squeeze %dma_start3A_64 : memref<1x80x128xi32, #tpu.memory_space<hbm>> -> memref<80x128xi32, #tpu.memory_space<hbm>>
      tpu.enqueue_dma source(%dma_start3A_65 : memref<80x128xi32, #tpu.memory_space<hbm>>) target(%arg7 : memref<80x128xi32, #tpu.memory_space<vmem>>) target_semaphore(%run_scoped3A : memref<!tpu.dma_semaphore, #tpu.memory_space<semaphore_mem>>)
      %dma_wait3A_66 = arith.constant 0 : i32
      %dma_wait3A_67 = arith.constant 0 : i32
      %dma_wait3A_68 = tpu.memref_slice %arg3[%add3A, %dma_wait3A_66, %dma_wait3A_67] : memref<32x80x128xi32, #tpu.memory_space<hbm>> -> memref<1x80x128xi32, #tpu.memory_space<hbm>>
      %dma_wait3A_69 = tpu.memref_squeeze %dma_wait3A_68 : memref<1x80x128xi32, #tpu.memory_space<hbm>> -> memref<80x128xi32, #tpu.memory_space<hbm>>
      %dma_wait3A_70 = arith.constant 0 : i32
      %dma_wait3A_71 = arith.constant 0 : i32
      %dma_wait3A_72 = tpu.memref_slice %arg3[%add3A, %dma_wait3A_70, %dma_wait3A_71] : memref<32x80x128xi32, #tpu.memory_space<hbm>> -> memref<1x80x128xi32, #tpu.memory_space<hbm>>
      %dma_wait3A_73 = tpu.memref_squeeze %dma_wait3A_72 : memref<1x80x128xi32, #tpu.memory_space<hbm>> -> memref<80x128xi32, #tpu.memory_space<hbm>>
      tpu.wait_dma2 semaphore(%run_scoped3A : memref<!tpu.dma_semaphore, #tpu.memory_space<semaphore_mem>>) src(%dma_wait3A_73 : memref<80x128xi32, #tpu.memory_space<hbm>>) dst(%arg7 : memref<80x128xi32, #tpu.memory_space<vmem>>)
      tpu.yield
    }) : () -> ()
    "tpu.region"() ({
      %run_scoped3A = tpu.sem_alloc : memref<!tpu.dma_semaphore, #tpu.memory_space<semaphore_mem>>
      %dma_start3A_58 = arith.constant 0 : i32
      %dma_start3A_59 = arith.constant 0 : i32
      %dma_start3A_60 = tpu.memref_slice %arg4[%add3A, %dma_start3A_58, %dma_start3A_59] : memref<32x80x128xi32, #tpu.memory_space<hbm>> -> memref<1x80x128xi32, #tpu.memory_space<hbm>>
      %dma_start3A_61 = tpu.memref_squeeze %dma_start3A_60 : memref<1x80x128xi32, #tpu.memory_space<hbm>> -> memref<80x128xi32, #tpu.memory_space<hbm>>
      %dma_start3A_62 = arith.constant 0 : i32
      %dma_start3A_63 = arith.constant 0 : i32
      %dma_start3A_64 = tpu.memref_slice %arg4[%add3A, %dma_start3A_62, %dma_start3A_63] : memref<32x80x128xi32, #tpu.memory_space<hbm>> -> memref<1x80x128xi32, #tpu.memory_space<hbm>>
      %dma_start3A_65 = tpu.memref_squeeze %dma_start3A_64 : memref<1x80x128xi32, #tpu.memory_space<hbm>> -> memref<80x128xi32, #tpu.memory_space<hbm>>
      tpu.enqueue_dma source(%dma_start3A_65 : memref<80x128xi32, #tpu.memory_space<hbm>>) target(%arg8 : memref<80x128xi32, #tpu.memory_space<vmem>>) target_semaphore(%run_scoped3A : memref<!tpu.dma_semaphore, #tpu.memory_space<semaphore_mem>>)
      %dma_wait3A_66 = arith.constant 0 : i32
      %dma_wait3A_67 = arith.constant 0 : i32
      %dma_wait3A_68 = tpu.memref_slice %arg4[%add3A, %dma_wait3A_66, %dma_wait3A_67] : memref<32x80x128xi32, #tpu.memory_space<hbm>> -> memref<1x80x128xi32, #tpu.memory_space<hbm>>
      %dma_wait3A_69 = tpu.memref_squeeze %dma_wait3A_68 : memref<1x80x128xi32, #tpu.memory_space<hbm>> -> memref<80x128xi32, #tpu.memory_space<hbm>>
      %dma_wait3A_70 = arith.constant 0 : i32
      %dma_wait3A_71 = arith.constant 0 : i32
      %dma_wait3A_72 = tpu.memref_slice %arg4[%add3A, %dma_wait3A_70, %dma_wait3A_71] : memref<32x80x128xi32, #tpu.memory_space<hbm>> -> memref<1x80x128xi32, #tpu.memory_space<hbm>>
      %dma_wait3A_73 = tpu.memref_squeeze %dma_wait3A_72 : memref<1x80x128xi32, #tpu.memory_space<hbm>> -> memref<80x128xi32, #tpu.memory_space<hbm>>
      tpu.wait_dma2 semaphore(%run_scoped3A : memref<!tpu.dma_semaphore, #tpu.memory_space<semaphore_mem>>) src(%dma_wait3A_73 : memref<80x128xi32, #tpu.memory_space<hbm>>) dst(%arg8 : memref<80x128xi32, #tpu.memory_space<vmem>>)
      tpu.yield
    }) : () -> ()
    %mul3A_3 = arith.constant 625 : i32
    %mul3A_4 = arith.muli %arg1, %mul3A_3 : i32
    "tpu.region"() ({
      %run_scoped3A = tpu.sem_alloc : memref<!tpu.dma_semaphore, #tpu.memory_space<semaphore_mem>>
      %dma_start3A_58 = arith.constant 0 : i32
      %dma_start3A_59 = tpu.memref_slice %arg13[%mul3A_4, %dma_start3A_58] : memref<10240x16xf32, #tpu.memory_space<vmem_shared>> -> memref<625x16xf32, #tpu.memory_space<vmem_shared>>
      %dma_start3A_60 = arith.constant 0 : i32
      %dma_start3A_61 = tpu.memref_slice %arg2[%mul3A_4, %dma_start3A_60] : memref<10000x16xf32, #tpu.memory_space<hbm>> -> memref<625x16xf32, #tpu.memory_space<hbm>>
      tpu.enqueue_dma source(%dma_start3A_61 : memref<625x16xf32, #tpu.memory_space<hbm>>) target(%dma_start3A_59 : memref<625x16xf32, #tpu.memory_space<vmem_shared>>) target_semaphore(%run_scoped3A : memref<!tpu.dma_semaphore, #tpu.memory_space<semaphore_mem>>)
      %dma_wait3A_62 = arith.constant 0 : i32
      %dma_wait3A_63 = tpu.memref_slice %arg13[%mul3A_4, %dma_wait3A_62] : memref<10240x16xf32, #tpu.memory_space<vmem_shared>> -> memref<625x16xf32, #tpu.memory_space<vmem_shared>>
      %dma_wait3A_64 = arith.constant 0 : i32
      %dma_wait3A_65 = tpu.memref_slice %arg2[%mul3A_4, %dma_wait3A_64] : memref<10000x16xf32, #tpu.memory_space<hbm>> -> memref<625x16xf32, #tpu.memory_space<hbm>>
      tpu.wait_dma2 semaphore(%run_scoped3A : memref<!tpu.dma_semaphore, #tpu.memory_space<semaphore_mem>>) src(%dma_wait3A_65 : memref<625x16xf32, #tpu.memory_space<hbm>>) dst(%dma_wait3A_63 : memref<625x16xf32, #tpu.memory_space<vmem_shared>>)
      tpu.yield
    }) : () -> ()
    "tpu.region"() ({
      %run_scoped3A = tpu.sem_alloc : memref<!tpu.dma_semaphore, #tpu.memory_space<semaphore_mem>>
      %dma_start3A_58 = arith.constant 0 : i32
      %dma_start3A_59 = tpu.memref_slice %arg14[%mul3A_2, %dma_start3A_58] : memref<10240x16xf32, #tpu.memory_space<vmem_shared>> -> memref<640x16xf32, #tpu.memory_space<vmem_shared>>
      %dma_start3A_60 = arith.constant 0 : i32
      %dma_start3A_61 = tpu.memref_slice %arg5[%mul3A_2, %dma_start3A_60] : memref<10240x16xf32, #tpu.memory_space<hbm>> -> memref<640x16xf32, #tpu.memory_space<hbm>>
      tpu.enqueue_dma source(%dma_start3A_61 : memref<640x16xf32, #tpu.memory_space<hbm>>) target(%dma_start3A_59 : memref<640x16xf32, #tpu.memory_space<vmem_shared>>) target_semaphore(%run_scoped3A : memref<!tpu.dma_semaphore, #tpu.memory_space<semaphore_mem>>)
      %dma_wait3A_62 = arith.constant 0 : i32
      %dma_wait3A_63 = tpu.memref_slice %arg14[%mul3A_2, %dma_wait3A_62] : memref<10240x16xf32, #tpu.memory_space<vmem_shared>> -> memref<640x16xf32, #tpu.memory_space<vmem_shared>>
      %dma_wait3A_64 = arith.constant 0 : i32
      %dma_wait3A_65 = tpu.memref_slice %arg5[%mul3A_2, %dma_wait3A_64] : memref<10240x16xf32, #tpu.memory_space<hbm>> -> memref<640x16xf32, #tpu.memory_space<hbm>>
      tpu.wait_dma2 semaphore(%run_scoped3A : memref<!tpu.dma_semaphore, #tpu.memory_space<semaphore_mem>>) src(%dma_wait3A_65 : memref<640x16xf32, #tpu.memory_space<hbm>>) dst(%dma_wait3A_63 : memref<640x16xf32, #tpu.memory_space<vmem_shared>>)
      tpu.yield
    }) : () -> ()
    %barrier3A = arith.constant 0 : index
    tpu.barrier barrier_id(%barrier3A)
    %dma_start3A = arith.constant 0 : i32
    %dma_start3A_5 = arith.constant 0 : i32
    %dma_start3A_6 = tpu.memref_slice %arg7[%dma_start3A, %dma_start3A_5] : memref<80x128xi32, #tpu.memory_space<vmem>> -> memref<1x128xi32, #tpu.memory_space<vmem>>
    %dma_start3A_7 = tpu.memref_squeeze %dma_start3A_6 : memref<1x128xi32, #tpu.memory_space<vmem>> -> memref<128xi32, #tpu.memory_space<vmem>>
    %dma_start3A_8 = arith.constant 0 : i32
    %dma_start3A_9 = arith.constant 0 : i32
    %dma_start3A_10 = tpu.memref_slice %arg13[%dma_start3A_8, %dma_start3A_9] : memref<10240x16xf32, #tpu.memory_space<vmem_shared>> -> memref<10240x16xf32, #tpu.memory_space<vmem_shared>>
    tpu.enqueue_indirect_dma source(%dma_start3A_10 : memref<10240x16xf32, #tpu.memory_space<vmem_shared>>) target(%arg9 : memref<128x16xf32, #tpu.memory_space<vmem>>) offsets(%dma_start3A_7 : memref<128xi32, #tpu.memory_space<vmem>>) semaphore(%arg15 : memref<!tpu.dma_semaphore, #tpu.memory_space<semaphore_mem>>)
    %dma_start3A_11 = arith.constant 1 : i32
    %dma_start3A_12 = arith.constant 0 : i32
    %dma_start3A_13 = tpu.memref_slice %arg7[%dma_start3A_11, %dma_start3A_12] : memref<80x128xi32, #tpu.memory_space<vmem>> -> memref<1x128xi32, #tpu.memory_space<vmem>>
    %dma_start3A_14 = tpu.memref_squeeze %dma_start3A_13 : memref<1x128xi32, #tpu.memory_space<vmem>> -> memref<128xi32, #tpu.memory_space<vmem>>
    %dma_start3A_15 = arith.constant 0 : i32
    %dma_start3A_16 = arith.constant 0 : i32
    %dma_start3A_17 = tpu.memref_slice %arg13[%dma_start3A_15, %dma_start3A_16] : memref<10240x16xf32, #tpu.memory_space<vmem_shared>> -> memref<10240x16xf32, #tpu.memory_space<vmem_shared>>
    tpu.enqueue_indirect_dma source(%dma_start3A_17 : memref<10240x16xf32, #tpu.memory_space<vmem_shared>>) target(%arg10 : memref<128x16xf32, #tpu.memory_space<vmem>>) offsets(%dma_start3A_14 : memref<128xi32, #tpu.memory_space<vmem>>) semaphore(%arg16 : memref<!tpu.dma_semaphore, #tpu.memory_space<semaphore_mem>>)
    %dma_start3A_18 = arith.constant 2 : i32
    %dma_start3A_19 = arith.constant 0 : i32
    %dma_start3A_20 = tpu.memref_slice %arg7[%dma_start3A_18, %dma_start3A_19] : memref<80x128xi32, #tpu.memory_space<vmem>> -> memref<1x128xi32, #tpu.memory_space<vmem>>
    %dma_start3A_21 = tpu.memref_squeeze %dma_start3A_20 : memref<1x128xi32, #tpu.memory_space<vmem>> -> memref<128xi32, #tpu.memory_space<vmem>>
    %dma_start3A_22 = arith.constant 0 : i32
    %dma_start3A_23 = arith.constant 0 : i32
    %dma_start3A_24 = tpu.memref_slice %arg13[%dma_start3A_22, %dma_start3A_23] : memref<10240x16xf32, #tpu.memory_space<vmem_shared>> -> memref<10240x16xf32, #tpu.memory_space<vmem_shared>>
    tpu.enqueue_indirect_dma source(%dma_start3A_24 : memref<10240x16xf32, #tpu.memory_space<vmem_shared>>) target(%arg11 : memref<128x16xf32, #tpu.memory_space<vmem>>) offsets(%dma_start3A_21 : memref<128xi32, #tpu.memory_space<vmem>>) semaphore(%arg17 : memref<!tpu.dma_semaphore, #tpu.memory_space<semaphore_mem>>)
    %scan3A = arith.constant 0 : i32
    %scan3A_25 = arith.constant 0 : i32
    %scan3A_26 = arith.constant 20 : i32
    %scan3A_27 = arith.addi %scan3A_25, %scan3A_26 : i32
    %scan3A_28 = arith.constant 1 : i32
    scf.for %scan3A_58 = %scan3A_25 to %scan3A_27 step %scan3A_28  : i32 {
      %mul3A_59 = arith.constant 4 : i32
      %mul3A_60 = arith.muli %scan3A_58, %mul3A_59 : i32
      %add3A_61 = arith.constant 0 : i32
      %add3A_62 = arith.addi %mul3A_60, %add3A_61 : i32
      %dma_wait3A_63 = arith.constant 0 : i32
      %dma_wait3A_64 = tpu.memref_slice %arg7[%add3A_62, %dma_wait3A_63] : memref<80x128xi32, #tpu.memory_space<vmem>> -> memref<1x128xi32, #tpu.memory_space<vmem>>
      %dma_wait3A_65 = tpu.memref_squeeze %dma_wait3A_64 : memref<1x128xi32, #tpu.memory_space<vmem>> -> memref<128xi32, #tpu.memory_space<vmem>>
      %dma_wait3A_66 = arith.constant 0 : i32
      %dma_wait3A_67 = arith.constant 0 : i32
      %dma_wait3A_68 = tpu.memref_slice %arg13[%dma_wait3A_66, %dma_wait3A_67] : memref<10240x16xf32, #tpu.memory_space<vmem_shared>> -> memref<10240x16xf32, #tpu.memory_space<vmem_shared>>
      tpu.wait_indirect_dma semaphore(%arg15 : memref<!tpu.dma_semaphore, #tpu.memory_space<semaphore_mem>>) src(%dma_wait3A_68 : memref<10240x16xf32, #tpu.memory_space<vmem_shared>>) dst(%arg9 : memref<128x16xf32, #tpu.memory_space<vmem>>)
      %dma_start3A_69 = arith.constant 0 : i32
      %dma_start3A_70 = tpu.memref_slice %arg8[%add3A_62, %dma_start3A_69] : memref<80x128xi32, #tpu.memory_space<vmem>> -> memref<1x128xi32, #tpu.memory_space<vmem>>
      %dma_start3A_71 = tpu.memref_squeeze %dma_start3A_70 : memref<1x128xi32, #tpu.memory_space<vmem>> -> memref<128xi32, #tpu.memory_space<vmem>>
      %dma_start3A_72 = arith.constant 0 : i32
      %dma_start3A_73 = arith.constant 0 : i32
      %dma_start3A_74 = tpu.memref_slice %arg14[%dma_start3A_72, %dma_start3A_73] : memref<10240x16xf32, #tpu.memory_space<vmem_shared>> -> memref<10240x16xf32, #tpu.memory_space<vmem_shared>>
      tpu.enqueue_indirect_dma source(%arg9 : memref<128x16xf32, #tpu.memory_space<vmem>>) target(%dma_start3A_74 : memref<10240x16xf32, #tpu.memory_space<vmem_shared>>) offsets(%dma_start3A_71 : memref<128xi32, #tpu.memory_space<vmem>>) semaphore(%arg19 : memref<!tpu.dma_semaphore, #tpu.memory_space<semaphore_mem>>) {add = true}
      %add3A_75 = arith.constant 4 : i32
      %add3A_76 = arith.addi %add3A_62, %add3A_75 : i32
      %sub3A = arith.constant 1 : i32
      %sub3A_77 = arith.subi %add3A_76, %sub3A : i32
      %lt3A = arith.constant 80 : i32
      %lt3A_78 = arith.cmpi slt, %sub3A_77, %lt3A : i32
      %convert_element_type3A = arith.extui %lt3A_78 : i1 to i32
      %cond3A = arith.constant 0 : i32
      %cond3A_79 = arith.cmpi ne, %convert_element_type3A, %cond3A : i32
      scf.if %cond3A_79 {
        %ge3A = arith.constant 1 : i32
        %ge3A_155 = arith.cmpi sge, %add3A_62, %ge3A : i32
        %convert_element_type3A_156 = arith.extui %ge3A_155 : i1 to i32
        %cond3A_157 = arith.constant 0 : i32
        %cond3A_158 = arith.cmpi ne, %convert_element_type3A_156, %cond3A_157 : i32
        scf.if %cond3A_158 {
          %dma_wait3A_169 = arith.constant 0 : i32
          %dma_wait3A_170 = tpu.memref_slice %arg8[%add3A_62, %dma_wait3A_169] : memref<80x128xi32, #tpu.memory_space<vmem>> -> memref<1x128xi32, #tpu.memory_space<vmem>>
          %dma_wait3A_171 = tpu.memref_squeeze %dma_wait3A_170 : memref<1x128xi32, #tpu.memory_space<vmem>> -> memref<128xi32, #tpu.memory_space<vmem>>
          %dma_wait3A_172 = arith.constant 0 : i32
          %dma_wait3A_173 = arith.constant 0 : i32
          %dma_wait3A_174 = tpu.memref_slice %arg14[%dma_wait3A_172, %dma_wait3A_173] : memref<10240x16xf32, #tpu.memory_space<vmem_shared>> -> memref<10240x16xf32, #tpu.memory_space<vmem_shared>>
          tpu.wait_indirect_dma semaphore(%arg22 : memref<!tpu.dma_semaphore, #tpu.memory_space<semaphore_mem>>) src(%arg12 : memref<128x16xf32, #tpu.memory_space<vmem>>) dst(%dma_wait3A_174 : memref<10240x16xf32, #tpu.memory_space<vmem_shared>>)
        } else {
        }
        %add3A_159 = arith.constant 4 : i32
        %add3A_160 = arith.addi %add3A_62, %add3A_159 : i32
        %sub3A_161 = arith.constant 1 : i32
        %sub3A_162 = arith.subi %add3A_160, %sub3A_161 : i32
        %dma_start3A_163 = arith.constant 0 : i32
        %dma_start3A_164 = tpu.memref_slice %arg7[%sub3A_162, %dma_start3A_163] : memref<80x128xi32, #tpu.memory_space<vmem>> -> memref<1x128xi32, #tpu.memory_space<vmem>>
        %dma_start3A_165 = tpu.memref_squeeze %dma_start3A_164 : memref<1x128xi32, #tpu.memory_space<vmem>> -> memref<128xi32, #tpu.memory_space<vmem>>
        %dma_start3A_166 = arith.constant 0 : i32
        %dma_start3A_167 = arith.constant 0 : i32
        %dma_start3A_168 = tpu.memref_slice %arg13[%dma_start3A_166, %dma_start3A_167] : memref<10240x16xf32, #tpu.memory_space<vmem_shared>> -> memref<10240x16xf32, #tpu.memory_space<vmem_shared>>
        tpu.enqueue_indirect_dma source(%dma_start3A_168 : memref<10240x16xf32, #tpu.memory_space<vmem_shared>>) target(%arg12 : memref<128x16xf32, #tpu.memory_space<vmem>>) offsets(%dma_start3A_165 : memref<128xi32, #tpu.memory_space<vmem>>) semaphore(%arg18 : memref<!tpu.dma_semaphore, #tpu.memory_space<semaphore_mem>>)
      } else {
      }
      %mul3A_80 = arith.constant 4 : i32
      %mul3A_81 = arith.muli %scan3A_58, %mul3A_80 : i32
      %add3A_82 = arith.constant 1 : i32
      %add3A_83 = arith.addi %mul3A_81, %add3A_82 : i32
      %dma_wait3A_84 = arith.constant 0 : i32
      %dma_wait3A_85 = tpu.memref_slice %arg7[%add3A_83, %dma_wait3A_84] : memref<80x128xi32, #tpu.memory_space<vmem>> -> memref<1x128xi32, #tpu.memory_space<vmem>>
      %dma_wait3A_86 = tpu.memref_squeeze %dma_wait3A_85 : memref<1x128xi32, #tpu.memory_space<vmem>> -> memref<128xi32, #tpu.memory_space<vmem>>
      %dma_wait3A_87 = arith.constant 0 : i32
      %dma_wait3A_88 = arith.constant 0 : i32
      %dma_wait3A_89 = tpu.memref_slice %arg13[%dma_wait3A_87, %dma_wait3A_88] : memref<10240x16xf32, #tpu.memory_space<vmem_shared>> -> memref<10240x16xf32, #tpu.memory_space<vmem_shared>>
      tpu.wait_indirect_dma semaphore(%arg16 : memref<!tpu.dma_semaphore, #tpu.memory_space<semaphore_mem>>) src(%dma_wait3A_89 : memref<10240x16xf32, #tpu.memory_space<vmem_shared>>) dst(%arg10 : memref<128x16xf32, #tpu.memory_space<vmem>>)
      %dma_start3A_90 = arith.constant 0 : i32
      %dma_start3A_91 = tpu.memref_slice %arg8[%add3A_83, %dma_start3A_90] : memref<80x128xi32, #tpu.memory_space<vmem>> -> memref<1x128xi32, #tpu.memory_space<vmem>>
      %dma_start3A_92 = tpu.memref_squeeze %dma_start3A_91 : memref<1x128xi32, #tpu.memory_space<vmem>> -> memref<128xi32, #tpu.memory_space<vmem>>
      %dma_start3A_93 = arith.constant 0 : i32
      %dma_start3A_94 = arith.constant 0 : i32
      %dma_start3A_95 = tpu.memref_slice %arg14[%dma_start3A_93, %dma_start3A_94] : memref<10240x16xf32, #tpu.memory_space<vmem_shared>> -> memref<10240x16xf32, #tpu.memory_space<vmem_shared>>
      tpu.enqueue_indirect_dma source(%arg10 : memref<128x16xf32, #tpu.memory_space<vmem>>) target(%dma_start3A_95 : memref<10240x16xf32, #tpu.memory_space<vmem_shared>>) offsets(%dma_start3A_92 : memref<128xi32, #tpu.memory_space<vmem>>) semaphore(%arg20 : memref<!tpu.dma_semaphore, #tpu.memory_space<semaphore_mem>>) {add = true}
      %add3A_96 = arith.constant 4 : i32
      %add3A_97 = arith.addi %add3A_83, %add3A_96 : i32
      %sub3A_98 = arith.constant 1 : i32
      %sub3A_99 = arith.subi %add3A_97, %sub3A_98 : i32
      %lt3A_100 = arith.constant 80 : i32
      %lt3A_101 = arith.cmpi slt, %sub3A_99, %lt3A_100 : i32
      %convert_element_type3A_102 = arith.extui %lt3A_101 : i1 to i32
      %cond3A_103 = arith.constant 0 : i32
      %cond3A_104 = arith.cmpi ne, %convert_element_type3A_102, %cond3A_103 : i32
      scf.if %cond3A_104 {
        %ge3A = arith.constant 1 : i32
        %ge3A_155 = arith.cmpi sge, %add3A_83, %ge3A : i32
        %convert_element_type3A_156 = arith.extui %ge3A_155 : i1 to i32
        %cond3A_157 = arith.constant 0 : i32
        %cond3A_158 = arith.cmpi ne, %convert_element_type3A_156, %cond3A_157 : i32
        scf.if %cond3A_158 {
          %dma_wait3A_169 = arith.constant 0 : i32
          %dma_wait3A_170 = tpu.memref_slice %arg8[%add3A_83, %dma_wait3A_169] : memref<80x128xi32, #tpu.memory_space<vmem>> -> memref<1x128xi32, #tpu.memory_space<vmem>>
          %dma_wait3A_171 = tpu.memref_squeeze %dma_wait3A_170 : memref<1x128xi32, #tpu.memory_space<vmem>> -> memref<128xi32, #tpu.memory_space<vmem>>
          %dma_wait3A_172 = arith.constant 0 : i32
          %dma_wait3A_173 = arith.constant 0 : i32
          %dma_wait3A_174 = tpu.memref_slice %arg14[%dma_wait3A_172, %dma_wait3A_173] : memref<10240x16xf32, #tpu.memory_space<vmem_shared>> -> memref<10240x16xf32, #tpu.memory_space<vmem_shared>>
          tpu.wait_indirect_dma semaphore(%arg19 : memref<!tpu.dma_semaphore, #tpu.memory_space<semaphore_mem>>) src(%arg9 : memref<128x16xf32, #tpu.memory_space<vmem>>) dst(%dma_wait3A_174 : memref<10240x16xf32, #tpu.memory_space<vmem_shared>>)
        } else {
        }
        %add3A_159 = arith.constant 4 : i32
        %add3A_160 = arith.addi %add3A_83, %add3A_159 : i32
        %sub3A_161 = arith.constant 1 : i32
        %sub3A_162 = arith.subi %add3A_160, %sub3A_161 : i32
        %dma_start3A_163 = arith.constant 0 : i32
        %dma_start3A_164 = tpu.memref_slice %arg7[%sub3A_162, %dma_start3A_163] : memref<80x128xi32, #tpu.memory_space<vmem>> -> memref<1x128xi32, #tpu.memory_space<vmem>>
        %dma_start3A_165 = tpu.memref_squeeze %dma_start3A_164 : memref<1x128xi32, #tpu.memory_space<vmem>> -> memref<128xi32, #tpu.memory_space<vmem>>
        %dma_start3A_166 = arith.constant 0 : i32
        %dma_start3A_167 = arith.constant 0 : i32
        %dma_start3A_168 = tpu.memref_slice %arg13[%dma_start3A_166, %dma_start3A_167] : memref<10240x16xf32, #tpu.memory_space<vmem_shared>> -> memref<10240x16xf32, #tpu.memory_space<vmem_shared>>
        tpu.enqueue_indirect_dma source(%dma_start3A_168 : memref<10240x16xf32, #tpu.memory_space<vmem_shared>>) target(%arg9 : memref<128x16xf32, #tpu.memory_space<vmem>>) offsets(%dma_start3A_165 : memref<128xi32, #tpu.memory_space<vmem>>) semaphore(%arg15 : memref<!tpu.dma_semaphore, #tpu.memory_space<semaphore_mem>>)
      } else {
      }
      %mul3A_105 = arith.constant 4 : i32
      %mul3A_106 = arith.muli %scan3A_58, %mul3A_105 : i32
      %add3A_107 = arith.constant 2 : i32
      %add3A_108 = arith.addi %mul3A_106, %add3A_107 : i32
      %dma_wait3A_109 = arith.constant 0 : i32
      %dma_wait3A_110 = tpu.memref_slice %arg7[%add3A_108, %dma_wait3A_109] : memref<80x128xi32, #tpu.memory_space<vmem>> -> memref<1x128xi32, #tpu.memory_space<vmem>>
      %dma_wait3A_111 = tpu.memref_squeeze %dma_wait3A_110 : memref<1x128xi32, #tpu.memory_space<vmem>> -> memref<128xi32, #tpu.memory_space<vmem>>
      %dma_wait3A_112 = arith.constant 0 : i32
      %dma_wait3A_113 = arith.constant 0 : i32
      %dma_wait3A_114 = tpu.memref_slice %arg13[%dma_wait3A_112, %dma_wait3A_113] : memref<10240x16xf32, #tpu.memory_space<vmem_shared>> -> memref<10240x16xf32, #tpu.memory_space<vmem_shared>>
      tpu.wait_indirect_dma semaphore(%arg17 : memref<!tpu.dma_semaphore, #tpu.memory_space<semaphore_mem>>) src(%dma_wait3A_114 : memref<10240x16xf32, #tpu.memory_space<vmem_shared>>) dst(%arg11 : memref<128x16xf32, #tpu.memory_space<vmem>>)
      %dma_start3A_115 = arith.constant 0 : i32
      %dma_start3A_116 = tpu.memref_slice %arg8[%add3A_108, %dma_start3A_115] : memref<80x128xi32, #tpu.memory_space<vmem>> -> memref<1x128xi32, #tpu.memory_space<vmem>>
      %dma_start3A_117 = tpu.memref_squeeze %dma_start3A_116 : memref<1x128xi32, #tpu.memory_space<vmem>> -> memref<128xi32, #tpu.memory_space<vmem>>
      %dma_start3A_118 = arith.constant 0 : i32
      %dma_start3A_119 = arith.constant 0 : i32
      %dma_start3A_120 = tpu.memref_slice %arg14[%dma_start3A_118, %dma_start3A_119] : memref<10240x16xf32, #tpu.memory_space<vmem_shared>> -> memref<10240x16xf32, #tpu.memory_space<vmem_shared>>
      tpu.enqueue_indirect_dma source(%arg11 : memref<128x16xf32, #tpu.memory_space<vmem>>) target(%dma_start3A_120 : memref<10240x16xf32, #tpu.memory_space<vmem_shared>>) offsets(%dma_start3A_117 : memref<128xi32, #tpu.memory_space<vmem>>) semaphore(%arg21 : memref<!tpu.dma_semaphore, #tpu.memory_space<semaphore_mem>>) {add = true}
      %add3A_121 = arith.constant 4 : i32
      %add3A_122 = arith.addi %add3A_108, %add3A_121 : i32
      %sub3A_123 = arith.constant 1 : i32
      %sub3A_124 = arith.subi %add3A_122, %sub3A_123 : i32
      %lt3A_125 = arith.constant 80 : i32
      %lt3A_126 = arith.cmpi slt, %sub3A_124, %lt3A_125 : i32
      %convert_element_type3A_127 = arith.extui %lt3A_126 : i1 to i32
      %cond3A_128 = arith.constant 0 : i32
      %cond3A_129 = arith.cmpi ne, %convert_element_type3A_127, %cond3A_128 : i32
      scf.if %cond3A_129 {
        %ge3A = arith.constant 1 : i32
        %ge3A_155 = arith.cmpi sge, %add3A_108, %ge3A : i32
        %convert_element_type3A_156 = arith.extui %ge3A_155 : i1 to i32
        %cond3A_157 = arith.constant 0 : i32
        %cond3A_158 = arith.cmpi ne, %convert_element_type3A_156, %cond3A_157 : i32
        scf.if %cond3A_158 {
          %dma_wait3A_169 = arith.constant 0 : i32
          %dma_wait3A_170 = tpu.memref_slice %arg8[%add3A_108, %dma_wait3A_169] : memref<80x128xi32, #tpu.memory_space<vmem>> -> memref<1x128xi32, #tpu.memory_space<vmem>>
          %dma_wait3A_171 = tpu.memref_squeeze %dma_wait3A_170 : memref<1x128xi32, #tpu.memory_space<vmem>> -> memref<128xi32, #tpu.memory_space<vmem>>
          %dma_wait3A_172 = arith.constant 0 : i32
          %dma_wait3A_173 = arith.constant 0 : i32
          %dma_wait3A_174 = tpu.memref_slice %arg14[%dma_wait3A_172, %dma_wait3A_173] : memref<10240x16xf32, #tpu.memory_space<vmem_shared>> -> memref<10240x16xf32, #tpu.memory_space<vmem_shared>>
          tpu.wait_indirect_dma semaphore(%arg20 : memref<!tpu.dma_semaphore, #tpu.memory_space<semaphore_mem>>) src(%arg10 : memref<128x16xf32, #tpu.memory_space<vmem>>) dst(%dma_wait3A_174 : memref<10240x16xf32, #tpu.memory_space<vmem_shared>>)
        } else {
        }
        %add3A_159 = arith.constant 4 : i32
        %add3A_160 = arith.addi %add3A_108, %add3A_159 : i32
        %sub3A_161 = arith.constant 1 : i32
        %sub3A_162 = arith.subi %add3A_160, %sub3A_161 : i32
        %dma_start3A_163 = arith.constant 0 : i32
        %dma_start3A_164 = tpu.memref_slice %arg7[%sub3A_162, %dma_start3A_163] : memref<80x128xi32, #tpu.memory_space<vmem>> -> memref<1x128xi32, #tpu.memory_space<vmem>>
        %dma_start3A_165 = tpu.memref_squeeze %dma_start3A_164 : memref<1x128xi32, #tpu.memory_space<vmem>> -> memref<128xi32, #tpu.memory_space<vmem>>
        %dma_start3A_166 = arith.constant 0 : i32
        %dma_start3A_167 = arith.constant 0 : i32
        %dma_start3A_168 = tpu.memref_slice %arg13[%dma_start3A_166, %dma_start3A_167] : memref<10240x16xf32, #tpu.memory_space<vmem_shared>> -> memref<10240x16xf32, #tpu.memory_space<vmem_shared>>
        tpu.enqueue_indirect_dma source(%dma_start3A_168 : memref<10240x16xf32, #tpu.memory_space<vmem_shared>>) target(%arg10 : memref<128x16xf32, #tpu.memory_space<vmem>>) offsets(%dma_start3A_165 : memref<128xi32, #tpu.memory_space<vmem>>) semaphore(%arg16 : memref<!tpu.dma_semaphore, #tpu.memory_space<semaphore_mem>>)
      } else {
      }
      %mul3A_130 = arith.constant 4 : i32
      %mul3A_131 = arith.muli %scan3A_58, %mul3A_130 : i32
      %add3A_132 = arith.constant 3 : i32
      %add3A_133 = arith.addi %mul3A_131, %add3A_132 : i32
      %dma_wait3A_134 = arith.constant 0 : i32
      %dma_wait3A_135 = tpu.memref_slice %arg7[%add3A_133, %dma_wait3A_134] : memref<80x128xi32, #tpu.memory_space<vmem>> -> memref<1x128xi32, #tpu.memory_space<vmem>>
      %dma_wait3A_136 = tpu.memref_squeeze %dma_wait3A_135 : memref<1x128xi32, #tpu.memory_space<vmem>> -> memref<128xi32, #tpu.memory_space<vmem>>
      %dma_wait3A_137 = arith.constant 0 : i32
      %dma_wait3A_138 = arith.constant 0 : i32
      %dma_wait3A_139 = tpu.memref_slice %arg13[%dma_wait3A_137, %dma_wait3A_138] : memref<10240x16xf32, #tpu.memory_space<vmem_shared>> -> memref<10240x16xf32, #tpu.memory_space<vmem_shared>>
      tpu.wait_indirect_dma semaphore(%arg18 : memref<!tpu.dma_semaphore, #tpu.memory_space<semaphore_mem>>) src(%dma_wait3A_139 : memref<10240x16xf32, #tpu.memory_space<vmem_shared>>) dst(%arg12 : memref<128x16xf32, #tpu.memory_space<vmem>>)
      %dma_start3A_140 = arith.constant 0 : i32
      %dma_start3A_141 = tpu.memref_slice %arg8[%add3A_133, %dma_start3A_140] : memref<80x128xi32, #tpu.memory_space<vmem>> -> memref<1x128xi32, #tpu.memory_space<vmem>>
      %dma_start3A_142 = tpu.memref_squeeze %dma_start3A_141 : memref<1x128xi32, #tpu.memory_space<vmem>> -> memref<128xi32, #tpu.memory_space<vmem>>
      %dma_start3A_143 = arith.constant 0 : i32
      %dma_start3A_144 = arith.constant 0 : i32
      %dma_start3A_145 = tpu.memref_slice %arg14[%dma_start3A_143, %dma_start3A_144] : memref<10240x16xf32, #tpu.memory_space<vmem_shared>> -> memref<10240x16xf32, #tpu.memory_space<vmem_shared>>
      tpu.enqueue_indirect_dma source(%arg12 : memref<128x16xf32, #tpu.memory_space<vmem>>) target(%dma_start3A_145 : memref<10240x16xf32, #tpu.memory_space<vmem_shared>>) offsets(%dma_start3A_142 : memref<128xi32, #tpu.memory_space<vmem>>) semaphore(%arg22 : memref<!tpu.dma_semaphore, #tpu.memory_space<semaphore_mem>>) {add = true}
      %add3A_146 = arith.constant 4 : i32
      %add3A_147 = arith.addi %add3A_133, %add3A_146 : i32
      %sub3A_148 = arith.constant 1 : i32
      %sub3A_149 = arith.subi %add3A_147, %sub3A_148 : i32
      %lt3A_150 = arith.constant 80 : i32
      %lt3A_151 = arith.cmpi slt, %sub3A_149, %lt3A_150 : i32
      %convert_element_type3A_152 = arith.extui %lt3A_151 : i1 to i32
      %cond3A_153 = arith.constant 0 : i32
      %cond3A_154 = arith.cmpi ne, %convert_element_type3A_152, %cond3A_153 : i32
      scf.if %cond3A_154 {
        %ge3A = arith.constant 1 : i32
        %ge3A_155 = arith.cmpi sge, %add3A_133, %ge3A : i32
        %convert_element_type3A_156 = arith.extui %ge3A_155 : i1 to i32
        %cond3A_157 = arith.constant 0 : i32
        %cond3A_158 = arith.cmpi ne, %convert_element_type3A_156, %cond3A_157 : i32
        scf.if %cond3A_158 {
          %dma_wait3A_169 = arith.constant 0 : i32
          %dma_wait3A_170 = tpu.memref_slice %arg8[%add3A_133, %dma_wait3A_169] : memref<80x128xi32, #tpu.memory_space<vmem>> -> memref<1x128xi32, #tpu.memory_space<vmem>>
          %dma_wait3A_171 = tpu.memref_squeeze %dma_wait3A_170 : memref<1x128xi32, #tpu.memory_space<vmem>> -> memref<128xi32, #tpu.memory_space<vmem>>
          %dma_wait3A_172 = arith.constant 0 : i32
          %dma_wait3A_173 = arith.constant 0 : i32
          %dma_wait3A_174 = tpu.memref_slice %arg14[%dma_wait3A_172, %dma_wait3A_173] : memref<10240x16xf32, #tpu.memory_space<vmem_shared>> -> memref<10240x16xf32, #tpu.memory_space<vmem_shared>>
          tpu.wait_indirect_dma semaphore(%arg21 : memref<!tpu.dma_semaphore, #tpu.memory_space<semaphore_mem>>) src(%arg11 : memref<128x16xf32, #tpu.memory_space<vmem>>) dst(%dma_wait3A_174 : memref<10240x16xf32, #tpu.memory_space<vmem_shared>>)
        } else {
        }
        %add3A_159 = arith.constant 4 : i32
        %add3A_160 = arith.addi %add3A_133, %add3A_159 : i32
        %sub3A_161 = arith.constant 1 : i32
        %sub3A_162 = arith.subi %add3A_160, %sub3A_161 : i32
        %dma_start3A_163 = arith.constant 0 : i32
        %dma_start3A_164 = tpu.memref_slice %arg7[%sub3A_162, %dma_start3A_163] : memref<80x128xi32, #tpu.memory_space<vmem>> -> memref<1x128xi32, #tpu.memory_space<vmem>>
        %dma_start3A_165 = tpu.memref_squeeze %dma_start3A_164 : memref<1x128xi32, #tpu.memory_space<vmem>> -> memref<128xi32, #tpu.memory_space<vmem>>
        %dma_start3A_166 = arith.constant 0 : i32
        %dma_start3A_167 = arith.constant 0 : i32
        %dma_start3A_168 = tpu.memref_slice %arg13[%dma_start3A_166, %dma_start3A_167] : memref<10240x16xf32, #tpu.memory_space<vmem_shared>> -> memref<10240x16xf32, #tpu.memory_space<vmem_shared>>
        tpu.enqueue_indirect_dma source(%dma_start3A_168 : memref<10240x16xf32, #tpu.memory_space<vmem_shared>>) target(%arg11 : memref<128x16xf32, #tpu.memory_space<vmem>>) offsets(%dma_start3A_165 : memref<128xi32, #tpu.memory_space<vmem>>) semaphore(%arg17 : memref<!tpu.dma_semaphore, #tpu.memory_space<semaphore_mem>>)
      } else {
      }
    }
    %scan3A_29 = arith.constant 20 : i32
    %dma_wait3A = arith.constant 0 : i32
    %dma_wait3A_30 = arith.constant 0 : i32
    %dma_wait3A_31 = tpu.memref_slice %arg8[%dma_wait3A, %dma_wait3A_30] : memref<80x128xi32, #tpu.memory_space<vmem>> -> memref<1x128xi32, #tpu.memory_space<vmem>>
    %dma_wait3A_32 = tpu.memref_squeeze %dma_wait3A_31 : memref<1x128xi32, #tpu.memory_space<vmem>> -> memref<128xi32, #tpu.memory_space<vmem>>
    %dma_wait3A_33 = arith.constant 0 : i32
    %dma_wait3A_34 = arith.constant 0 : i32
    %dma_wait3A_35 = tpu.memref_slice %arg14[%dma_wait3A_33, %dma_wait3A_34] : memref<10240x16xf32, #tpu.memory_space<vmem_shared>> -> memref<10240x16xf32, #tpu.memory_space<vmem_shared>>
    tpu.wait_indirect_dma semaphore(%arg19 : memref<!tpu.dma_semaphore, #tpu.memory_space<semaphore_mem>>) src(%arg9 : memref<128x16xf32, #tpu.memory_space<vmem>>) dst(%dma_wait3A_35 : memref<10240x16xf32, #tpu.memory_space<vmem_shared>>)
    %dma_wait3A_36 = arith.constant 1 : i32
    %dma_wait3A_37 = arith.constant 0 : i32
    %dma_wait3A_38 = tpu.memref_slice %arg8[%dma_wait3A_36, %dma_wait3A_37] : memref<80x128xi32, #tpu.memory_space<vmem>> -> memref<1x128xi32, #tpu.memory_space<vmem>>
    %dma_wait3A_39 = tpu.memref_squeeze %dma_wait3A_38 : memref<1x128xi32, #tpu.memory_space<vmem>> -> memref<128xi32, #tpu.memory_space<vmem>>
    %dma_wait3A_40 = arith.constant 0 : i32
    %dma_wait3A_41 = arith.constant 0 : i32
    %dma_wait3A_42 = tpu.memref_slice %arg14[%dma_wait3A_40, %dma_wait3A_41] : memref<10240x16xf32, #tpu.memory_space<vmem_shared>> -> memref<10240x16xf32, #tpu.memory_space<vmem_shared>>
    tpu.wait_indirect_dma semaphore(%arg20 : memref<!tpu.dma_semaphore, #tpu.memory_space<semaphore_mem>>) src(%arg10 : memref<128x16xf32, #tpu.memory_space<vmem>>) dst(%dma_wait3A_42 : memref<10240x16xf32, #tpu.memory_space<vmem_shared>>)
    %dma_wait3A_43 = arith.constant 2 : i32
    %dma_wait3A_44 = arith.constant 0 : i32
    %dma_wait3A_45 = tpu.memref_slice %arg8[%dma_wait3A_43, %dma_wait3A_44] : memref<80x128xi32, #tpu.memory_space<vmem>> -> memref<1x128xi32, #tpu.memory_space<vmem>>
    %dma_wait3A_46 = tpu.memref_squeeze %dma_wait3A_45 : memref<1x128xi32, #tpu.memory_space<vmem>> -> memref<128xi32, #tpu.memory_space<vmem>>
    %dma_wait3A_47 = arith.constant 0 : i32
    %dma_wait3A_48 = arith.constant 0 : i32
    %dma_wait3A_49 = tpu.memref_slice %arg14[%dma_wait3A_47, %dma_wait3A_48] : memref<10240x16xf32, #tpu.memory_space<vmem_shared>> -> memref<10240x16xf32, #tpu.memory_space<vmem_shared>>
    tpu.wait_indirect_dma semaphore(%arg21 : memref<!tpu.dma_semaphore, #tpu.memory_space<semaphore_mem>>) src(%arg11 : memref<128x16xf32, #tpu.memory_space<vmem>>) dst(%dma_wait3A_49 : memref<10240x16xf32, #tpu.memory_space<vmem_shared>>)
    %dma_wait3A_50 = arith.constant 3 : i32
    %dma_wait3A_51 = arith.constant 0 : i32
    %dma_wait3A_52 = tpu.memref_slice %arg8[%dma_wait3A_50, %dma_wait3A_51] : memref<80x128xi32, #tpu.memory_space<vmem>> -> memref<1x128xi32, #tpu.memory_space<vmem>>
    %dma_wait3A_53 = tpu.memref_squeeze %dma_wait3A_52 : memref<1x128xi32, #tpu.memory_space<vmem>> -> memref<128xi32, #tpu.memory_space<vmem>>
    %dma_wait3A_54 = arith.constant 0 : i32
    %dma_wait3A_55 = arith.constant 0 : i32
    %dma_wait3A_56 = tpu.memref_slice %arg14[%dma_wait3A_54, %dma_wait3A_55] : memref<10240x16xf32, #tpu.memory_space<vmem_shared>> -> memref<10240x16xf32, #tpu.memory_space<vmem_shared>>
    tpu.wait_indirect_dma semaphore(%arg22 : memref<!tpu.dma_semaphore, #tpu.memory_space<semaphore_mem>>) src(%arg12 : memref<128x16xf32, #tpu.memory_space<vmem>>) dst(%dma_wait3A_56 : memref<10240x16xf32, #tpu.memory_space<vmem_shared>>)
    %barrier3A_57 = arith.constant 0 : index
    tpu.barrier barrier_id(%barrier3A_57)
    "tpu.region"() ({
      %run_scoped3A = tpu.sem_alloc : memref<!tpu.dma_semaphore, #tpu.memory_space<semaphore_mem>>
      %dma_start3A_58 = arith.constant 0 : i32
      %dma_start3A_59 = tpu.memref_slice %arg6[%arg0, %mul3A_2, %dma_start3A_58] : memref<2x10240x16xf32, #tpu.memory_space<hbm>> -> memref<1x640x16xf32, #tpu.memory_space<hbm>>
      %dma_start3A_60 = tpu.memref_squeeze %dma_start3A_59 : memref<1x640x16xf32, #tpu.memory_space<hbm>> -> memref<640x16xf32, #tpu.memory_space<hbm>>
      %dma_start3A_61 = arith.constant 0 : i32
      %dma_start3A_62 = tpu.memref_slice %arg14[%mul3A_2, %dma_start3A_61] : memref<10240x16xf32, #tpu.memory_space<vmem_shared>> -> memref<640x16xf32, #tpu.memory_space<vmem_shared>>
      tpu.enqueue_dma source(%dma_start3A_62 : memref<640x16xf32, #tpu.memory_space<vmem_shared>>) target(%dma_start3A_60 : memref<640x16xf32, #tpu.memory_space<hbm>>) target_semaphore(%run_scoped3A : memref<!tpu.dma_semaphore, #tpu.memory_space<semaphore_mem>>)
      %dma_wait3A_63 = arith.constant 0 : i32
      %dma_wait3A_64 = tpu.memref_slice %arg6[%arg0, %mul3A_2, %dma_wait3A_63] : memref<2x10240x16xf32, #tpu.memory_space<hbm>> -> memref<1x640x16xf32, #tpu.memory_space<hbm>>
      %dma_wait3A_65 = tpu.memref_squeeze %dma_wait3A_64 : memref<1x640x16xf32, #tpu.memory_space<hbm>> -> memref<640x16xf32, #tpu.memory_space<hbm>>
      %dma_wait3A_66 = arith.constant 0 : i32
      %dma_wait3A_67 = tpu.memref_slice %arg14[%mul3A_2, %dma_wait3A_66] : memref<10240x16xf32, #tpu.memory_space<vmem_shared>> -> memref<640x16xf32, #tpu.memory_space<vmem_shared>>
      tpu.wait_dma2 semaphore(%run_scoped3A : memref<!tpu.dma_semaphore, #tpu.memory_space<semaphore_mem>>) src(%dma_wait3A_67 : memref<640x16xf32, #tpu.memory_space<vmem_shared>>) dst(%dma_wait3A_65 : memref<640x16xf32, #tpu.memory_space<hbm>>)
      tpu.yield
    }) : () -> ()
    return
  }
}

#map = affine_map<(d0, d1) -> (0, 0)>
#map1 = affine_map<(d0, d1) -> (0, 0, 0)>
module attributes {stable_mosaic.version = 14 : i64} {
  func.func @deg(%arg0: i32, %arg1: i32, %arg2: memref<64x16xf32, #tpu.memory_space<hbm>>, %arg3: memref<32x160x64xi32, #tpu.memory_space<hbm>>, %arg4: memref<10240x16xf32, #tpu.memory_space<hbm>>, %arg5: memref<2x10240x8xf32, #tpu.memory_space<hbm>>, %arg6: memref<160x64xi32, #tpu.memory_space<vmem>>, %arg7: memref<64x16xf32, #tpu.memory_space<vmem>>, %arg8: memref<10240x16xf32, #tpu.memory_space<vmem_shared>>, %arg9: memref<!tpu.dma_semaphore, #tpu.memory_space<semaphore_mem>>) attributes {dimension_semantics = [#tpu.dimension_semantics<core_parallel>, #tpu.dimension_semantics<subcore_parallel>], iteration_bounds = array<i64: 2, 16>, scalar_prefetch = 0 : i64, scratch_operands = 4 : i64, tpu.core_type = #tpu.core_type<sc_vector_subcore>, window_params = [{transform_indices = #map}, {transform_indices = #map1}, {transform_indices = #map}, {transform_indices = #map1}]} {
    %mul3A = arith.constant 2 : i32
    %mul3A_0 = arith.muli %arg1, %mul3A : i32
    %add3A = arith.addi %mul3A_0, %arg0 : i32
    %mul3A_1 = arith.constant 640 : i32
    %mul3A_2 = arith.muli %arg1, %mul3A_1 : i32
    "tpu.region"() ({
      %run_scoped3A = tpu.sem_alloc : memref<!tpu.dma_semaphore, #tpu.memory_space<semaphore_mem>>
      %dma_start3A = arith.constant 0 : i32
      %dma_start3A_15 = tpu.memref_slice %arg8[%mul3A_2, %dma_start3A] : memref<10240x16xf32, #tpu.memory_space<vmem_shared>> -> memref<640x16xf32, #tpu.memory_space<vmem_shared>>
      %dma_start3A_16 = arith.constant 0 : i32
      %dma_start3A_17 = tpu.memref_slice %arg4[%mul3A_2, %dma_start3A_16] : memref<10240x16xf32, #tpu.memory_space<hbm>> -> memref<640x16xf32, #tpu.memory_space<hbm>>
      tpu.enqueue_dma source(%dma_start3A_17 : memref<640x16xf32, #tpu.memory_space<hbm>>) target(%dma_start3A_15 : memref<640x16xf32, #tpu.memory_space<vmem_shared>>) target_semaphore(%run_scoped3A : memref<!tpu.dma_semaphore, #tpu.memory_space<semaphore_mem>>)
      %dma_wait3A = arith.constant 0 : i32
      %dma_wait3A_18 = tpu.memref_slice %arg8[%mul3A_2, %dma_wait3A] : memref<10240x16xf32, #tpu.memory_space<vmem_shared>> -> memref<640x16xf32, #tpu.memory_space<vmem_shared>>
      %dma_wait3A_19 = arith.constant 0 : i32
      %dma_wait3A_20 = tpu.memref_slice %arg4[%mul3A_2, %dma_wait3A_19] : memref<10240x16xf32, #tpu.memory_space<hbm>> -> memref<640x16xf32, #tpu.memory_space<hbm>>
      tpu.wait_dma2 semaphore(%run_scoped3A : memref<!tpu.dma_semaphore, #tpu.memory_space<semaphore_mem>>) src(%dma_wait3A_20 : memref<640x16xf32, #tpu.memory_space<hbm>>) dst(%dma_wait3A_18 : memref<640x16xf32, #tpu.memory_space<vmem_shared>>)
      tpu.yield
    }) : () -> ()
    "tpu.region"() ({
      %run_scoped3A = tpu.sem_alloc : memref<!tpu.dma_semaphore, #tpu.memory_space<semaphore_mem>>
      %dma_start3A = arith.constant 0 : i32
      %dma_start3A_15 = arith.constant 0 : i32
      %dma_start3A_16 = tpu.memref_slice %arg3[%add3A, %dma_start3A, %dma_start3A_15] : memref<32x160x64xi32, #tpu.memory_space<hbm>> -> memref<1x160x64xi32, #tpu.memory_space<hbm>>
      %dma_start3A_17 = tpu.memref_squeeze %dma_start3A_16 : memref<1x160x64xi32, #tpu.memory_space<hbm>> -> memref<160x64xi32, #tpu.memory_space<hbm>>
      %dma_start3A_18 = arith.constant 0 : i32
      %dma_start3A_19 = arith.constant 0 : i32
      %dma_start3A_20 = tpu.memref_slice %arg3[%add3A, %dma_start3A_18, %dma_start3A_19] : memref<32x160x64xi32, #tpu.memory_space<hbm>> -> memref<1x160x64xi32, #tpu.memory_space<hbm>>
      %dma_start3A_21 = tpu.memref_squeeze %dma_start3A_20 : memref<1x160x64xi32, #tpu.memory_space<hbm>> -> memref<160x64xi32, #tpu.memory_space<hbm>>
      tpu.enqueue_dma source(%dma_start3A_21 : memref<160x64xi32, #tpu.memory_space<hbm>>) target(%arg6 : memref<160x64xi32, #tpu.memory_space<vmem>>) target_semaphore(%run_scoped3A : memref<!tpu.dma_semaphore, #tpu.memory_space<semaphore_mem>>)
      %dma_wait3A = arith.constant 0 : i32
      %dma_wait3A_22 = arith.constant 0 : i32
      %dma_wait3A_23 = tpu.memref_slice %arg3[%add3A, %dma_wait3A, %dma_wait3A_22] : memref<32x160x64xi32, #tpu.memory_space<hbm>> -> memref<1x160x64xi32, #tpu.memory_space<hbm>>
      %dma_wait3A_24 = tpu.memref_squeeze %dma_wait3A_23 : memref<1x160x64xi32, #tpu.memory_space<hbm>> -> memref<160x64xi32, #tpu.memory_space<hbm>>
      %dma_wait3A_25 = arith.constant 0 : i32
      %dma_wait3A_26 = arith.constant 0 : i32
      %dma_wait3A_27 = tpu.memref_slice %arg3[%add3A, %dma_wait3A_25, %dma_wait3A_26] : memref<32x160x64xi32, #tpu.memory_space<hbm>> -> memref<1x160x64xi32, #tpu.memory_space<hbm>>
      %dma_wait3A_28 = tpu.memref_squeeze %dma_wait3A_27 : memref<1x160x64xi32, #tpu.memory_space<hbm>> -> memref<160x64xi32, #tpu.memory_space<hbm>>
      tpu.wait_dma2 semaphore(%run_scoped3A : memref<!tpu.dma_semaphore, #tpu.memory_space<semaphore_mem>>) src(%dma_wait3A_28 : memref<160x64xi32, #tpu.memory_space<hbm>>) dst(%arg6 : memref<160x64xi32, #tpu.memory_space<vmem>>)
      tpu.yield
    }) : () -> ()
    "tpu.region"() ({
      %run_scoped3A = tpu.sem_alloc : memref<!tpu.dma_semaphore, #tpu.memory_space<semaphore_mem>>
      tpu.enqueue_dma source(%arg2 : memref<64x16xf32, #tpu.memory_space<hbm>>) target(%arg7 : memref<64x16xf32, #tpu.memory_space<vmem>>) target_semaphore(%run_scoped3A : memref<!tpu.dma_semaphore, #tpu.memory_space<semaphore_mem>>)
      tpu.wait_dma2 semaphore(%run_scoped3A : memref<!tpu.dma_semaphore, #tpu.memory_space<semaphore_mem>>) src(%arg2 : memref<64x16xf32, #tpu.memory_space<hbm>>) dst(%arg7 : memref<64x16xf32, #tpu.memory_space<vmem>>)
      tpu.yield
    }) : () -> ()
    %barrier3A = arith.constant 0 : index
    tpu.barrier barrier_id(%barrier3A)
    %scan3A = arith.constant 0 : i32
    %scan3A_3 = arith.constant 0 : i32
    %scan3A_4 = arith.constant 160 : i32
    %scan3A_5 = arith.addi %scan3A_3, %scan3A_4 : i32
    %scan3A_6 = arith.constant 1 : i32
    scf.for %scan3A_15 = %scan3A_3 to %scan3A_5 step %scan3A_6  : i32 {
      %dma_start3A = arith.constant 0 : i32
      %dma_start3A_16 = tpu.memref_slice %arg6[%scan3A_15, %dma_start3A] : memref<160x64xi32, #tpu.memory_space<vmem>> -> memref<1x64xi32, #tpu.memory_space<vmem>>
      %dma_start3A_17 = tpu.memref_squeeze %dma_start3A_16 : memref<1x64xi32, #tpu.memory_space<vmem>> -> memref<64xi32, #tpu.memory_space<vmem>>
      %dma_start3A_18 = arith.constant 0 : i32
      %dma_start3A_19 = arith.constant 0 : i32
      %dma_start3A_20 = tpu.memref_slice %arg8[%dma_start3A_18, %dma_start3A_19] : memref<10240x16xf32, #tpu.memory_space<vmem_shared>> -> memref<10240x16xf32, #tpu.memory_space<vmem_shared>>
      tpu.enqueue_indirect_dma source(%arg7 : memref<64x16xf32, #tpu.memory_space<vmem>>) target(%dma_start3A_20 : memref<10240x16xf32, #tpu.memory_space<vmem_shared>>) offsets(%dma_start3A_17 : memref<64xi32, #tpu.memory_space<vmem>>) semaphore(%arg9 : memref<!tpu.dma_semaphore, #tpu.memory_space<semaphore_mem>>) {add = true}
    }
    %scan3A_7 = arith.constant 160 : i32
    %scan3A_8 = arith.constant 0 : i32
    %scan3A_9 = arith.constant 0 : i32
    %scan3A_10 = arith.constant 160 : i32
    %scan3A_11 = arith.addi %scan3A_9, %scan3A_10 : i32
    %scan3A_12 = arith.constant 1 : i32
    scf.for %scan3A_15 = %scan3A_9 to %scan3A_11 step %scan3A_12  : i32 {
      %dma_wait3A = arith.constant 0 : i32
      %dma_wait3A_16 = tpu.memref_slice %arg6[%scan3A_15, %dma_wait3A] : memref<160x64xi32, #tpu.memory_space<vmem>> -> memref<1x64xi32, #tpu.memory_space<vmem>>
      %dma_wait3A_17 = tpu.memref_squeeze %dma_wait3A_16 : memref<1x64xi32, #tpu.memory_space<vmem>> -> memref<64xi32, #tpu.memory_space<vmem>>
      %dma_wait3A_18 = arith.constant 0 : i32
      %dma_wait3A_19 = arith.constant 0 : i32
      %dma_wait3A_20 = tpu.memref_slice %arg8[%dma_wait3A_18, %dma_wait3A_19] : memref<10240x16xf32, #tpu.memory_space<vmem_shared>> -> memref<10240x16xf32, #tpu.memory_space<vmem_shared>>
      tpu.wait_indirect_dma semaphore(%arg9 : memref<!tpu.dma_semaphore, #tpu.memory_space<semaphore_mem>>) src(%arg7 : memref<64x16xf32, #tpu.memory_space<vmem>>) dst(%dma_wait3A_20 : memref<10240x16xf32, #tpu.memory_space<vmem_shared>>)
    }
    %scan3A_13 = arith.constant 160 : i32
    %barrier3A_14 = arith.constant 0 : index
    tpu.barrier barrier_id(%barrier3A_14)
    "tpu.region"() ({
      %run_scoped3A = tpu.sem_alloc : memref<!tpu.dma_semaphore, #tpu.memory_space<semaphore_mem>>
      %dma_start3A = arith.constant 0 : i32
      %dma_start3A_15 = tpu.memref_slice %arg5[%arg0, %mul3A_2, %dma_start3A] : memref<2x10240x8xf32, #tpu.memory_space<hbm>> -> memref<1x640x8xf32, #tpu.memory_space<hbm>>
      %dma_start3A_16 = tpu.memref_squeeze %dma_start3A_15 : memref<1x640x8xf32, #tpu.memory_space<hbm>> -> memref<640x8xf32, #tpu.memory_space<hbm>>
      %dma_start3A_17 = arith.constant 0 : i32
      %dma_start3A_18 = tpu.memref_slice %arg8[%mul3A_2, %dma_start3A_17] : memref<10240x16xf32, #tpu.memory_space<vmem_shared>> -> memref<640x8xf32, #tpu.memory_space<vmem_shared>>
      tpu.enqueue_dma source(%dma_start3A_18 : memref<640x8xf32, #tpu.memory_space<vmem_shared>>) target(%dma_start3A_16 : memref<640x8xf32, #tpu.memory_space<hbm>>) target_semaphore(%run_scoped3A : memref<!tpu.dma_semaphore, #tpu.memory_space<semaphore_mem>>)
      %dma_wait3A = arith.constant 0 : i32
      %dma_wait3A_19 = tpu.memref_slice %arg5[%arg0, %mul3A_2, %dma_wait3A] : memref<2x10240x8xf32, #tpu.memory_space<hbm>> -> memref<1x640x8xf32, #tpu.memory_space<hbm>>
      %dma_wait3A_20 = tpu.memref_squeeze %dma_wait3A_19 : memref<1x640x8xf32, #tpu.memory_space<hbm>> -> memref<640x8xf32, #tpu.memory_space<hbm>>
      %dma_wait3A_21 = arith.constant 0 : i32
      %dma_wait3A_22 = tpu.memref_slice %arg8[%mul3A_2, %dma_wait3A_21] : memref<10240x16xf32, #tpu.memory_space<vmem_shared>> -> memref<640x8xf32, #tpu.memory_space<vmem_shared>>
      tpu.wait_dma2 semaphore(%run_scoped3A : memref<!tpu.dma_semaphore, #tpu.memory_space<semaphore_mem>>) src(%dma_wait3A_22 : memref<640x8xf32, #tpu.memory_space<vmem_shared>>) dst(%dma_wait3A_20 : memref<640x8xf32, #tpu.memory_space<hbm>>)
      tpu.yield
    }) : () -> ()
    return
  }
}

#map = affine_map<(d0, d1) -> (0, 0)>
#map1 = affine_map<(d0, d1) -> (0, 0, 0)>
module attributes {stable_mosaic.version = 14 : i64} {
  func.func @prop(%arg0: i32, %arg1: i32, %arg2: memref<10000x128xf32, #tpu.memory_space<hbm>>, %arg3: memref<32x160x64xi32, #tpu.memory_space<hbm>>, %arg4: memref<32x160x64xi32, #tpu.memory_space<hbm>>, %arg5: memref<10240x64xf32, #tpu.memory_space<hbm>>, %arg6: memref<2x10240x128xf32, #tpu.memory_space<hbm>>, %arg7: memref<160x64xi32, #tpu.memory_space<vmem>>, %arg8: memref<160x64xi32, #tpu.memory_space<vmem>>, %arg9: memref<64x64xf32, #tpu.memory_space<vmem>>, %arg10: memref<64x64xf32, #tpu.memory_space<vmem>>, %arg11: memref<64x64xf32, #tpu.memory_space<vmem>>, %arg12: memref<64x64xf32, #tpu.memory_space<vmem>>, %arg13: memref<10240x64xf32, #tpu.memory_space<vmem_shared>>, %arg14: memref<10240x64xf32, #tpu.memory_space<vmem_shared>>, %arg15: memref<!tpu.dma_semaphore, #tpu.memory_space<semaphore_mem>>, %arg16: memref<!tpu.dma_semaphore, #tpu.memory_space<semaphore_mem>>, %arg17: memref<!tpu.dma_semaphore, #tpu.memory_space<semaphore_mem>>, %arg18: memref<!tpu.dma_semaphore, #tpu.memory_space<semaphore_mem>>, %arg19: memref<!tpu.dma_semaphore, #tpu.memory_space<semaphore_mem>>, %arg20: memref<!tpu.dma_semaphore, #tpu.memory_space<semaphore_mem>>, %arg21: memref<!tpu.dma_semaphore, #tpu.memory_space<semaphore_mem>>, %arg22: memref<!tpu.dma_semaphore, #tpu.memory_space<semaphore_mem>>) attributes {dimension_semantics = [#tpu.dimension_semantics<core_parallel>, #tpu.dimension_semantics<subcore_parallel>], iteration_bounds = array<i64: 2, 16>, scalar_prefetch = 0 : i64, scratch_operands = 16 : i64, tpu.core_type = #tpu.core_type<sc_vector_subcore>, window_params = [{transform_indices = #map}, {transform_indices = #map1}, {transform_indices = #map1}, {transform_indices = #map}, {transform_indices = #map1}]} {
    %mul3A = arith.constant 2 : i32
    %mul3A_0 = arith.muli %arg1, %mul3A : i32
    %add3A = arith.addi %mul3A_0, %arg0 : i32
    %mul3A_1 = arith.constant 640 : i32
    %mul3A_2 = arith.muli %arg1, %mul3A_1 : i32
    "tpu.region"() ({
      %run_scoped3A = tpu.sem_alloc : memref<!tpu.dma_semaphore, #tpu.memory_space<semaphore_mem>>
      %dma_start3A_115 = arith.constant 0 : i32
      %dma_start3A_116 = arith.constant 0 : i32
      %dma_start3A_117 = tpu.memref_slice %arg3[%add3A, %dma_start3A_115, %dma_start3A_116] : memref<32x160x64xi32, #tpu.memory_space<hbm>> -> memref<1x160x64xi32, #tpu.memory_space<hbm>>
      %dma_start3A_118 = tpu.memref_squeeze %dma_start3A_117 : memref<1x160x64xi32, #tpu.memory_space<hbm>> -> memref<160x64xi32, #tpu.memory_space<hbm>>
      %dma_start3A_119 = arith.constant 0 : i32
      %dma_start3A_120 = arith.constant 0 : i32
      %dma_start3A_121 = tpu.memref_slice %arg3[%add3A, %dma_start3A_119, %dma_start3A_120] : memref<32x160x64xi32, #tpu.memory_space<hbm>> -> memref<1x160x64xi32, #tpu.memory_space<hbm>>
      %dma_start3A_122 = tpu.memref_squeeze %dma_start3A_121 : memref<1x160x64xi32, #tpu.memory_space<hbm>> -> memref<160x64xi32, #tpu.memory_space<hbm>>
      tpu.enqueue_dma source(%dma_start3A_122 : memref<160x64xi32, #tpu.memory_space<hbm>>) target(%arg7 : memref<160x64xi32, #tpu.memory_space<vmem>>) target_semaphore(%run_scoped3A : memref<!tpu.dma_semaphore, #tpu.memory_space<semaphore_mem>>)
      %dma_wait3A_123 = arith.constant 0 : i32
      %dma_wait3A_124 = arith.constant 0 : i32
      %dma_wait3A_125 = tpu.memref_slice %arg3[%add3A, %dma_wait3A_123, %dma_wait3A_124] : memref<32x160x64xi32, #tpu.memory_space<hbm>> -> memref<1x160x64xi32, #tpu.memory_space<hbm>>
      %dma_wait3A_126 = tpu.memref_squeeze %dma_wait3A_125 : memref<1x160x64xi32, #tpu.memory_space<hbm>> -> memref<160x64xi32, #tpu.memory_space<hbm>>
      %dma_wait3A_127 = arith.constant 0 : i32
      %dma_wait3A_128 = arith.constant 0 : i32
      %dma_wait3A_129 = tpu.memref_slice %arg3[%add3A, %dma_wait3A_127, %dma_wait3A_128] : memref<32x160x64xi32, #tpu.memory_space<hbm>> -> memref<1x160x64xi32, #tpu.memory_space<hbm>>
      %dma_wait3A_130 = tpu.memref_squeeze %dma_wait3A_129 : memref<1x160x64xi32, #tpu.memory_space<hbm>> -> memref<160x64xi32, #tpu.memory_space<hbm>>
      tpu.wait_dma2 semaphore(%run_scoped3A : memref<!tpu.dma_semaphore, #tpu.memory_space<semaphore_mem>>) src(%dma_wait3A_130 : memref<160x64xi32, #tpu.memory_space<hbm>>) dst(%arg7 : memref<160x64xi32, #tpu.memory_space<vmem>>)
      tpu.yield
    }) : () -> ()
    "tpu.region"() ({
      %run_scoped3A = tpu.sem_alloc : memref<!tpu.dma_semaphore, #tpu.memory_space<semaphore_mem>>
      %dma_start3A_115 = arith.constant 0 : i32
      %dma_start3A_116 = arith.constant 0 : i32
      %dma_start3A_117 = tpu.memref_slice %arg4[%add3A, %dma_start3A_115, %dma_start3A_116] : memref<32x160x64xi32, #tpu.memory_space<hbm>> -> memref<1x160x64xi32, #tpu.memory_space<hbm>>
      %dma_start3A_118 = tpu.memref_squeeze %dma_start3A_117 : memref<1x160x64xi32, #tpu.memory_space<hbm>> -> memref<160x64xi32, #tpu.memory_space<hbm>>
      %dma_start3A_119 = arith.constant 0 : i32
      %dma_start3A_120 = arith.constant 0 : i32
      %dma_start3A_121 = tpu.memref_slice %arg4[%add3A, %dma_start3A_119, %dma_start3A_120] : memref<32x160x64xi32, #tpu.memory_space<hbm>> -> memref<1x160x64xi32, #tpu.memory_space<hbm>>
      %dma_start3A_122 = tpu.memref_squeeze %dma_start3A_121 : memref<1x160x64xi32, #tpu.memory_space<hbm>> -> memref<160x64xi32, #tpu.memory_space<hbm>>
      tpu.enqueue_dma source(%dma_start3A_122 : memref<160x64xi32, #tpu.memory_space<hbm>>) target(%arg8 : memref<160x64xi32, #tpu.memory_space<vmem>>) target_semaphore(%run_scoped3A : memref<!tpu.dma_semaphore, #tpu.memory_space<semaphore_mem>>)
      %dma_wait3A_123 = arith.constant 0 : i32
      %dma_wait3A_124 = arith.constant 0 : i32
      %dma_wait3A_125 = tpu.memref_slice %arg4[%add3A, %dma_wait3A_123, %dma_wait3A_124] : memref<32x160x64xi32, #tpu.memory_space<hbm>> -> memref<1x160x64xi32, #tpu.memory_space<hbm>>
      %dma_wait3A_126 = tpu.memref_squeeze %dma_wait3A_125 : memref<1x160x64xi32, #tpu.memory_space<hbm>> -> memref<160x64xi32, #tpu.memory_space<hbm>>
      %dma_wait3A_127 = arith.constant 0 : i32
      %dma_wait3A_128 = arith.constant 0 : i32
      %dma_wait3A_129 = tpu.memref_slice %arg4[%add3A, %dma_wait3A_127, %dma_wait3A_128] : memref<32x160x64xi32, #tpu.memory_space<hbm>> -> memref<1x160x64xi32, #tpu.memory_space<hbm>>
      %dma_wait3A_130 = tpu.memref_squeeze %dma_wait3A_129 : memref<1x160x64xi32, #tpu.memory_space<hbm>> -> memref<160x64xi32, #tpu.memory_space<hbm>>
      tpu.wait_dma2 semaphore(%run_scoped3A : memref<!tpu.dma_semaphore, #tpu.memory_space<semaphore_mem>>) src(%dma_wait3A_130 : memref<160x64xi32, #tpu.memory_space<hbm>>) dst(%arg8 : memref<160x64xi32, #tpu.memory_space<vmem>>)
      tpu.yield
    }) : () -> ()
    %mul3A_3 = arith.constant 625 : i32
    %mul3A_4 = arith.muli %arg1, %mul3A_3 : i32
    "tpu.region"() ({
      %run_scoped3A = tpu.sem_alloc : memref<!tpu.dma_semaphore, #tpu.memory_space<semaphore_mem>>
      %dma_start3A_115 = arith.constant 0 : i32
      %dma_start3A_116 = tpu.memref_slice %arg13[%mul3A_4, %dma_start3A_115] : memref<10240x64xf32, #tpu.memory_space<vmem_shared>> -> memref<625x64xf32, #tpu.memory_space<vmem_shared>>
      %dma_start3A_117 = arith.constant 0 : i32
      %dma_start3A_118 = tpu.memref_slice %arg2[%mul3A_4, %dma_start3A_117] : memref<10000x128xf32, #tpu.memory_space<hbm>> -> memref<625x64xf32, #tpu.memory_space<hbm>>
      tpu.enqueue_dma source(%dma_start3A_118 : memref<625x64xf32, #tpu.memory_space<hbm>>) target(%dma_start3A_116 : memref<625x64xf32, #tpu.memory_space<vmem_shared>>) target_semaphore(%run_scoped3A : memref<!tpu.dma_semaphore, #tpu.memory_space<semaphore_mem>>)
      %dma_wait3A_119 = arith.constant 0 : i32
      %dma_wait3A_120 = tpu.memref_slice %arg13[%mul3A_4, %dma_wait3A_119] : memref<10240x64xf32, #tpu.memory_space<vmem_shared>> -> memref<625x64xf32, #tpu.memory_space<vmem_shared>>
      %dma_wait3A_121 = arith.constant 0 : i32
      %dma_wait3A_122 = tpu.memref_slice %arg2[%mul3A_4, %dma_wait3A_121] : memref<10000x128xf32, #tpu.memory_space<hbm>> -> memref<625x64xf32, #tpu.memory_space<hbm>>
      tpu.wait_dma2 semaphore(%run_scoped3A : memref<!tpu.dma_semaphore, #tpu.memory_space<semaphore_mem>>) src(%dma_wait3A_122 : memref<625x64xf32, #tpu.memory_space<hbm>>) dst(%dma_wait3A_120 : memref<625x64xf32, #tpu.memory_space<vmem_shared>>)
      tpu.yield
    }) : () -> ()
    "tpu.region"() ({
      %run_scoped3A = tpu.sem_alloc : memref<!tpu.dma_semaphore, #tpu.memory_space<semaphore_mem>>
      %dma_start3A_115 = arith.constant 0 : i32
      %dma_start3A_116 = tpu.memref_slice %arg14[%mul3A_2, %dma_start3A_115] : memref<10240x64xf32, #tpu.memory_space<vmem_shared>> -> memref<640x64xf32, #tpu.memory_space<vmem_shared>>
      %dma_start3A_117 = arith.constant 0 : i32
      %dma_start3A_118 = tpu.memref_slice %arg5[%mul3A_2, %dma_start3A_117] : memref<10240x64xf32, #tpu.memory_space<hbm>> -> memref<640x64xf32, #tpu.memory_space<hbm>>
      tpu.enqueue_dma source(%dma_start3A_118 : memref<640x64xf32, #tpu.memory_space<hbm>>) target(%dma_start3A_116 : memref<640x64xf32, #tpu.memory_space<vmem_shared>>) target_semaphore(%run_scoped3A : memref<!tpu.dma_semaphore, #tpu.memory_space<semaphore_mem>>)
      %dma_wait3A_119 = arith.constant 0 : i32
      %dma_wait3A_120 = tpu.memref_slice %arg14[%mul3A_2, %dma_wait3A_119] : memref<10240x64xf32, #tpu.memory_space<vmem_shared>> -> memref<640x64xf32, #tpu.memory_space<vmem_shared>>
      %dma_wait3A_121 = arith.constant 0 : i32
      %dma_wait3A_122 = tpu.memref_slice %arg5[%mul3A_2, %dma_wait3A_121] : memref<10240x64xf32, #tpu.memory_space<hbm>> -> memref<640x64xf32, #tpu.memory_space<hbm>>
      tpu.wait_dma2 semaphore(%run_scoped3A : memref<!tpu.dma_semaphore, #tpu.memory_space<semaphore_mem>>) src(%dma_wait3A_122 : memref<640x64xf32, #tpu.memory_space<hbm>>) dst(%dma_wait3A_120 : memref<640x64xf32, #tpu.memory_space<vmem_shared>>)
      tpu.yield
    }) : () -> ()
    %barrier3A = arith.constant 0 : index
    tpu.barrier barrier_id(%barrier3A)
    %dma_start3A = arith.constant 0 : i32
    %dma_start3A_5 = arith.constant 0 : i32
    %dma_start3A_6 = tpu.memref_slice %arg7[%dma_start3A, %dma_start3A_5] : memref<160x64xi32, #tpu.memory_space<vmem>> -> memref<1x64xi32, #tpu.memory_space<vmem>>
    %dma_start3A_7 = tpu.memref_squeeze %dma_start3A_6 : memref<1x64xi32, #tpu.memory_space<vmem>> -> memref<64xi32, #tpu.memory_space<vmem>>
    %dma_start3A_8 = arith.constant 0 : i32
    %dma_start3A_9 = arith.constant 0 : i32
    %dma_start3A_10 = tpu.memref_slice %arg13[%dma_start3A_8, %dma_start3A_9] : memref<10240x64xf32, #tpu.memory_space<vmem_shared>> -> memref<10240x64xf32, #tpu.memory_space<vmem_shared>>
    tpu.enqueue_indirect_dma source(%dma_start3A_10 : memref<10240x64xf32, #tpu.memory_space<vmem_shared>>) target(%arg9 : memref<64x64xf32, #tpu.memory_space<vmem>>) offsets(%dma_start3A_7 : memref<64xi32, #tpu.memory_space<vmem>>) semaphore(%arg15 : memref<!tpu.dma_semaphore, #tpu.memory_space<semaphore_mem>>)
    %dma_start3A_11 = arith.constant 1 : i32
    %dma_start3A_12 = arith.constant 0 : i32
    %dma_start3A_13 = tpu.memref_slice %arg7[%dma_start3A_11, %dma_start3A_12] : memref<160x64xi32, #tpu.memory_space<vmem>> -> memref<1x64xi32, #tpu.memory_space<vmem>>
    %dma_start3A_14 = tpu.memref_squeeze %dma_start3A_13 : memref<1x64xi32, #tpu.memory_space<vmem>> -> memref<64xi32, #tpu.memory_space<vmem>>
    %dma_start3A_15 = arith.constant 0 : i32
    %dma_start3A_16 = arith.constant 0 : i32
    %dma_start3A_17 = tpu.memref_slice %arg13[%dma_start3A_15, %dma_start3A_16] : memref<10240x64xf32, #tpu.memory_space<vmem_shared>> -> memref<10240x64xf32, #tpu.memory_space<vmem_shared>>
    tpu.enqueue_indirect_dma source(%dma_start3A_17 : memref<10240x64xf32, #tpu.memory_space<vmem_shared>>) target(%arg10 : memref<64x64xf32, #tpu.memory_space<vmem>>) offsets(%dma_start3A_14 : memref<64xi32, #tpu.memory_space<vmem>>) semaphore(%arg16 : memref<!tpu.dma_semaphore, #tpu.memory_space<semaphore_mem>>)
    %dma_start3A_18 = arith.constant 2 : i32
    %dma_start3A_19 = arith.constant 0 : i32
    %dma_start3A_20 = tpu.memref_slice %arg7[%dma_start3A_18, %dma_start3A_19] : memref<160x64xi32, #tpu.memory_space<vmem>> -> memref<1x64xi32, #tpu.memory_space<vmem>>
    %dma_start3A_21 = tpu.memref_squeeze %dma_start3A_20 : memref<1x64xi32, #tpu.memory_space<vmem>> -> memref<64xi32, #tpu.memory_space<vmem>>
    %dma_start3A_22 = arith.constant 0 : i32
    %dma_start3A_23 = arith.constant 0 : i32
    %dma_start3A_24 = tpu.memref_slice %arg13[%dma_start3A_22, %dma_start3A_23] : memref<10240x64xf32, #tpu.memory_space<vmem_shared>> -> memref<10240x64xf32, #tpu.memory_space<vmem_shared>>
    tpu.enqueue_indirect_dma source(%dma_start3A_24 : memref<10240x64xf32, #tpu.memory_space<vmem_shared>>) target(%arg11 : memref<64x64xf32, #tpu.memory_space<vmem>>) offsets(%dma_start3A_21 : memref<64xi32, #tpu.memory_space<vmem>>) semaphore(%arg17 : memref<!tpu.dma_semaphore, #tpu.memory_space<semaphore_mem>>)
    %scan3A = arith.constant 0 : i32
    %scan3A_25 = arith.constant 0 : i32
    %scan3A_26 = arith.constant 40 : i32
    %scan3A_27 = arith.addi %scan3A_25, %scan3A_26 : i32
    %scan3A_28 = arith.constant 1 : i32
    scf.for %scan3A_115 = %scan3A_25 to %scan3A_27 step %scan3A_28  : i32 {
      %mul3A_116 = arith.constant 4 : i32
      %mul3A_117 = arith.muli %scan3A_115, %mul3A_116 : i32
      %add3A_118 = arith.constant 0 : i32
      %add3A_119 = arith.addi %mul3A_117, %add3A_118 : i32
      %dma_wait3A_120 = arith.constant 0 : i32
      %dma_wait3A_121 = tpu.memref_slice %arg7[%add3A_119, %dma_wait3A_120] : memref<160x64xi32, #tpu.memory_space<vmem>> -> memref<1x64xi32, #tpu.memory_space<vmem>>
      %dma_wait3A_122 = tpu.memref_squeeze %dma_wait3A_121 : memref<1x64xi32, #tpu.memory_space<vmem>> -> memref<64xi32, #tpu.memory_space<vmem>>
      %dma_wait3A_123 = arith.constant 0 : i32
      %dma_wait3A_124 = arith.constant 0 : i32
      %dma_wait3A_125 = tpu.memref_slice %arg13[%dma_wait3A_123, %dma_wait3A_124] : memref<10240x64xf32, #tpu.memory_space<vmem_shared>> -> memref<10240x64xf32, #tpu.memory_space<vmem_shared>>
      tpu.wait_indirect_dma semaphore(%arg15 : memref<!tpu.dma_semaphore, #tpu.memory_space<semaphore_mem>>) src(%dma_wait3A_125 : memref<10240x64xf32, #tpu.memory_space<vmem_shared>>) dst(%arg9 : memref<64x64xf32, #tpu.memory_space<vmem>>)
      %dma_start3A_126 = arith.constant 0 : i32
      %dma_start3A_127 = tpu.memref_slice %arg8[%add3A_119, %dma_start3A_126] : memref<160x64xi32, #tpu.memory_space<vmem>> -> memref<1x64xi32, #tpu.memory_space<vmem>>
      %dma_start3A_128 = tpu.memref_squeeze %dma_start3A_127 : memref<1x64xi32, #tpu.memory_space<vmem>> -> memref<64xi32, #tpu.memory_space<vmem>>
      %dma_start3A_129 = arith.constant 0 : i32
      %dma_start3A_130 = arith.constant 0 : i32
      %dma_start3A_131 = tpu.memref_slice %arg14[%dma_start3A_129, %dma_start3A_130] : memref<10240x64xf32, #tpu.memory_space<vmem_shared>> -> memref<10240x64xf32, #tpu.memory_space<vmem_shared>>
      tpu.enqueue_indirect_dma source(%arg9 : memref<64x64xf32, #tpu.memory_space<vmem>>) target(%dma_start3A_131 : memref<10240x64xf32, #tpu.memory_space<vmem_shared>>) offsets(%dma_start3A_128 : memref<64xi32, #tpu.memory_space<vmem>>) semaphore(%arg19 : memref<!tpu.dma_semaphore, #tpu.memory_space<semaphore_mem>>) {add = true}
      %add3A_132 = arith.constant 4 : i32
      %add3A_133 = arith.addi %add3A_119, %add3A_132 : i32
      %sub3A = arith.constant 1 : i32
      %sub3A_134 = arith.subi %add3A_133, %sub3A : i32
      %lt3A = arith.constant 160 : i32
      %lt3A_135 = arith.cmpi slt, %sub3A_134, %lt3A : i32
      %convert_element_type3A = arith.extui %lt3A_135 : i1 to i32
      %cond3A = arith.constant 0 : i32
      %cond3A_136 = arith.cmpi ne, %convert_element_type3A, %cond3A : i32
      scf.if %cond3A_136 {
        %ge3A = arith.constant 1 : i32
        %ge3A_212 = arith.cmpi sge, %add3A_119, %ge3A : i32
        %convert_element_type3A_213 = arith.extui %ge3A_212 : i1 to i32
        %cond3A_214 = arith.constant 0 : i32
        %cond3A_215 = arith.cmpi ne, %convert_element_type3A_213, %cond3A_214 : i32
        scf.if %cond3A_215 {
          %dma_wait3A_226 = arith.constant 0 : i32
          %dma_wait3A_227 = tpu.memref_slice %arg8[%add3A_119, %dma_wait3A_226] : memref<160x64xi32, #tpu.memory_space<vmem>> -> memref<1x64xi32, #tpu.memory_space<vmem>>
          %dma_wait3A_228 = tpu.memref_squeeze %dma_wait3A_227 : memref<1x64xi32, #tpu.memory_space<vmem>> -> memref<64xi32, #tpu.memory_space<vmem>>
          %dma_wait3A_229 = arith.constant 0 : i32
          %dma_wait3A_230 = arith.constant 0 : i32
          %dma_wait3A_231 = tpu.memref_slice %arg14[%dma_wait3A_229, %dma_wait3A_230] : memref<10240x64xf32, #tpu.memory_space<vmem_shared>> -> memref<10240x64xf32, #tpu.memory_space<vmem_shared>>
          tpu.wait_indirect_dma semaphore(%arg22 : memref<!tpu.dma_semaphore, #tpu.memory_space<semaphore_mem>>) src(%arg12 : memref<64x64xf32, #tpu.memory_space<vmem>>) dst(%dma_wait3A_231 : memref<10240x64xf32, #tpu.memory_space<vmem_shared>>)
        } else {
        }
        %add3A_216 = arith.constant 4 : i32
        %add3A_217 = arith.addi %add3A_119, %add3A_216 : i32
        %sub3A_218 = arith.constant 1 : i32
        %sub3A_219 = arith.subi %add3A_217, %sub3A_218 : i32
        %dma_start3A_220 = arith.constant 0 : i32
        %dma_start3A_221 = tpu.memref_slice %arg7[%sub3A_219, %dma_start3A_220] : memref<160x64xi32, #tpu.memory_space<vmem>> -> memref<1x64xi32, #tpu.memory_space<vmem>>
        %dma_start3A_222 = tpu.memref_squeeze %dma_start3A_221 : memref<1x64xi32, #tpu.memory_space<vmem>> -> memref<64xi32, #tpu.memory_space<vmem>>
        %dma_start3A_223 = arith.constant 0 : i32
        %dma_start3A_224 = arith.constant 0 : i32
        %dma_start3A_225 = tpu.memref_slice %arg13[%dma_start3A_223, %dma_start3A_224] : memref<10240x64xf32, #tpu.memory_space<vmem_shared>> -> memref<10240x64xf32, #tpu.memory_space<vmem_shared>>
        tpu.enqueue_indirect_dma source(%dma_start3A_225 : memref<10240x64xf32, #tpu.memory_space<vmem_shared>>) target(%arg12 : memref<64x64xf32, #tpu.memory_space<vmem>>) offsets(%dma_start3A_222 : memref<64xi32, #tpu.memory_space<vmem>>) semaphore(%arg18 : memref<!tpu.dma_semaphore, #tpu.memory_space<semaphore_mem>>)
      } else {
      }
      %mul3A_137 = arith.constant 4 : i32
      %mul3A_138 = arith.muli %scan3A_115, %mul3A_137 : i32
      %add3A_139 = arith.constant 1 : i32
      %add3A_140 = arith.addi %mul3A_138, %add3A_139 : i32
      %dma_wait3A_141 = arith.constant 0 : i32
      %dma_wait3A_142 = tpu.memref_slice %arg7[%add3A_140, %dma_wait3A_141] : memref<160x64xi32, #tpu.memory_space<vmem>> -> memref<1x64xi32, #tpu.memory_space<vmem>>
      %dma_wait3A_143 = tpu.memref_squeeze %dma_wait3A_142 : memref<1x64xi32, #tpu.memory_space<vmem>> -> memref<64xi32, #tpu.memory_space<vmem>>
      %dma_wait3A_144 = arith.constant 0 : i32
      %dma_wait3A_145 = arith.constant 0 : i32
      %dma_wait3A_146 = tpu.memref_slice %arg13[%dma_wait3A_144, %dma_wait3A_145] : memref<10240x64xf32, #tpu.memory_space<vmem_shared>> -> memref<10240x64xf32, #tpu.memory_space<vmem_shared>>
      tpu.wait_indirect_dma semaphore(%arg16 : memref<!tpu.dma_semaphore, #tpu.memory_space<semaphore_mem>>) src(%dma_wait3A_146 : memref<10240x64xf32, #tpu.memory_space<vmem_shared>>) dst(%arg10 : memref<64x64xf32, #tpu.memory_space<vmem>>)
      %dma_start3A_147 = arith.constant 0 : i32
      %dma_start3A_148 = tpu.memref_slice %arg8[%add3A_140, %dma_start3A_147] : memref<160x64xi32, #tpu.memory_space<vmem>> -> memref<1x64xi32, #tpu.memory_space<vmem>>
      %dma_start3A_149 = tpu.memref_squeeze %dma_start3A_148 : memref<1x64xi32, #tpu.memory_space<vmem>> -> memref<64xi32, #tpu.memory_space<vmem>>
      %dma_start3A_150 = arith.constant 0 : i32
      %dma_start3A_151 = arith.constant 0 : i32
      %dma_start3A_152 = tpu.memref_slice %arg14[%dma_start3A_150, %dma_start3A_151] : memref<10240x64xf32, #tpu.memory_space<vmem_shared>> -> memref<10240x64xf32, #tpu.memory_space<vmem_shared>>
      tpu.enqueue_indirect_dma source(%arg10 : memref<64x64xf32, #tpu.memory_space<vmem>>) target(%dma_start3A_152 : memref<10240x64xf32, #tpu.memory_space<vmem_shared>>) offsets(%dma_start3A_149 : memref<64xi32, #tpu.memory_space<vmem>>) semaphore(%arg20 : memref<!tpu.dma_semaphore, #tpu.memory_space<semaphore_mem>>) {add = true}
      %add3A_153 = arith.constant 4 : i32
      %add3A_154 = arith.addi %add3A_140, %add3A_153 : i32
      %sub3A_155 = arith.constant 1 : i32
      %sub3A_156 = arith.subi %add3A_154, %sub3A_155 : i32
      %lt3A_157 = arith.constant 160 : i32
      %lt3A_158 = arith.cmpi slt, %sub3A_156, %lt3A_157 : i32
      %convert_element_type3A_159 = arith.extui %lt3A_158 : i1 to i32
      %cond3A_160 = arith.constant 0 : i32
      %cond3A_161 = arith.cmpi ne, %convert_element_type3A_159, %cond3A_160 : i32
      scf.if %cond3A_161 {
        %ge3A = arith.constant 1 : i32
        %ge3A_212 = arith.cmpi sge, %add3A_140, %ge3A : i32
        %convert_element_type3A_213 = arith.extui %ge3A_212 : i1 to i32
        %cond3A_214 = arith.constant 0 : i32
        %cond3A_215 = arith.cmpi ne, %convert_element_type3A_213, %cond3A_214 : i32
        scf.if %cond3A_215 {
          %dma_wait3A_226 = arith.constant 0 : i32
          %dma_wait3A_227 = tpu.memref_slice %arg8[%add3A_140, %dma_wait3A_226] : memref<160x64xi32, #tpu.memory_space<vmem>> -> memref<1x64xi32, #tpu.memory_space<vmem>>
          %dma_wait3A_228 = tpu.memref_squeeze %dma_wait3A_227 : memref<1x64xi32, #tpu.memory_space<vmem>> -> memref<64xi32, #tpu.memory_space<vmem>>
          %dma_wait3A_229 = arith.constant 0 : i32
          %dma_wait3A_230 = arith.constant 0 : i32
          %dma_wait3A_231 = tpu.memref_slice %arg14[%dma_wait3A_229, %dma_wait3A_230] : memref<10240x64xf32, #tpu.memory_space<vmem_shared>> -> memref<10240x64xf32, #tpu.memory_space<vmem_shared>>
          tpu.wait_indirect_dma semaphore(%arg19 : memref<!tpu.dma_semaphore, #tpu.memory_space<semaphore_mem>>) src(%arg9 : memref<64x64xf32, #tpu.memory_space<vmem>>) dst(%dma_wait3A_231 : memref<10240x64xf32, #tpu.memory_space<vmem_shared>>)
        } else {
        }
        %add3A_216 = arith.constant 4 : i32
        %add3A_217 = arith.addi %add3A_140, %add3A_216 : i32
        %sub3A_218 = arith.constant 1 : i32
        %sub3A_219 = arith.subi %add3A_217, %sub3A_218 : i32
        %dma_start3A_220 = arith.constant 0 : i32
        %dma_start3A_221 = tpu.memref_slice %arg7[%sub3A_219, %dma_start3A_220] : memref<160x64xi32, #tpu.memory_space<vmem>> -> memref<1x64xi32, #tpu.memory_space<vmem>>
        %dma_start3A_222 = tpu.memref_squeeze %dma_start3A_221 : memref<1x64xi32, #tpu.memory_space<vmem>> -> memref<64xi32, #tpu.memory_space<vmem>>
        %dma_start3A_223 = arith.constant 0 : i32
        %dma_start3A_224 = arith.constant 0 : i32
        %dma_start3A_225 = tpu.memref_slice %arg13[%dma_start3A_223, %dma_start3A_224] : memref<10240x64xf32, #tpu.memory_space<vmem_shared>> -> memref<10240x64xf32, #tpu.memory_space<vmem_shared>>
        tpu.enqueue_indirect_dma source(%dma_start3A_225 : memref<10240x64xf32, #tpu.memory_space<vmem_shared>>) target(%arg9 : memref<64x64xf32, #tpu.memory_space<vmem>>) offsets(%dma_start3A_222 : memref<64xi32, #tpu.memory_space<vmem>>) semaphore(%arg15 : memref<!tpu.dma_semaphore, #tpu.memory_space<semaphore_mem>>)
      } else {
      }
      %mul3A_162 = arith.constant 4 : i32
      %mul3A_163 = arith.muli %scan3A_115, %mul3A_162 : i32
      %add3A_164 = arith.constant 2 : i32
      %add3A_165 = arith.addi %mul3A_163, %add3A_164 : i32
      %dma_wait3A_166 = arith.constant 0 : i32
      %dma_wait3A_167 = tpu.memref_slice %arg7[%add3A_165, %dma_wait3A_166] : memref<160x64xi32, #tpu.memory_space<vmem>> -> memref<1x64xi32, #tpu.memory_space<vmem>>
      %dma_wait3A_168 = tpu.memref_squeeze %dma_wait3A_167 : memref<1x64xi32, #tpu.memory_space<vmem>> -> memref<64xi32, #tpu.memory_space<vmem>>
      %dma_wait3A_169 = arith.constant 0 : i32
      %dma_wait3A_170 = arith.constant 0 : i32
      %dma_wait3A_171 = tpu.memref_slice %arg13[%dma_wait3A_169, %dma_wait3A_170] : memref<10240x64xf32, #tpu.memory_space<vmem_shared>> -> memref<10240x64xf32, #tpu.memory_space<vmem_shared>>
      tpu.wait_indirect_dma semaphore(%arg17 : memref<!tpu.dma_semaphore, #tpu.memory_space<semaphore_mem>>) src(%dma_wait3A_171 : memref<10240x64xf32, #tpu.memory_space<vmem_shared>>) dst(%arg11 : memref<64x64xf32, #tpu.memory_space<vmem>>)
      %dma_start3A_172 = arith.constant 0 : i32
      %dma_start3A_173 = tpu.memref_slice %arg8[%add3A_165, %dma_start3A_172] : memref<160x64xi32, #tpu.memory_space<vmem>> -> memref<1x64xi32, #tpu.memory_space<vmem>>
      %dma_start3A_174 = tpu.memref_squeeze %dma_start3A_173 : memref<1x64xi32, #tpu.memory_space<vmem>> -> memref<64xi32, #tpu.memory_space<vmem>>
      %dma_start3A_175 = arith.constant 0 : i32
      %dma_start3A_176 = arith.constant 0 : i32
      %dma_start3A_177 = tpu.memref_slice %arg14[%dma_start3A_175, %dma_start3A_176] : memref<10240x64xf32, #tpu.memory_space<vmem_shared>> -> memref<10240x64xf32, #tpu.memory_space<vmem_shared>>
      tpu.enqueue_indirect_dma source(%arg11 : memref<64x64xf32, #tpu.memory_space<vmem>>) target(%dma_start3A_177 : memref<10240x64xf32, #tpu.memory_space<vmem_shared>>) offsets(%dma_start3A_174 : memref<64xi32, #tpu.memory_space<vmem>>) semaphore(%arg21 : memref<!tpu.dma_semaphore, #tpu.memory_space<semaphore_mem>>) {add = true}
      %add3A_178 = arith.constant 4 : i32
      %add3A_179 = arith.addi %add3A_165, %add3A_178 : i32
      %sub3A_180 = arith.constant 1 : i32
      %sub3A_181 = arith.subi %add3A_179, %sub3A_180 : i32
      %lt3A_182 = arith.constant 160 : i32
      %lt3A_183 = arith.cmpi slt, %sub3A_181, %lt3A_182 : i32
      %convert_element_type3A_184 = arith.extui %lt3A_183 : i1 to i32
      %cond3A_185 = arith.constant 0 : i32
      %cond3A_186 = arith.cmpi ne, %convert_element_type3A_184, %cond3A_185 : i32
      scf.if %cond3A_186 {
        %ge3A = arith.constant 1 : i32
        %ge3A_212 = arith.cmpi sge, %add3A_165, %ge3A : i32
        %convert_element_type3A_213 = arith.extui %ge3A_212 : i1 to i32
        %cond3A_214 = arith.constant 0 : i32
        %cond3A_215 = arith.cmpi ne, %convert_element_type3A_213, %cond3A_214 : i32
        scf.if %cond3A_215 {
          %dma_wait3A_226 = arith.constant 0 : i32
          %dma_wait3A_227 = tpu.memref_slice %arg8[%add3A_165, %dma_wait3A_226] : memref<160x64xi32, #tpu.memory_space<vmem>> -> memref<1x64xi32, #tpu.memory_space<vmem>>
          %dma_wait3A_228 = tpu.memref_squeeze %dma_wait3A_227 : memref<1x64xi32, #tpu.memory_space<vmem>> -> memref<64xi32, #tpu.memory_space<vmem>>
          %dma_wait3A_229 = arith.constant 0 : i32
          %dma_wait3A_230 = arith.constant 0 : i32
          %dma_wait3A_231 = tpu.memref_slice %arg14[%dma_wait3A_229, %dma_wait3A_230] : memref<10240x64xf32, #tpu.memory_space<vmem_shared>> -> memref<10240x64xf32, #tpu.memory_space<vmem_shared>>
          tpu.wait_indirect_dma semaphore(%arg20 : memref<!tpu.dma_semaphore, #tpu.memory_space<semaphore_mem>>) src(%arg10 : memref<64x64xf32, #tpu.memory_space<vmem>>) dst(%dma_wait3A_231 : memref<10240x64xf32, #tpu.memory_space<vmem_shared>>)
        } else {
        }
        %add3A_216 = arith.constant 4 : i32
        %add3A_217 = arith.addi %add3A_165, %add3A_216 : i32
        %sub3A_218 = arith.constant 1 : i32
        %sub3A_219 = arith.subi %add3A_217, %sub3A_218 : i32
        %dma_start3A_220 = arith.constant 0 : i32
        %dma_start3A_221 = tpu.memref_slice %arg7[%sub3A_219, %dma_start3A_220] : memref<160x64xi32, #tpu.memory_space<vmem>> -> memref<1x64xi32, #tpu.memory_space<vmem>>
        %dma_start3A_222 = tpu.memref_squeeze %dma_start3A_221 : memref<1x64xi32, #tpu.memory_space<vmem>> -> memref<64xi32, #tpu.memory_space<vmem>>
        %dma_start3A_223 = arith.constant 0 : i32
        %dma_start3A_224 = arith.constant 0 : i32
        %dma_start3A_225 = tpu.memref_slice %arg13[%dma_start3A_223, %dma_start3A_224] : memref<10240x64xf32, #tpu.memory_space<vmem_shared>> -> memref<10240x64xf32, #tpu.memory_space<vmem_shared>>
        tpu.enqueue_indirect_dma source(%dma_start3A_225 : memref<10240x64xf32, #tpu.memory_space<vmem_shared>>) target(%arg10 : memref<64x64xf32, #tpu.memory_space<vmem>>) offsets(%dma_start3A_222 : memref<64xi32, #tpu.memory_space<vmem>>) semaphore(%arg16 : memref<!tpu.dma_semaphore, #tpu.memory_space<semaphore_mem>>)
      } else {
      }
      %mul3A_187 = arith.constant 4 : i32
      %mul3A_188 = arith.muli %scan3A_115, %mul3A_187 : i32
      %add3A_189 = arith.constant 3 : i32
      %add3A_190 = arith.addi %mul3A_188, %add3A_189 : i32
      %dma_wait3A_191 = arith.constant 0 : i32
      %dma_wait3A_192 = tpu.memref_slice %arg7[%add3A_190, %dma_wait3A_191] : memref<160x64xi32, #tpu.memory_space<vmem>> -> memref<1x64xi32, #tpu.memory_space<vmem>>
      %dma_wait3A_193 = tpu.memref_squeeze %dma_wait3A_192 : memref<1x64xi32, #tpu.memory_space<vmem>> -> memref<64xi32, #tpu.memory_space<vmem>>
      %dma_wait3A_194 = arith.constant 0 : i32
      %dma_wait3A_195 = arith.constant 0 : i32
      %dma_wait3A_196 = tpu.memref_slice %arg13[%dma_wait3A_194, %dma_wait3A_195] : memref<10240x64xf32, #tpu.memory_space<vmem_shared>> -> memref<10240x64xf32, #tpu.memory_space<vmem_shared>>
      tpu.wait_indirect_dma semaphore(%arg18 : memref<!tpu.dma_semaphore, #tpu.memory_space<semaphore_mem>>) src(%dma_wait3A_196 : memref<10240x64xf32, #tpu.memory_space<vmem_shared>>) dst(%arg12 : memref<64x64xf32, #tpu.memory_space<vmem>>)
      %dma_start3A_197 = arith.constant 0 : i32
      %dma_start3A_198 = tpu.memref_slice %arg8[%add3A_190, %dma_start3A_197] : memref<160x64xi32, #tpu.memory_space<vmem>> -> memref<1x64xi32, #tpu.memory_space<vmem>>
      %dma_start3A_199 = tpu.memref_squeeze %dma_start3A_198 : memref<1x64xi32, #tpu.memory_space<vmem>> -> memref<64xi32, #tpu.memory_space<vmem>>
      %dma_start3A_200 = arith.constant 0 : i32
      %dma_start3A_201 = arith.constant 0 : i32
      %dma_start3A_202 = tpu.memref_slice %arg14[%dma_start3A_200, %dma_start3A_201] : memref<10240x64xf32, #tpu.memory_space<vmem_shared>> -> memref<10240x64xf32, #tpu.memory_space<vmem_shared>>
      tpu.enqueue_indirect_dma source(%arg12 : memref<64x64xf32, #tpu.memory_space<vmem>>) target(%dma_start3A_202 : memref<10240x64xf32, #tpu.memory_space<vmem_shared>>) offsets(%dma_start3A_199 : memref<64xi32, #tpu.memory_space<vmem>>) semaphore(%arg22 : memref<!tpu.dma_semaphore, #tpu.memory_space<semaphore_mem>>) {add = true}
      %add3A_203 = arith.constant 4 : i32
      %add3A_204 = arith.addi %add3A_190, %add3A_203 : i32
      %sub3A_205 = arith.constant 1 : i32
      %sub3A_206 = arith.subi %add3A_204, %sub3A_205 : i32
      %lt3A_207 = arith.constant 160 : i32
      %lt3A_208 = arith.cmpi slt, %sub3A_206, %lt3A_207 : i32
      %convert_element_type3A_209 = arith.extui %lt3A_208 : i1 to i32
      %cond3A_210 = arith.constant 0 : i32
      %cond3A_211 = arith.cmpi ne, %convert_element_type3A_209, %cond3A_210 : i32
      scf.if %cond3A_211 {
        %ge3A = arith.constant 1 : i32
        %ge3A_212 = arith.cmpi sge, %add3A_190, %ge3A : i32
        %convert_element_type3A_213 = arith.extui %ge3A_212 : i1 to i32
        %cond3A_214 = arith.constant 0 : i32
        %cond3A_215 = arith.cmpi ne, %convert_element_type3A_213, %cond3A_214 : i32
        scf.if %cond3A_215 {
          %dma_wait3A_226 = arith.constant 0 : i32
          %dma_wait3A_227 = tpu.memref_slice %arg8[%add3A_190, %dma_wait3A_226] : memref<160x64xi32, #tpu.memory_space<vmem>> -> memref<1x64xi32, #tpu.memory_space<vmem>>
          %dma_wait3A_228 = tpu.memref_squeeze %dma_wait3A_227 : memref<1x64xi32, #tpu.memory_space<vmem>> -> memref<64xi32, #tpu.memory_space<vmem>>
          %dma_wait3A_229 = arith.constant 0 : i32
          %dma_wait3A_230 = arith.constant 0 : i32
          %dma_wait3A_231 = tpu.memref_slice %arg14[%dma_wait3A_229, %dma_wait3A_230] : memref<10240x64xf32, #tpu.memory_space<vmem_shared>> -> memref<10240x64xf32, #tpu.memory_space<vmem_shared>>
          tpu.wait_indirect_dma semaphore(%arg21 : memref<!tpu.dma_semaphore, #tpu.memory_space<semaphore_mem>>) src(%arg11 : memref<64x64xf32, #tpu.memory_space<vmem>>) dst(%dma_wait3A_231 : memref<10240x64xf32, #tpu.memory_space<vmem_shared>>)
        } else {
        }
        %add3A_216 = arith.constant 4 : i32
        %add3A_217 = arith.addi %add3A_190, %add3A_216 : i32
        %sub3A_218 = arith.constant 1 : i32
        %sub3A_219 = arith.subi %add3A_217, %sub3A_218 : i32
        %dma_start3A_220 = arith.constant 0 : i32
        %dma_start3A_221 = tpu.memref_slice %arg7[%sub3A_219, %dma_start3A_220] : memref<160x64xi32, #tpu.memory_space<vmem>> -> memref<1x64xi32, #tpu.memory_space<vmem>>
        %dma_start3A_222 = tpu.memref_squeeze %dma_start3A_221 : memref<1x64xi32, #tpu.memory_space<vmem>> -> memref<64xi32, #tpu.memory_space<vmem>>
        %dma_start3A_223 = arith.constant 0 : i32
        %dma_start3A_224 = arith.constant 0 : i32
        %dma_start3A_225 = tpu.memref_slice %arg13[%dma_start3A_223, %dma_start3A_224] : memref<10240x64xf32, #tpu.memory_space<vmem_shared>> -> memref<10240x64xf32, #tpu.memory_space<vmem_shared>>
        tpu.enqueue_indirect_dma source(%dma_start3A_225 : memref<10240x64xf32, #tpu.memory_space<vmem_shared>>) target(%arg11 : memref<64x64xf32, #tpu.memory_space<vmem>>) offsets(%dma_start3A_222 : memref<64xi32, #tpu.memory_space<vmem>>) semaphore(%arg17 : memref<!tpu.dma_semaphore, #tpu.memory_space<semaphore_mem>>)
      } else {
      }
    }
    %scan3A_29 = arith.constant 40 : i32
    %dma_wait3A = arith.constant 0 : i32
    %dma_wait3A_30 = arith.constant 0 : i32
    %dma_wait3A_31 = tpu.memref_slice %arg8[%dma_wait3A, %dma_wait3A_30] : memref<160x64xi32, #tpu.memory_space<vmem>> -> memref<1x64xi32, #tpu.memory_space<vmem>>
    %dma_wait3A_32 = tpu.memref_squeeze %dma_wait3A_31 : memref<1x64xi32, #tpu.memory_space<vmem>> -> memref<64xi32, #tpu.memory_space<vmem>>
    %dma_wait3A_33 = arith.constant 0 : i32
    %dma_wait3A_34 = arith.constant 0 : i32
    %dma_wait3A_35 = tpu.memref_slice %arg14[%dma_wait3A_33, %dma_wait3A_34] : memref<10240x64xf32, #tpu.memory_space<vmem_shared>> -> memref<10240x64xf32, #tpu.memory_space<vmem_shared>>
    tpu.wait_indirect_dma semaphore(%arg19 : memref<!tpu.dma_semaphore, #tpu.memory_space<semaphore_mem>>) src(%arg9 : memref<64x64xf32, #tpu.memory_space<vmem>>) dst(%dma_wait3A_35 : memref<10240x64xf32, #tpu.memory_space<vmem_shared>>)
    %dma_wait3A_36 = arith.constant 1 : i32
    %dma_wait3A_37 = arith.constant 0 : i32
    %dma_wait3A_38 = tpu.memref_slice %arg8[%dma_wait3A_36, %dma_wait3A_37] : memref<160x64xi32, #tpu.memory_space<vmem>> -> memref<1x64xi32, #tpu.memory_space<vmem>>
    %dma_wait3A_39 = tpu.memref_squeeze %dma_wait3A_38 : memref<1x64xi32, #tpu.memory_space<vmem>> -> memref<64xi32, #tpu.memory_space<vmem>>
    %dma_wait3A_40 = arith.constant 0 : i32
    %dma_wait3A_41 = arith.constant 0 : i32
    %dma_wait3A_42 = tpu.memref_slice %arg14[%dma_wait3A_40, %dma_wait3A_41] : memref<10240x64xf32, #tpu.memory_space<vmem_shared>> -> memref<10240x64xf32, #tpu.memory_space<vmem_shared>>
    tpu.wait_indirect_dma semaphore(%arg20 : memref<!tpu.dma_semaphore, #tpu.memory_space<semaphore_mem>>) src(%arg10 : memref<64x64xf32, #tpu.memory_space<vmem>>) dst(%dma_wait3A_42 : memref<10240x64xf32, #tpu.memory_space<vmem_shared>>)
    %dma_wait3A_43 = arith.constant 2 : i32
    %dma_wait3A_44 = arith.constant 0 : i32
    %dma_wait3A_45 = tpu.memref_slice %arg8[%dma_wait3A_43, %dma_wait3A_44] : memref<160x64xi32, #tpu.memory_space<vmem>> -> memref<1x64xi32, #tpu.memory_space<vmem>>
    %dma_wait3A_46 = tpu.memref_squeeze %dma_wait3A_45 : memref<1x64xi32, #tpu.memory_space<vmem>> -> memref<64xi32, #tpu.memory_space<vmem>>
    %dma_wait3A_47 = arith.constant 0 : i32
    %dma_wait3A_48 = arith.constant 0 : i32
    %dma_wait3A_49 = tpu.memref_slice %arg14[%dma_wait3A_47, %dma_wait3A_48] : memref<10240x64xf32, #tpu.memory_space<vmem_shared>> -> memref<10240x64xf32, #tpu.memory_space<vmem_shared>>
    tpu.wait_indirect_dma semaphore(%arg21 : memref<!tpu.dma_semaphore, #tpu.memory_space<semaphore_mem>>) src(%arg11 : memref<64x64xf32, #tpu.memory_space<vmem>>) dst(%dma_wait3A_49 : memref<10240x64xf32, #tpu.memory_space<vmem_shared>>)
    %dma_wait3A_50 = arith.constant 3 : i32
    %dma_wait3A_51 = arith.constant 0 : i32
    %dma_wait3A_52 = tpu.memref_slice %arg8[%dma_wait3A_50, %dma_wait3A_51] : memref<160x64xi32, #tpu.memory_space<vmem>> -> memref<1x64xi32, #tpu.memory_space<vmem>>
    %dma_wait3A_53 = tpu.memref_squeeze %dma_wait3A_52 : memref<1x64xi32, #tpu.memory_space<vmem>> -> memref<64xi32, #tpu.memory_space<vmem>>
    %dma_wait3A_54 = arith.constant 0 : i32
    %dma_wait3A_55 = arith.constant 0 : i32
    %dma_wait3A_56 = tpu.memref_slice %arg14[%dma_wait3A_54, %dma_wait3A_55] : memref<10240x64xf32, #tpu.memory_space<vmem_shared>> -> memref<10240x64xf32, #tpu.memory_space<vmem_shared>>
    tpu.wait_indirect_dma semaphore(%arg22 : memref<!tpu.dma_semaphore, #tpu.memory_space<semaphore_mem>>) src(%arg12 : memref<64x64xf32, #tpu.memory_space<vmem>>) dst(%dma_wait3A_56 : memref<10240x64xf32, #tpu.memory_space<vmem_shared>>)
    %barrier3A_57 = arith.constant 0 : index
    tpu.barrier barrier_id(%barrier3A_57)
    "tpu.region"() ({
      %run_scoped3A = tpu.sem_alloc : memref<!tpu.dma_semaphore, #tpu.memory_space<semaphore_mem>>
      %dma_start3A_115 = arith.constant 0 : i32
      %dma_start3A_116 = tpu.memref_slice %arg6[%arg0, %mul3A_2, %dma_start3A_115] : memref<2x10240x128xf32, #tpu.memory_space<hbm>> -> memref<1x640x64xf32, #tpu.memory_space<hbm>>
      %dma_start3A_117 = tpu.memref_squeeze %dma_start3A_116 : memref<1x640x64xf32, #tpu.memory_space<hbm>> -> memref<640x64xf32, #tpu.memory_space<hbm>>
      %dma_start3A_118 = arith.constant 0 : i32
      %dma_start3A_119 = tpu.memref_slice %arg14[%mul3A_2, %dma_start3A_118] : memref<10240x64xf32, #tpu.memory_space<vmem_shared>> -> memref<640x64xf32, #tpu.memory_space<vmem_shared>>
      tpu.enqueue_dma source(%dma_start3A_119 : memref<640x64xf32, #tpu.memory_space<vmem_shared>>) target(%dma_start3A_117 : memref<640x64xf32, #tpu.memory_space<hbm>>) target_semaphore(%run_scoped3A : memref<!tpu.dma_semaphore, #tpu.memory_space<semaphore_mem>>)
      %dma_wait3A_120 = arith.constant 0 : i32
      %dma_wait3A_121 = tpu.memref_slice %arg6[%arg0, %mul3A_2, %dma_wait3A_120] : memref<2x10240x128xf32, #tpu.memory_space<hbm>> -> memref<1x640x64xf32, #tpu.memory_space<hbm>>
      %dma_wait3A_122 = tpu.memref_squeeze %dma_wait3A_121 : memref<1x640x64xf32, #tpu.memory_space<hbm>> -> memref<640x64xf32, #tpu.memory_space<hbm>>
      %dma_wait3A_123 = arith.constant 0 : i32
      %dma_wait3A_124 = tpu.memref_slice %arg14[%mul3A_2, %dma_wait3A_123] : memref<10240x64xf32, #tpu.memory_space<vmem_shared>> -> memref<640x64xf32, #tpu.memory_space<vmem_shared>>
      tpu.wait_dma2 semaphore(%run_scoped3A : memref<!tpu.dma_semaphore, #tpu.memory_space<semaphore_mem>>) src(%dma_wait3A_124 : memref<640x64xf32, #tpu.memory_space<vmem_shared>>) dst(%dma_wait3A_122 : memref<640x64xf32, #tpu.memory_space<hbm>>)
      tpu.yield
    }) : () -> ()
    "tpu.region"() ({
      %run_scoped3A = tpu.sem_alloc : memref<!tpu.dma_semaphore, #tpu.memory_space<semaphore_mem>>
      %dma_start3A_115 = arith.constant 0 : i32
      %dma_start3A_116 = tpu.memref_slice %arg13[%mul3A_4, %dma_start3A_115] : memref<10240x64xf32, #tpu.memory_space<vmem_shared>> -> memref<625x64xf32, #tpu.memory_space<vmem_shared>>
      %dma_start3A_117 = arith.constant 64 : i32
      %dma_start3A_118 = tpu.memref_slice %arg2[%mul3A_4, %dma_start3A_117] : memref<10000x128xf32, #tpu.memory_space<hbm>> -> memref<625x64xf32, #tpu.memory_space<hbm>>
      tpu.enqueue_dma source(%dma_start3A_118 : memref<625x64xf32, #tpu.memory_space<hbm>>) target(%dma_start3A_116 : memref<625x64xf32, #tpu.memory_space<vmem_shared>>) target_semaphore(%run_scoped3A : memref<!tpu.dma_semaphore, #tpu.memory_space<semaphore_mem>>)
      %dma_wait3A_119 = arith.constant 0 : i32
      %dma_wait3A_120 = tpu.memref_slice %arg13[%mul3A_4, %dma_wait3A_119] : memref<10240x64xf32, #tpu.memory_space<vmem_shared>> -> memref<625x64xf32, #tpu.memory_space<vmem_shared>>
      %dma_wait3A_121 = arith.constant 64 : i32
      %dma_wait3A_122 = tpu.memref_slice %arg2[%mul3A_4, %dma_wait3A_121] : memref<10000x128xf32, #tpu.memory_space<hbm>> -> memref<625x64xf32, #tpu.memory_space<hbm>>
      tpu.wait_dma2 semaphore(%run_scoped3A : memref<!tpu.dma_semaphore, #tpu.memory_space<semaphore_mem>>) src(%dma_wait3A_122 : memref<625x64xf32, #tpu.memory_space<hbm>>) dst(%dma_wait3A_120 : memref<625x64xf32, #tpu.memory_space<vmem_shared>>)
      tpu.yield
    }) : () -> ()
    "tpu.region"() ({
      %run_scoped3A = tpu.sem_alloc : memref<!tpu.dma_semaphore, #tpu.memory_space<semaphore_mem>>
      %dma_start3A_115 = arith.constant 0 : i32
      %dma_start3A_116 = tpu.memref_slice %arg14[%mul3A_2, %dma_start3A_115] : memref<10240x64xf32, #tpu.memory_space<vmem_shared>> -> memref<640x64xf32, #tpu.memory_space<vmem_shared>>
      %dma_start3A_117 = arith.constant 0 : i32
      %dma_start3A_118 = tpu.memref_slice %arg5[%mul3A_2, %dma_start3A_117] : memref<10240x64xf32, #tpu.memory_space<hbm>> -> memref<640x64xf32, #tpu.memory_space<hbm>>
      tpu.enqueue_dma source(%dma_start3A_118 : memref<640x64xf32, #tpu.memory_space<hbm>>) target(%dma_start3A_116 : memref<640x64xf32, #tpu.memory_space<vmem_shared>>) target_semaphore(%run_scoped3A : memref<!tpu.dma_semaphore, #tpu.memory_space<semaphore_mem>>)
      %dma_wait3A_119 = arith.constant 0 : i32
      %dma_wait3A_120 = tpu.memref_slice %arg14[%mul3A_2, %dma_wait3A_119] : memref<10240x64xf32, #tpu.memory_space<vmem_shared>> -> memref<640x64xf32, #tpu.memory_space<vmem_shared>>
      %dma_wait3A_121 = arith.constant 0 : i32
      %dma_wait3A_122 = tpu.memref_slice %arg5[%mul3A_2, %dma_wait3A_121] : memref<10240x64xf32, #tpu.memory_space<hbm>> -> memref<640x64xf32, #tpu.memory_space<hbm>>
      tpu.wait_dma2 semaphore(%run_scoped3A : memref<!tpu.dma_semaphore, #tpu.memory_space<semaphore_mem>>) src(%dma_wait3A_122 : memref<640x64xf32, #tpu.memory_space<hbm>>) dst(%dma_wait3A_120 : memref<640x64xf32, #tpu.memory_space<vmem_shared>>)
      tpu.yield
    }) : () -> ()
    %barrier3A_58 = arith.constant 0 : index
    tpu.barrier barrier_id(%barrier3A_58)
    %dma_start3A_59 = arith.constant 0 : i32
    %dma_start3A_60 = arith.constant 0 : i32
    %dma_start3A_61 = tpu.memref_slice %arg7[%dma_start3A_59, %dma_start3A_60] : memref<160x64xi32, #tpu.memory_space<vmem>> -> memref<1x64xi32, #tpu.memory_space<vmem>>
    %dma_start3A_62 = tpu.memref_squeeze %dma_start3A_61 : memref<1x64xi32, #tpu.memory_space<vmem>> -> memref<64xi32, #tpu.memory_space<vmem>>
    %dma_start3A_63 = arith.constant 0 : i32
    %dma_start3A_64 = arith.constant 0 : i32
    %dma_start3A_65 = tpu.memref_slice %arg13[%dma_start3A_63, %dma_start3A_64] : memref<10240x64xf32, #tpu.memory_space<vmem_shared>> -> memref<10240x64xf32, #tpu.memory_space<vmem_shared>>
    tpu.enqueue_indirect_dma source(%dma_start3A_65 : memref<10240x64xf32, #tpu.memory_space<vmem_shared>>) target(%arg9 : memref<64x64xf32, #tpu.memory_space<vmem>>) offsets(%dma_start3A_62 : memref<64xi32, #tpu.memory_space<vmem>>) semaphore(%arg15 : memref<!tpu.dma_semaphore, #tpu.memory_space<semaphore_mem>>)
    %dma_start3A_66 = arith.constant 1 : i32
    %dma_start3A_67 = arith.constant 0 : i32
    %dma_start3A_68 = tpu.memref_slice %arg7[%dma_start3A_66, %dma_start3A_67] : memref<160x64xi32, #tpu.memory_space<vmem>> -> memref<1x64xi32, #tpu.memory_space<vmem>>
    %dma_start3A_69 = tpu.memref_squeeze %dma_start3A_68 : memref<1x64xi32, #tpu.memory_space<vmem>> -> memref<64xi32, #tpu.memory_space<vmem>>
    %dma_start3A_70 = arith.constant 0 : i32
    %dma_start3A_71 = arith.constant 0 : i32
    %dma_start3A_72 = tpu.memref_slice %arg13[%dma_start3A_70, %dma_start3A_71] : memref<10240x64xf32, #tpu.memory_space<vmem_shared>> -> memref<10240x64xf32, #tpu.memory_space<vmem_shared>>
    tpu.enqueue_indirect_dma source(%dma_start3A_72 : memref<10240x64xf32, #tpu.memory_space<vmem_shared>>) target(%arg10 : memref<64x64xf32, #tpu.memory_space<vmem>>) offsets(%dma_start3A_69 : memref<64xi32, #tpu.memory_space<vmem>>) semaphore(%arg16 : memref<!tpu.dma_semaphore, #tpu.memory_space<semaphore_mem>>)
    %dma_start3A_73 = arith.constant 2 : i32
    %dma_start3A_74 = arith.constant 0 : i32
    %dma_start3A_75 = tpu.memref_slice %arg7[%dma_start3A_73, %dma_start3A_74] : memref<160x64xi32, #tpu.memory_space<vmem>> -> memref<1x64xi32, #tpu.memory_space<vmem>>
    %dma_start3A_76 = tpu.memref_squeeze %dma_start3A_75 : memref<1x64xi32, #tpu.memory_space<vmem>> -> memref<64xi32, #tpu.memory_space<vmem>>
    %dma_start3A_77 = arith.constant 0 : i32
    %dma_start3A_78 = arith.constant 0 : i32
    %dma_start3A_79 = tpu.memref_slice %arg13[%dma_start3A_77, %dma_start3A_78] : memref<10240x64xf32, #tpu.memory_space<vmem_shared>> -> memref<10240x64xf32, #tpu.memory_space<vmem_shared>>
    tpu.enqueue_indirect_dma source(%dma_start3A_79 : memref<10240x64xf32, #tpu.memory_space<vmem_shared>>) target(%arg11 : memref<64x64xf32, #tpu.memory_space<vmem>>) offsets(%dma_start3A_76 : memref<64xi32, #tpu.memory_space<vmem>>) semaphore(%arg17 : memref<!tpu.dma_semaphore, #tpu.memory_space<semaphore_mem>>)
    %scan3A_80 = arith.constant 0 : i32
    %scan3A_81 = arith.constant 0 : i32
    %scan3A_82 = arith.constant 40 : i32
    %scan3A_83 = arith.addi %scan3A_81, %scan3A_82 : i32
    %scan3A_84 = arith.constant 1 : i32
    scf.for %scan3A_115 = %scan3A_81 to %scan3A_83 step %scan3A_84  : i32 {
      %mul3A_116 = arith.constant 4 : i32
      %mul3A_117 = arith.muli %scan3A_115, %mul3A_116 : i32
      %add3A_118 = arith.constant 0 : i32
      %add3A_119 = arith.addi %mul3A_117, %add3A_118 : i32
      %dma_wait3A_120 = arith.constant 0 : i32
      %dma_wait3A_121 = tpu.memref_slice %arg7[%add3A_119, %dma_wait3A_120] : memref<160x64xi32, #tpu.memory_space<vmem>> -> memref<1x64xi32, #tpu.memory_space<vmem>>
      %dma_wait3A_122 = tpu.memref_squeeze %dma_wait3A_121 : memref<1x64xi32, #tpu.memory_space<vmem>> -> memref<64xi32, #tpu.memory_space<vmem>>
      %dma_wait3A_123 = arith.constant 0 : i32
      %dma_wait3A_124 = arith.constant 0 : i32
      %dma_wait3A_125 = tpu.memref_slice %arg13[%dma_wait3A_123, %dma_wait3A_124] : memref<10240x64xf32, #tpu.memory_space<vmem_shared>> -> memref<10240x64xf32, #tpu.memory_space<vmem_shared>>
      tpu.wait_indirect_dma semaphore(%arg15 : memref<!tpu.dma_semaphore, #tpu.memory_space<semaphore_mem>>) src(%dma_wait3A_125 : memref<10240x64xf32, #tpu.memory_space<vmem_shared>>) dst(%arg9 : memref<64x64xf32, #tpu.memory_space<vmem>>)
      %dma_start3A_126 = arith.constant 0 : i32
      %dma_start3A_127 = tpu.memref_slice %arg8[%add3A_119, %dma_start3A_126] : memref<160x64xi32, #tpu.memory_space<vmem>> -> memref<1x64xi32, #tpu.memory_space<vmem>>
      %dma_start3A_128 = tpu.memref_squeeze %dma_start3A_127 : memref<1x64xi32, #tpu.memory_space<vmem>> -> memref<64xi32, #tpu.memory_space<vmem>>
      %dma_start3A_129 = arith.constant 0 : i32
      %dma_start3A_130 = arith.constant 0 : i32
      %dma_start3A_131 = tpu.memref_slice %arg14[%dma_start3A_129, %dma_start3A_130] : memref<10240x64xf32, #tpu.memory_space<vmem_shared>> -> memref<10240x64xf32, #tpu.memory_space<vmem_shared>>
      tpu.enqueue_indirect_dma source(%arg9 : memref<64x64xf32, #tpu.memory_space<vmem>>) target(%dma_start3A_131 : memref<10240x64xf32, #tpu.memory_space<vmem_shared>>) offsets(%dma_start3A_128 : memref<64xi32, #tpu.memory_space<vmem>>) semaphore(%arg19 : memref<!tpu.dma_semaphore, #tpu.memory_space<semaphore_mem>>) {add = true}
      %add3A_132 = arith.constant 4 : i32
      %add3A_133 = arith.addi %add3A_119, %add3A_132 : i32
      %sub3A = arith.constant 1 : i32
      %sub3A_134 = arith.subi %add3A_133, %sub3A : i32
      %lt3A = arith.constant 160 : i32
      %lt3A_135 = arith.cmpi slt, %sub3A_134, %lt3A : i32
      %convert_element_type3A = arith.extui %lt3A_135 : i1 to i32
      %cond3A = arith.constant 0 : i32
      %cond3A_136 = arith.cmpi ne, %convert_element_type3A, %cond3A : i32
      scf.if %cond3A_136 {
        %ge3A = arith.constant 1 : i32
        %ge3A_212 = arith.cmpi sge, %add3A_119, %ge3A : i32
        %convert_element_type3A_213 = arith.extui %ge3A_212 : i1 to i32
        %cond3A_214 = arith.constant 0 : i32
        %cond3A_215 = arith.cmpi ne, %convert_element_type3A_213, %cond3A_214 : i32
        scf.if %cond3A_215 {
          %dma_wait3A_226 = arith.constant 0 : i32
          %dma_wait3A_227 = tpu.memref_slice %arg8[%add3A_119, %dma_wait3A_226] : memref<160x64xi32, #tpu.memory_space<vmem>> -> memref<1x64xi32, #tpu.memory_space<vmem>>
          %dma_wait3A_228 = tpu.memref_squeeze %dma_wait3A_227 : memref<1x64xi32, #tpu.memory_space<vmem>> -> memref<64xi32, #tpu.memory_space<vmem>>
          %dma_wait3A_229 = arith.constant 0 : i32
          %dma_wait3A_230 = arith.constant 0 : i32
          %dma_wait3A_231 = tpu.memref_slice %arg14[%dma_wait3A_229, %dma_wait3A_230] : memref<10240x64xf32, #tpu.memory_space<vmem_shared>> -> memref<10240x64xf32, #tpu.memory_space<vmem_shared>>
          tpu.wait_indirect_dma semaphore(%arg22 : memref<!tpu.dma_semaphore, #tpu.memory_space<semaphore_mem>>) src(%arg12 : memref<64x64xf32, #tpu.memory_space<vmem>>) dst(%dma_wait3A_231 : memref<10240x64xf32, #tpu.memory_space<vmem_shared>>)
        } else {
        }
        %add3A_216 = arith.constant 4 : i32
        %add3A_217 = arith.addi %add3A_119, %add3A_216 : i32
        %sub3A_218 = arith.constant 1 : i32
        %sub3A_219 = arith.subi %add3A_217, %sub3A_218 : i32
        %dma_start3A_220 = arith.constant 0 : i32
        %dma_start3A_221 = tpu.memref_slice %arg7[%sub3A_219, %dma_start3A_220] : memref<160x64xi32, #tpu.memory_space<vmem>> -> memref<1x64xi32, #tpu.memory_space<vmem>>
        %dma_start3A_222 = tpu.memref_squeeze %dma_start3A_221 : memref<1x64xi32, #tpu.memory_space<vmem>> -> memref<64xi32, #tpu.memory_space<vmem>>
        %dma_start3A_223 = arith.constant 0 : i32
        %dma_start3A_224 = arith.constant 0 : i32
        %dma_start3A_225 = tpu.memref_slice %arg13[%dma_start3A_223, %dma_start3A_224] : memref<10240x64xf32, #tpu.memory_space<vmem_shared>> -> memref<10240x64xf32, #tpu.memory_space<vmem_shared>>
        tpu.enqueue_indirect_dma source(%dma_start3A_225 : memref<10240x64xf32, #tpu.memory_space<vmem_shared>>) target(%arg12 : memref<64x64xf32, #tpu.memory_space<vmem>>) offsets(%dma_start3A_222 : memref<64xi32, #tpu.memory_space<vmem>>) semaphore(%arg18 : memref<!tpu.dma_semaphore, #tpu.memory_space<semaphore_mem>>)
      } else {
      }
      %mul3A_137 = arith.constant 4 : i32
      %mul3A_138 = arith.muli %scan3A_115, %mul3A_137 : i32
      %add3A_139 = arith.constant 1 : i32
      %add3A_140 = arith.addi %mul3A_138, %add3A_139 : i32
      %dma_wait3A_141 = arith.constant 0 : i32
      %dma_wait3A_142 = tpu.memref_slice %arg7[%add3A_140, %dma_wait3A_141] : memref<160x64xi32, #tpu.memory_space<vmem>> -> memref<1x64xi32, #tpu.memory_space<vmem>>
      %dma_wait3A_143 = tpu.memref_squeeze %dma_wait3A_142 : memref<1x64xi32, #tpu.memory_space<vmem>> -> memref<64xi32, #tpu.memory_space<vmem>>
      %dma_wait3A_144 = arith.constant 0 : i32
      %dma_wait3A_145 = arith.constant 0 : i32
      %dma_wait3A_146 = tpu.memref_slice %arg13[%dma_wait3A_144, %dma_wait3A_145] : memref<10240x64xf32, #tpu.memory_space<vmem_shared>> -> memref<10240x64xf32, #tpu.memory_space<vmem_shared>>
      tpu.wait_indirect_dma semaphore(%arg16 : memref<!tpu.dma_semaphore, #tpu.memory_space<semaphore_mem>>) src(%dma_wait3A_146 : memref<10240x64xf32, #tpu.memory_space<vmem_shared>>) dst(%arg10 : memref<64x64xf32, #tpu.memory_space<vmem>>)
      %dma_start3A_147 = arith.constant 0 : i32
      %dma_start3A_148 = tpu.memref_slice %arg8[%add3A_140, %dma_start3A_147] : memref<160x64xi32, #tpu.memory_space<vmem>> -> memref<1x64xi32, #tpu.memory_space<vmem>>
      %dma_start3A_149 = tpu.memref_squeeze %dma_start3A_148 : memref<1x64xi32, #tpu.memory_space<vmem>> -> memref<64xi32, #tpu.memory_space<vmem>>
      %dma_start3A_150 = arith.constant 0 : i32
      %dma_start3A_151 = arith.constant 0 : i32
      %dma_start3A_152 = tpu.memref_slice %arg14[%dma_start3A_150, %dma_start3A_151] : memref<10240x64xf32, #tpu.memory_space<vmem_shared>> -> memref<10240x64xf32, #tpu.memory_space<vmem_shared>>
      tpu.enqueue_indirect_dma source(%arg10 : memref<64x64xf32, #tpu.memory_space<vmem>>) target(%dma_start3A_152 : memref<10240x64xf32, #tpu.memory_space<vmem_shared>>) offsets(%dma_start3A_149 : memref<64xi32, #tpu.memory_space<vmem>>) semaphore(%arg20 : memref<!tpu.dma_semaphore, #tpu.memory_space<semaphore_mem>>) {add = true}
      %add3A_153 = arith.constant 4 : i32
      %add3A_154 = arith.addi %add3A_140, %add3A_153 : i32
      %sub3A_155 = arith.constant 1 : i32
      %sub3A_156 = arith.subi %add3A_154, %sub3A_155 : i32
      %lt3A_157 = arith.constant 160 : i32
      %lt3A_158 = arith.cmpi slt, %sub3A_156, %lt3A_157 : i32
      %convert_element_type3A_159 = arith.extui %lt3A_158 : i1 to i32
      %cond3A_160 = arith.constant 0 : i32
      %cond3A_161 = arith.cmpi ne, %convert_element_type3A_159, %cond3A_160 : i32
      scf.if %cond3A_161 {
        %ge3A = arith.constant 1 : i32
        %ge3A_212 = arith.cmpi sge, %add3A_140, %ge3A : i32
        %convert_element_type3A_213 = arith.extui %ge3A_212 : i1 to i32
        %cond3A_214 = arith.constant 0 : i32
        %cond3A_215 = arith.cmpi ne, %convert_element_type3A_213, %cond3A_214 : i32
        scf.if %cond3A_215 {
          %dma_wait3A_226 = arith.constant 0 : i32
          %dma_wait3A_227 = tpu.memref_slice %arg8[%add3A_140, %dma_wait3A_226] : memref<160x64xi32, #tpu.memory_space<vmem>> -> memref<1x64xi32, #tpu.memory_space<vmem>>
          %dma_wait3A_228 = tpu.memref_squeeze %dma_wait3A_227 : memref<1x64xi32, #tpu.memory_space<vmem>> -> memref<64xi32, #tpu.memory_space<vmem>>
          %dma_wait3A_229 = arith.constant 0 : i32
          %dma_wait3A_230 = arith.constant 0 : i32
          %dma_wait3A_231 = tpu.memref_slice %arg14[%dma_wait3A_229, %dma_wait3A_230] : memref<10240x64xf32, #tpu.memory_space<vmem_shared>> -> memref<10240x64xf32, #tpu.memory_space<vmem_shared>>
          tpu.wait_indirect_dma semaphore(%arg19 : memref<!tpu.dma_semaphore, #tpu.memory_space<semaphore_mem>>) src(%arg9 : memref<64x64xf32, #tpu.memory_space<vmem>>) dst(%dma_wait3A_231 : memref<10240x64xf32, #tpu.memory_space<vmem_shared>>)
        } else {
        }
        %add3A_216 = arith.constant 4 : i32
        %add3A_217 = arith.addi %add3A_140, %add3A_216 : i32
        %sub3A_218 = arith.constant 1 : i32
        %sub3A_219 = arith.subi %add3A_217, %sub3A_218 : i32
        %dma_start3A_220 = arith.constant 0 : i32
        %dma_start3A_221 = tpu.memref_slice %arg7[%sub3A_219, %dma_start3A_220] : memref<160x64xi32, #tpu.memory_space<vmem>> -> memref<1x64xi32, #tpu.memory_space<vmem>>
        %dma_start3A_222 = tpu.memref_squeeze %dma_start3A_221 : memref<1x64xi32, #tpu.memory_space<vmem>> -> memref<64xi32, #tpu.memory_space<vmem>>
        %dma_start3A_223 = arith.constant 0 : i32
        %dma_start3A_224 = arith.constant 0 : i32
        %dma_start3A_225 = tpu.memref_slice %arg13[%dma_start3A_223, %dma_start3A_224] : memref<10240x64xf32, #tpu.memory_space<vmem_shared>> -> memref<10240x64xf32, #tpu.memory_space<vmem_shared>>
        tpu.enqueue_indirect_dma source(%dma_start3A_225 : memref<10240x64xf32, #tpu.memory_space<vmem_shared>>) target(%arg9 : memref<64x64xf32, #tpu.memory_space<vmem>>) offsets(%dma_start3A_222 : memref<64xi32, #tpu.memory_space<vmem>>) semaphore(%arg15 : memref<!tpu.dma_semaphore, #tpu.memory_space<semaphore_mem>>)
      } else {
      }
      %mul3A_162 = arith.constant 4 : i32
      %mul3A_163 = arith.muli %scan3A_115, %mul3A_162 : i32
      %add3A_164 = arith.constant 2 : i32
      %add3A_165 = arith.addi %mul3A_163, %add3A_164 : i32
      %dma_wait3A_166 = arith.constant 0 : i32
      %dma_wait3A_167 = tpu.memref_slice %arg7[%add3A_165, %dma_wait3A_166] : memref<160x64xi32, #tpu.memory_space<vmem>> -> memref<1x64xi32, #tpu.memory_space<vmem>>
      %dma_wait3A_168 = tpu.memref_squeeze %dma_wait3A_167 : memref<1x64xi32, #tpu.memory_space<vmem>> -> memref<64xi32, #tpu.memory_space<vmem>>
      %dma_wait3A_169 = arith.constant 0 : i32
      %dma_wait3A_170 = arith.constant 0 : i32
      %dma_wait3A_171 = tpu.memref_slice %arg13[%dma_wait3A_169, %dma_wait3A_170] : memref<10240x64xf32, #tpu.memory_space<vmem_shared>> -> memref<10240x64xf32, #tpu.memory_space<vmem_shared>>
      tpu.wait_indirect_dma semaphore(%arg17 : memref<!tpu.dma_semaphore, #tpu.memory_space<semaphore_mem>>) src(%dma_wait3A_171 : memref<10240x64xf32, #tpu.memory_space<vmem_shared>>) dst(%arg11 : memref<64x64xf32, #tpu.memory_space<vmem>>)
      %dma_start3A_172 = arith.constant 0 : i32
      %dma_start3A_173 = tpu.memref_slice %arg8[%add3A_165, %dma_start3A_172] : memref<160x64xi32, #tpu.memory_space<vmem>> -> memref<1x64xi32, #tpu.memory_space<vmem>>
      %dma_start3A_174 = tpu.memref_squeeze %dma_start3A_173 : memref<1x64xi32, #tpu.memory_space<vmem>> -> memref<64xi32, #tpu.memory_space<vmem>>
      %dma_start3A_175 = arith.constant 0 : i32
      %dma_start3A_176 = arith.constant 0 : i32
      %dma_start3A_177 = tpu.memref_slice %arg14[%dma_start3A_175, %dma_start3A_176] : memref<10240x64xf32, #tpu.memory_space<vmem_shared>> -> memref<10240x64xf32, #tpu.memory_space<vmem_shared>>
      tpu.enqueue_indirect_dma source(%arg11 : memref<64x64xf32, #tpu.memory_space<vmem>>) target(%dma_start3A_177 : memref<10240x64xf32, #tpu.memory_space<vmem_shared>>) offsets(%dma_start3A_174 : memref<64xi32, #tpu.memory_space<vmem>>) semaphore(%arg21 : memref<!tpu.dma_semaphore, #tpu.memory_space<semaphore_mem>>) {add = true}
      %add3A_178 = arith.constant 4 : i32
      %add3A_179 = arith.addi %add3A_165, %add3A_178 : i32
      %sub3A_180 = arith.constant 1 : i32
      %sub3A_181 = arith.subi %add3A_179, %sub3A_180 : i32
      %lt3A_182 = arith.constant 160 : i32
      %lt3A_183 = arith.cmpi slt, %sub3A_181, %lt3A_182 : i32
      %convert_element_type3A_184 = arith.extui %lt3A_183 : i1 to i32
      %cond3A_185 = arith.constant 0 : i32
      %cond3A_186 = arith.cmpi ne, %convert_element_type3A_184, %cond3A_185 : i32
      scf.if %cond3A_186 {
        %ge3A = arith.constant 1 : i32
        %ge3A_212 = arith.cmpi sge, %add3A_165, %ge3A : i32
        %convert_element_type3A_213 = arith.extui %ge3A_212 : i1 to i32
        %cond3A_214 = arith.constant 0 : i32
        %cond3A_215 = arith.cmpi ne, %convert_element_type3A_213, %cond3A_214 : i32
        scf.if %cond3A_215 {
          %dma_wait3A_226 = arith.constant 0 : i32
          %dma_wait3A_227 = tpu.memref_slice %arg8[%add3A_165, %dma_wait3A_226] : memref<160x64xi32, #tpu.memory_space<vmem>> -> memref<1x64xi32, #tpu.memory_space<vmem>>
          %dma_wait3A_228 = tpu.memref_squeeze %dma_wait3A_227 : memref<1x64xi32, #tpu.memory_space<vmem>> -> memref<64xi32, #tpu.memory_space<vmem>>
          %dma_wait3A_229 = arith.constant 0 : i32
          %dma_wait3A_230 = arith.constant 0 : i32
          %dma_wait3A_231 = tpu.memref_slice %arg14[%dma_wait3A_229, %dma_wait3A_230] : memref<10240x64xf32, #tpu.memory_space<vmem_shared>> -> memref<10240x64xf32, #tpu.memory_space<vmem_shared>>
          tpu.wait_indirect_dma semaphore(%arg20 : memref<!tpu.dma_semaphore, #tpu.memory_space<semaphore_mem>>) src(%arg10 : memref<64x64xf32, #tpu.memory_space<vmem>>) dst(%dma_wait3A_231 : memref<10240x64xf32, #tpu.memory_space<vmem_shared>>)
        } else {
        }
        %add3A_216 = arith.constant 4 : i32
        %add3A_217 = arith.addi %add3A_165, %add3A_216 : i32
        %sub3A_218 = arith.constant 1 : i32
        %sub3A_219 = arith.subi %add3A_217, %sub3A_218 : i32
        %dma_start3A_220 = arith.constant 0 : i32
        %dma_start3A_221 = tpu.memref_slice %arg7[%sub3A_219, %dma_start3A_220] : memref<160x64xi32, #tpu.memory_space<vmem>> -> memref<1x64xi32, #tpu.memory_space<vmem>>
        %dma_start3A_222 = tpu.memref_squeeze %dma_start3A_221 : memref<1x64xi32, #tpu.memory_space<vmem>> -> memref<64xi32, #tpu.memory_space<vmem>>
        %dma_start3A_223 = arith.constant 0 : i32
        %dma_start3A_224 = arith.constant 0 : i32
        %dma_start3A_225 = tpu.memref_slice %arg13[%dma_start3A_223, %dma_start3A_224] : memref<10240x64xf32, #tpu.memory_space<vmem_shared>> -> memref<10240x64xf32, #tpu.memory_space<vmem_shared>>
        tpu.enqueue_indirect_dma source(%dma_start3A_225 : memref<10240x64xf32, #tpu.memory_space<vmem_shared>>) target(%arg10 : memref<64x64xf32, #tpu.memory_space<vmem>>) offsets(%dma_start3A_222 : memref<64xi32, #tpu.memory_space<vmem>>) semaphore(%arg16 : memref<!tpu.dma_semaphore, #tpu.memory_space<semaphore_mem>>)
      } else {
      }
      %mul3A_187 = arith.constant 4 : i32
      %mul3A_188 = arith.muli %scan3A_115, %mul3A_187 : i32
      %add3A_189 = arith.constant 3 : i32
      %add3A_190 = arith.addi %mul3A_188, %add3A_189 : i32
      %dma_wait3A_191 = arith.constant 0 : i32
      %dma_wait3A_192 = tpu.memref_slice %arg7[%add3A_190, %dma_wait3A_191] : memref<160x64xi32, #tpu.memory_space<vmem>> -> memref<1x64xi32, #tpu.memory_space<vmem>>
      %dma_wait3A_193 = tpu.memref_squeeze %dma_wait3A_192 : memref<1x64xi32, #tpu.memory_space<vmem>> -> memref<64xi32, #tpu.memory_space<vmem>>
      %dma_wait3A_194 = arith.constant 0 : i32
      %dma_wait3A_195 = arith.constant 0 : i32
      %dma_wait3A_196 = tpu.memref_slice %arg13[%dma_wait3A_194, %dma_wait3A_195] : memref<10240x64xf32, #tpu.memory_space<vmem_shared>> -> memref<10240x64xf32, #tpu.memory_space<vmem_shared>>
      tpu.wait_indirect_dma semaphore(%arg18 : memref<!tpu.dma_semaphore, #tpu.memory_space<semaphore_mem>>) src(%dma_wait3A_196 : memref<10240x64xf32, #tpu.memory_space<vmem_shared>>) dst(%arg12 : memref<64x64xf32, #tpu.memory_space<vmem>>)
      %dma_start3A_197 = arith.constant 0 : i32
      %dma_start3A_198 = tpu.memref_slice %arg8[%add3A_190, %dma_start3A_197] : memref<160x64xi32, #tpu.memory_space<vmem>> -> memref<1x64xi32, #tpu.memory_space<vmem>>
      %dma_start3A_199 = tpu.memref_squeeze %dma_start3A_198 : memref<1x64xi32, #tpu.memory_space<vmem>> -> memref<64xi32, #tpu.memory_space<vmem>>
      %dma_start3A_200 = arith.constant 0 : i32
      %dma_start3A_201 = arith.constant 0 : i32
      %dma_start3A_202 = tpu.memref_slice %arg14[%dma_start3A_200, %dma_start3A_201] : memref<10240x64xf32, #tpu.memory_space<vmem_shared>> -> memref<10240x64xf32, #tpu.memory_space<vmem_shared>>
      tpu.enqueue_indirect_dma source(%arg12 : memref<64x64xf32, #tpu.memory_space<vmem>>) target(%dma_start3A_202 : memref<10240x64xf32, #tpu.memory_space<vmem_shared>>) offsets(%dma_start3A_199 : memref<64xi32, #tpu.memory_space<vmem>>) semaphore(%arg22 : memref<!tpu.dma_semaphore, #tpu.memory_space<semaphore_mem>>) {add = true}
      %add3A_203 = arith.constant 4 : i32
      %add3A_204 = arith.addi %add3A_190, %add3A_203 : i32
      %sub3A_205 = arith.constant 1 : i32
      %sub3A_206 = arith.subi %add3A_204, %sub3A_205 : i32
      %lt3A_207 = arith.constant 160 : i32
      %lt3A_208 = arith.cmpi slt, %sub3A_206, %lt3A_207 : i32
      %convert_element_type3A_209 = arith.extui %lt3A_208 : i1 to i32
      %cond3A_210 = arith.constant 0 : i32
      %cond3A_211 = arith.cmpi ne, %convert_element_type3A_209, %cond3A_210 : i32
      scf.if %cond3A_211 {
        %ge3A = arith.constant 1 : i32
        %ge3A_212 = arith.cmpi sge, %add3A_190, %ge3A : i32
        %convert_element_type3A_213 = arith.extui %ge3A_212 : i1 to i32
        %cond3A_214 = arith.constant 0 : i32
        %cond3A_215 = arith.cmpi ne, %convert_element_type3A_213, %cond3A_214 : i32
        scf.if %cond3A_215 {
          %dma_wait3A_226 = arith.constant 0 : i32
          %dma_wait3A_227 = tpu.memref_slice %arg8[%add3A_190, %dma_wait3A_226] : memref<160x64xi32, #tpu.memory_space<vmem>> -> memref<1x64xi32, #tpu.memory_space<vmem>>
          %dma_wait3A_228 = tpu.memref_squeeze %dma_wait3A_227 : memref<1x64xi32, #tpu.memory_space<vmem>> -> memref<64xi32, #tpu.memory_space<vmem>>
          %dma_wait3A_229 = arith.constant 0 : i32
          %dma_wait3A_230 = arith.constant 0 : i32
          %dma_wait3A_231 = tpu.memref_slice %arg14[%dma_wait3A_229, %dma_wait3A_230] : memref<10240x64xf32, #tpu.memory_space<vmem_shared>> -> memref<10240x64xf32, #tpu.memory_space<vmem_shared>>
          tpu.wait_indirect_dma semaphore(%arg21 : memref<!tpu.dma_semaphore, #tpu.memory_space<semaphore_mem>>) src(%arg11 : memref<64x64xf32, #tpu.memory_space<vmem>>) dst(%dma_wait3A_231 : memref<10240x64xf32, #tpu.memory_space<vmem_shared>>)
        } else {
        }
        %add3A_216 = arith.constant 4 : i32
        %add3A_217 = arith.addi %add3A_190, %add3A_216 : i32
        %sub3A_218 = arith.constant 1 : i32
        %sub3A_219 = arith.subi %add3A_217, %sub3A_218 : i32
        %dma_start3A_220 = arith.constant 0 : i32
        %dma_start3A_221 = tpu.memref_slice %arg7[%sub3A_219, %dma_start3A_220] : memref<160x64xi32, #tpu.memory_space<vmem>> -> memref<1x64xi32, #tpu.memory_space<vmem>>
        %dma_start3A_222 = tpu.memref_squeeze %dma_start3A_221 : memref<1x64xi32, #tpu.memory_space<vmem>> -> memref<64xi32, #tpu.memory_space<vmem>>
        %dma_start3A_223 = arith.constant 0 : i32
        %dma_start3A_224 = arith.constant 0 : i32
        %dma_start3A_225 = tpu.memref_slice %arg13[%dma_start3A_223, %dma_start3A_224] : memref<10240x64xf32, #tpu.memory_space<vmem_shared>> -> memref<10240x64xf32, #tpu.memory_space<vmem_shared>>
        tpu.enqueue_indirect_dma source(%dma_start3A_225 : memref<10240x64xf32, #tpu.memory_space<vmem_shared>>) target(%arg11 : memref<64x64xf32, #tpu.memory_space<vmem>>) offsets(%dma_start3A_222 : memref<64xi32, #tpu.memory_space<vmem>>) semaphore(%arg17 : memref<!tpu.dma_semaphore, #tpu.memory_space<semaphore_mem>>)
      } else {
      }
    }
    %scan3A_85 = arith.constant 40 : i32
    %dma_wait3A_86 = arith.constant 0 : i32
    %dma_wait3A_87 = arith.constant 0 : i32
    %dma_wait3A_88 = tpu.memref_slice %arg8[%dma_wait3A_86, %dma_wait3A_87] : memref<160x64xi32, #tpu.memory_space<vmem>> -> memref<1x64xi32, #tpu.memory_space<vmem>>
    %dma_wait3A_89 = tpu.memref_squeeze %dma_wait3A_88 : memref<1x64xi32, #tpu.memory_space<vmem>> -> memref<64xi32, #tpu.memory_space<vmem>>
    %dma_wait3A_90 = arith.constant 0 : i32
    %dma_wait3A_91 = arith.constant 0 : i32
    %dma_wait3A_92 = tpu.memref_slice %arg14[%dma_wait3A_90, %dma_wait3A_91] : memref<10240x64xf32, #tpu.memory_space<vmem_shared>> -> memref<10240x64xf32, #tpu.memory_space<vmem_shared>>
    tpu.wait_indirect_dma semaphore(%arg19 : memref<!tpu.dma_semaphore, #tpu.memory_space<semaphore_mem>>) src(%arg9 : memref<64x64xf32, #tpu.memory_space<vmem>>) dst(%dma_wait3A_92 : memref<10240x64xf32, #tpu.memory_space<vmem_shared>>)
    %dma_wait3A_93 = arith.constant 1 : i32
    %dma_wait3A_94 = arith.constant 0 : i32
    %dma_wait3A_95 = tpu.memref_slice %arg8[%dma_wait3A_93, %dma_wait3A_94] : memref<160x64xi32, #tpu.memory_space<vmem>> -> memref<1x64xi32, #tpu.memory_space<vmem>>
    %dma_wait3A_96 = tpu.memref_squeeze %dma_wait3A_95 : memref<1x64xi32, #tpu.memory_space<vmem>> -> memref<64xi32, #tpu.memory_space<vmem>>
    %dma_wait3A_97 = arith.constant 0 : i32
    %dma_wait3A_98 = arith.constant 0 : i32
    %dma_wait3A_99 = tpu.memref_slice %arg14[%dma_wait3A_97, %dma_wait3A_98] : memref<10240x64xf32, #tpu.memory_space<vmem_shared>> -> memref<10240x64xf32, #tpu.memory_space<vmem_shared>>
    tpu.wait_indirect_dma semaphore(%arg20 : memref<!tpu.dma_semaphore, #tpu.memory_space<semaphore_mem>>) src(%arg10 : memref<64x64xf32, #tpu.memory_space<vmem>>) dst(%dma_wait3A_99 : memref<10240x64xf32, #tpu.memory_space<vmem_shared>>)
    %dma_wait3A_100 = arith.constant 2 : i32
    %dma_wait3A_101 = arith.constant 0 : i32
    %dma_wait3A_102 = tpu.memref_slice %arg8[%dma_wait3A_100, %dma_wait3A_101] : memref<160x64xi32, #tpu.memory_space<vmem>> -> memref<1x64xi32, #tpu.memory_space<vmem>>
    %dma_wait3A_103 = tpu.memref_squeeze %dma_wait3A_102 : memref<1x64xi32, #tpu.memory_space<vmem>> -> memref<64xi32, #tpu.memory_space<vmem>>
    %dma_wait3A_104 = arith.constant 0 : i32
    %dma_wait3A_105 = arith.constant 0 : i32
    %dma_wait3A_106 = tpu.memref_slice %arg14[%dma_wait3A_104, %dma_wait3A_105] : memref<10240x64xf32, #tpu.memory_space<vmem_shared>> -> memref<10240x64xf32, #tpu.memory_space<vmem_shared>>
    tpu.wait_indirect_dma semaphore(%arg21 : memref<!tpu.dma_semaphore, #tpu.memory_space<semaphore_mem>>) src(%arg11 : memref<64x64xf32, #tpu.memory_space<vmem>>) dst(%dma_wait3A_106 : memref<10240x64xf32, #tpu.memory_space<vmem_shared>>)
    %dma_wait3A_107 = arith.constant 3 : i32
    %dma_wait3A_108 = arith.constant 0 : i32
    %dma_wait3A_109 = tpu.memref_slice %arg8[%dma_wait3A_107, %dma_wait3A_108] : memref<160x64xi32, #tpu.memory_space<vmem>> -> memref<1x64xi32, #tpu.memory_space<vmem>>
    %dma_wait3A_110 = tpu.memref_squeeze %dma_wait3A_109 : memref<1x64xi32, #tpu.memory_space<vmem>> -> memref<64xi32, #tpu.memory_space<vmem>>
    %dma_wait3A_111 = arith.constant 0 : i32
    %dma_wait3A_112 = arith.constant 0 : i32
    %dma_wait3A_113 = tpu.memref_slice %arg14[%dma_wait3A_111, %dma_wait3A_112] : memref<10240x64xf32, #tpu.memory_space<vmem_shared>> -> memref<10240x64xf32, #tpu.memory_space<vmem_shared>>
    tpu.wait_indirect_dma semaphore(%arg22 : memref<!tpu.dma_semaphore, #tpu.memory_space<semaphore_mem>>) src(%arg12 : memref<64x64xf32, #tpu.memory_space<vmem>>) dst(%dma_wait3A_113 : memref<10240x64xf32, #tpu.memory_space<vmem_shared>>)
    %barrier3A_114 = arith.constant 0 : index
    tpu.barrier barrier_id(%barrier3A_114)
    "tpu.region"() ({
      %run_scoped3A = tpu.sem_alloc : memref<!tpu.dma_semaphore, #tpu.memory_space<semaphore_mem>>
      %dma_start3A_115 = arith.constant 64 : i32
      %dma_start3A_116 = tpu.memref_slice %arg6[%arg0, %mul3A_2, %dma_start3A_115] : memref<2x10240x128xf32, #tpu.memory_space<hbm>> -> memref<1x640x64xf32, #tpu.memory_space<hbm>>
      %dma_start3A_117 = tpu.memref_squeeze %dma_start3A_116 : memref<1x640x64xf32, #tpu.memory_space<hbm>> -> memref<640x64xf32, #tpu.memory_space<hbm>>
      %dma_start3A_118 = arith.constant 0 : i32
      %dma_start3A_119 = tpu.memref_slice %arg14[%mul3A_2, %dma_start3A_118] : memref<10240x64xf32, #tpu.memory_space<vmem_shared>> -> memref<640x64xf32, #tpu.memory_space<vmem_shared>>
      tpu.enqueue_dma source(%dma_start3A_119 : memref<640x64xf32, #tpu.memory_space<vmem_shared>>) target(%dma_start3A_117 : memref<640x64xf32, #tpu.memory_space<hbm>>) target_semaphore(%run_scoped3A : memref<!tpu.dma_semaphore, #tpu.memory_space<semaphore_mem>>)
      %dma_wait3A_120 = arith.constant 64 : i32
      %dma_wait3A_121 = tpu.memref_slice %arg6[%arg0, %mul3A_2, %dma_wait3A_120] : memref<2x10240x128xf32, #tpu.memory_space<hbm>> -> memref<1x640x64xf32, #tpu.memory_space<hbm>>
      %dma_wait3A_122 = tpu.memref_squeeze %dma_wait3A_121 : memref<1x640x64xf32, #tpu.memory_space<hbm>> -> memref<640x64xf32, #tpu.memory_space<hbm>>
      %dma_wait3A_123 = arith.constant 0 : i32
      %dma_wait3A_124 = tpu.memref_slice %arg14[%mul3A_2, %dma_wait3A_123] : memref<10240x64xf32, #tpu.memory_space<vmem_shared>> -> memref<640x64xf32, #tpu.memory_space<vmem_shared>>
      tpu.wait_dma2 semaphore(%run_scoped3A : memref<!tpu.dma_semaphore, #tpu.memory_space<semaphore_mem>>) src(%dma_wait3A_124 : memref<640x64xf32, #tpu.memory_space<vmem_shared>>) dst(%dma_wait3A_122 : memref<640x64xf32, #tpu.memory_space<hbm>>)
      tpu.yield
    }) : () -> ()
    return
  }
}

module attributes {stable_mosaic.version = 14 : i64} {
  func.func @_tcA1_body(%arg0: i32, %arg1: memref<1000x128xf32, #tpu.memory_space<vmem>>, %arg2: memref<128x128xf32, #tpu.memory_space<vmem>>, %arg3: memref<1000x128xf32, #tpu.memory_space<vmem>>) attributes {dimension_semantics = [#tpu.dimension_semantics<arbitrary>], iteration_bounds = array<i64: 10>, scalar_prefetch = 0 : i64, scratch_operands = 0 : i64, tpu.core_type = #tpu.core_type<tc>, window_params = [{transform_indices = @transform_0, window_bounds = array<i64: 1000, 128>}, {pipeline_mode = #tpu.pipeline_mode<synchronous>, transform_indices = @transform_1, window_bounds = array<i64: 128, 128>}, {transform_indices = @transform_2, window_bounds = array<i64: 1000, 128>}]} {
    %get3A = arith.constant 0 : index
    %get3A_0 = arith.constant 0 : index
    %get3A_1 = vector.load %arg1[%get3A, %get3A_0] : memref<1000x128xf32, #tpu.memory_space<vmem>>, vector<1000x128xf32>
    %get3A_2 = arith.constant 0 : index
    %get3A_3 = arith.constant 0 : index
    %get3A_4 = vector.load %arg2[%get3A_2, %get3A_3] : memref<128x128xf32, #tpu.memory_space<vmem>>, vector<128x128xf32>
    %dot_general3A = arith.constant dense<0.000000e+00> : vector<1000x128xf32>
    %dot_general3A_5 = tpu.matmul %get3A_1, %get3A_4, %dot_general3A {dimension_numbers = #tpu.dot_dimension_numbers<[1], [0], [0], [1], [0, 0, 1, 1], [], []>, transpose_lhs_hint = false} : vector<1000x128xf32>, vector<128x128xf32>, vector<1000x128xf32> -> vector<1000x128xf32>
    %swap3A = arith.constant 0 : index
    %swap3A_6 = arith.constant 0 : index
    %swap3A_7 = vector.load %arg3[%swap3A, %swap3A_6] : memref<1000x128xf32, #tpu.memory_space<vmem>>, vector<1000x128xf32>
    tpu.vector_store %arg3[%swap3A, %swap3A_6], %dot_general3A_5 {strides = array<i32>} : memref<1000x128xf32, #tpu.memory_space<vmem>>, vector<1000x128xf32>,
    return
  }
  func.func @transform_0(%arg0: i32) -> (i32, i32) {
    %c0_i32 = arith.constant 0 : i32
    %c0_i32_0 = arith.constant 0 : i32
    return %arg0, %c0_i32 : i32, i32
  }
  func.func @transform_1(%arg0: i32) -> (i32, i32) {
    %c0_i32 = arith.constant 0 : i32
    %c0_i32_0 = arith.constant 0 : i32
    %c0_i32_1 = arith.constant 0 : i32
    return %c0_i32, %c0_i32_0 : i32, i32
  }
  func.func @transform_2(%arg0: i32) -> (i32, i32) {
    %c0_i32 = arith.constant 0 : i32
    %c0_i32_0 = arith.constant 0 : i32
    return %arg0, %c0_i32 : i32, i32
  }
}

module attributes {stable_mosaic.version = 14 : i64} {
  func.func @_tcA2_body(%arg0: i32, %arg1: memref<2x1000x8xf32, #tpu.memory_space<vmem>>, %arg2: memref<1000x128xf32, #tpu.memory_space<vmem>>, %arg3: memref<1000x1xf32, #tpu.memory_space<vmem>>, %arg4: memref<1000x128xf32, #tpu.memory_space<vmem>>) attributes {dimension_semantics = [#tpu.dimension_semantics<arbitrary>], iteration_bounds = array<i64: 10>, scalar_prefetch = 0 : i64, scratch_operands = 0 : i64, tpu.core_type = #tpu.core_type<tc>, window_params = [{transform_indices = @transform_0, window_bounds = array<i64: 2, 1000, 8>}, {transform_indices = @transform_1, window_bounds = array<i64: 1000, 128>}, {transform_indices = @transform_2, window_bounds = array<i64: 1000, 1>}, {transform_indices = @transform_3, window_bounds = array<i64: 1000, 128>}]} {
    %get3A = arith.constant 0 : index
    %get3A_0 = arith.constant 0 : index
    %get3A_1 = arith.constant 0 : index
    %get3A_2 = vector.load %arg1[%get3A, %get3A_0, %get3A_1] : memref<2x1000x8xf32, #tpu.memory_space<vmem>>, vector<1x1000x1xf32>
    %get3A_3 = vector.shape_cast %get3A_2 : vector<1x1000x1xf32> to vector<1000xf32>
    %get3A_4 = arith.constant 1 : index
    %get3A_5 = arith.constant 0 : index
    %get3A_6 = arith.constant 0 : index
    %get3A_7 = vector.load %arg1[%get3A_4, %get3A_5, %get3A_6] : memref<2x1000x8xf32, #tpu.memory_space<vmem>>, vector<1x1000x1xf32>
    %get3A_8 = vector.shape_cast %get3A_7 : vector<1x1000x1xf32> to vector<1000xf32>
    %add3A = arith.addf %get3A_3, %get3A_8 : vector<1000xf32>
    %add3A_9 = arith.constant 1.000000e+00 : f32
    %add3A_10 = vector.broadcast %add3A_9 : f32 to vector<1000xf32>
    %add3A_11 = arith.addf %add3A, %add3A_10 : vector<1000xf32>
    %rsqrt3A = math.rsqrt %add3A_11 : vector<1000xf32>
    %broadcast_in_dim3A = vector.shape_cast %rsqrt3A : vector<1000xf32> to vector<1000x1xf32>
    %swap3A = arith.constant 0 : index
    %swap3A_12 = arith.constant 0 : index
    %swap3A_13 = vector.load %arg3[%swap3A, %swap3A_12] : memref<1000x1xf32, #tpu.memory_space<vmem>>, vector<1000x1xf32>
    tpu.vector_store %arg3[%swap3A, %swap3A_12], %broadcast_in_dim3A {strides = array<i32>} : memref<1000x1xf32, #tpu.memory_space<vmem>>, vector<1000x1xf32>,
    %get3A_14 = arith.constant 0 : index
    %get3A_15 = arith.constant 0 : index
    %get3A_16 = vector.load %arg2[%get3A_14, %get3A_15] : memref<1000x128xf32, #tpu.memory_space<vmem>>, vector<1000x128xf32>
    %broadcast_in_dim3A_17 = vector.shape_cast %rsqrt3A : vector<1000xf32> to vector<1000x1xf32>
    %mul3A = vector.broadcast %broadcast_in_dim3A_17 : vector<1000x1xf32> to vector<1000x128xf32>
    %mul3A_18 = arith.mulf %get3A_16, %mul3A : vector<1000x128xf32>
    %swap3A_19 = arith.constant 0 : index
    %swap3A_20 = arith.constant 0 : index
    %swap3A_21 = vector.load %arg4[%swap3A_19, %swap3A_20] : memref<1000x128xf32, #tpu.memory_space<vmem>>, vector<1000x128xf32>
    tpu.vector_store %arg4[%swap3A_19, %swap3A_20], %mul3A_18 {strides = array<i32>} : memref<1000x128xf32, #tpu.memory_space<vmem>>, vector<1000x128xf32>,
    return
  }
  func.func @transform_0(%arg0: i32) -> (i32, i32, i32) {
    %c0_i32 = arith.constant 0 : i32
    %c0_i32_0 = arith.constant 0 : i32
    %c0_i32_1 = arith.constant 0 : i32
    return %c0_i32, %arg0, %c0_i32_0 : i32, i32, i32
  }
  func.func @transform_1(%arg0: i32) -> (i32, i32) {
    %c0_i32 = arith.constant 0 : i32
    %c0_i32_0 = arith.constant 0 : i32
    return %arg0, %c0_i32 : i32, i32
  }
  func.func @transform_2(%arg0: i32) -> (i32, i32) {
    %c0_i32 = arith.constant 0 : i32
    %c0_i32_0 = arith.constant 0 : i32
    return %arg0, %c0_i32 : i32, i32
  }
  func.func @transform_3(%arg0: i32) -> (i32, i32) {
    %c0_i32 = arith.constant 0 : i32
    %c0_i32_0 = arith.constant 0 : i32
    return %arg0, %c0_i32 : i32, i32
  }
}

module attributes {stable_mosaic.version = 14 : i64} {
  func.func @_tcB_body(%arg0: i32, %arg1: memref<2x1000x128xf32, #tpu.memory_space<vmem>>, %arg2: memref<1000x128xf32, #tpu.memory_space<vmem>>, %arg3: memref<1000x1xf32, #tpu.memory_space<vmem>>, %arg4: memref<128x16xf32, #tpu.memory_space<vmem>>, %arg5: memref<1x128xf32, #tpu.memory_space<vmem>>, %arg6: memref<1000x16xf32, #tpu.memory_space<vmem>>) attributes {dimension_semantics = [#tpu.dimension_semantics<arbitrary>], iteration_bounds = array<i64: 10>, scalar_prefetch = 0 : i64, scratch_operands = 0 : i64, tpu.core_type = #tpu.core_type<tc>, window_params = [{transform_indices = @transform_0, window_bounds = array<i64: 2, 1000, 128>}, {transform_indices = @transform_1, window_bounds = array<i64: 1000, 128>}, {transform_indices = @transform_2, window_bounds = array<i64: 1000, 1>}, {pipeline_mode = #tpu.pipeline_mode<synchronous>, transform_indices = @transform_3, window_bounds = array<i64: 128, 16>}, {pipeline_mode = #tpu.pipeline_mode<synchronous>, transform_indices = @transform_4, window_bounds = array<i64: 1, 128>}, {transform_indices = @transform_5, window_bounds = array<i64: 1000, 16>}]} {
    %get3A = arith.constant 0 : index
    %get3A_0 = arith.constant 0 : index
    %get3A_1 = vector.load %arg3[%get3A, %get3A_0] : memref<1000x1xf32, #tpu.memory_space<vmem>>, vector<1000x1xf32>
    %get3A_2 = arith.constant 0 : index
    %get3A_3 = arith.constant 0 : index
    %get3A_4 = vector.load %arg2[%get3A_2, %get3A_3] : memref<1000x128xf32, #tpu.memory_space<vmem>>, vector<1000x128xf32>
    %get3A_5 = arith.constant 0 : index
    %get3A_6 = arith.constant 0 : index
    %get3A_7 = arith.constant 0 : index
    %get3A_8 = vector.load %arg1[%get3A_5, %get3A_6, %get3A_7] : memref<2x1000x128xf32, #tpu.memory_space<vmem>>, vector<1x1000x128xf32>
    %get3A_9 = vector.shape_cast %get3A_8 : vector<1x1000x128xf32> to vector<1000x128xf32>
    %add3A = arith.addf %get3A_4, %get3A_9 : vector<1000x128xf32>
    %get3A_10 = arith.constant 1 : index
    %get3A_11 = arith.constant 0 : index
    %get3A_12 = arith.constant 0 : index
    %get3A_13 = vector.load %arg1[%get3A_10, %get3A_11, %get3A_12] : memref<2x1000x128xf32, #tpu.memory_space<vmem>>, vector<1x1000x128xf32>
    %get3A_14 = vector.shape_cast %get3A_13 : vector<1x1000x128xf32> to vector<1000x128xf32>
    %add3A_15 = arith.addf %add3A, %get3A_14 : vector<1000x128xf32>
    %mul3A = vector.broadcast %get3A_1 : vector<1000x1xf32> to vector<1000x128xf32>
    %mul3A_16 = arith.mulf %add3A_15, %mul3A : vector<1000x128xf32>
    %get3A_17 = arith.constant 0 : index
    %get3A_18 = arith.constant 0 : index
    %get3A_19 = vector.load %arg5[%get3A_17, %get3A_18] : memref<1x128xf32, #tpu.memory_space<vmem>>, vector<1x128xf32>
    %add3A_20 = vector.broadcast %get3A_19 : vector<1x128xf32> to vector<1000x128xf32>
    %add3A_21 = arith.addf %mul3A_16, %add3A_20 : vector<1000x128xf32>
    %max3A = arith.constant 0.000000e+00 : f32
    %max3A_22 = vector.broadcast %max3A : f32 to vector<1000x128xf32>
    %max3A_23 = arith.maximumf %add3A_21, %max3A_22 : vector<1000x128xf32>
    %get3A_24 = arith.constant 0 : index
    %get3A_25 = arith.constant 0 : index
    %get3A_26 = vector.load %arg4[%get3A_24, %get3A_25] : memref<128x16xf32, #tpu.memory_space<vmem>>, vector<128x16xf32>
    %dot_general3A = arith.constant dense<0.000000e+00> : vector<1000x16xf32>
    %dot_general3A_27 = tpu.matmul %max3A_23, %get3A_26, %dot_general3A {dimension_numbers = #tpu.dot_dimension_numbers<[1], [0], [0], [1], [0, 0, 1, 1], [], []>, transpose_lhs_hint = false} : vector<1000x128xf32>, vector<128x16xf32>, vector<1000x16xf32> -> vector<1000x16xf32>
    %mul3A_28 = vector.broadcast %get3A_1 : vector<1000x1xf32> to vector<1000x16xf32>
    %mul3A_29 = arith.mulf %dot_general3A_27, %mul3A_28 : vector<1000x16xf32>
    %swap3A = arith.constant 0 : index
    %swap3A_30 = arith.constant 0 : index
    %swap3A_31 = vector.load %arg6[%swap3A, %swap3A_30] : memref<1000x16xf32, #tpu.memory_space<vmem>>, vector<1000x16xf32>
    tpu.vector_store %arg6[%swap3A, %swap3A_30], %mul3A_29 {strides = array<i32>} : memref<1000x16xf32, #tpu.memory_space<vmem>>, vector<1000x16xf32>,
    return
  }
  func.func @transform_0(%arg0: i32) -> (i32, i32, i32) {
    %c0_i32 = arith.constant 0 : i32
    %c0_i32_0 = arith.constant 0 : i32
    %c0_i32_1 = arith.constant 0 : i32
    return %c0_i32, %arg0, %c0_i32_0 : i32, i32, i32
  }
  func.func @transform_1(%arg0: i32) -> (i32, i32) {
    %c0_i32 = arith.constant 0 : i32
    %c0_i32_0 = arith.constant 0 : i32
    return %arg0, %c0_i32 : i32, i32
  }
  func.func @transform_2(%arg0: i32) -> (i32, i32) {
    %c0_i32 = arith.constant 0 : i32
    %c0_i32_0 = arith.constant 0 : i32
    return %arg0, %c0_i32 : i32, i32
  }
  func.func @transform_3(%arg0: i32) -> (i32, i32) {
    %c0_i32 = arith.constant 0 : i32
    %c0_i32_0 = arith.constant 0 : i32
    %c0_i32_1 = arith.constant 0 : i32
    return %c0_i32, %c0_i32_0 : i32, i32
  }
  func.func @transform_4(%arg0: i32) -> (i32, i32) {
    %c0_i32 = arith.constant 0 : i32
    %c0_i32_0 = arith.constant 0 : i32
    %c0_i32_1 = arith.constant 0 : i32
    return %c0_i32, %c0_i32_0 : i32, i32
  }
  func.func @transform_5(%arg0: i32) -> (i32, i32) {
    %c0_i32 = arith.constant 0 : i32
    %c0_i32_0 = arith.constant 0 : i32
    return %arg0, %c0_i32 : i32, i32
  }
}

module attributes {stable_mosaic.version = 14 : i64} {
  func.func @_tcC_body(%arg0: i32, %arg1: memref<2x1000x16xf32, #tpu.memory_space<vmem>>, %arg2: memref<1000x16xf32, #tpu.memory_space<vmem>>, %arg3: memref<1000x1xf32, #tpu.memory_space<vmem>>, %arg4: memref<1x16xf32, #tpu.memory_space<vmem>>, %arg5: memref<1000x16xf32, #tpu.memory_space<vmem>>) attributes {dimension_semantics = [#tpu.dimension_semantics<arbitrary>], iteration_bounds = array<i64: 10>, scalar_prefetch = 0 : i64, scratch_operands = 0 : i64, tpu.core_type = #tpu.core_type<tc>, window_params = [{transform_indices = @transform_0, window_bounds = array<i64: 2, 1000, 16>}, {transform_indices = @transform_1, window_bounds = array<i64: 1000, 16>}, {transform_indices = @transform_2, window_bounds = array<i64: 1000, 1>}, {pipeline_mode = #tpu.pipeline_mode<synchronous>, transform_indices = @transform_3, window_bounds = array<i64: 1, 16>}, {transform_indices = @transform_4, window_bounds = array<i64: 1000, 16>}]} {
    %get3A = arith.constant 0 : index
    %get3A_0 = arith.constant 0 : index
    %get3A_1 = vector.load %arg2[%get3A, %get3A_0] : memref<1000x16xf32, #tpu.memory_space<vmem>>, vector<1000x16xf32>
    %get3A_2 = arith.constant 0 : index
    %get3A_3 = arith.constant 0 : index
    %get3A_4 = arith.constant 0 : index
    %get3A_5 = vector.load %arg1[%get3A_2, %get3A_3, %get3A_4] : memref<2x1000x16xf32, #tpu.memory_space<vmem>>, vector<1x1000x16xf32>
    %get3A_6 = vector.shape_cast %get3A_5 : vector<1x1000x16xf32> to vector<1000x16xf32>
    %add3A = arith.addf %get3A_1, %get3A_6 : vector<1000x16xf32>
    %get3A_7 = arith.constant 1 : index
    %get3A_8 = arith.constant 0 : index
    %get3A_9 = arith.constant 0 : index
    %get3A_10 = vector.load %arg1[%get3A_7, %get3A_8, %get3A_9] : memref<2x1000x16xf32, #tpu.memory_space<vmem>>, vector<1x1000x16xf32>
    %get3A_11 = vector.shape_cast %get3A_10 : vector<1x1000x16xf32> to vector<1000x16xf32>
    %add3A_12 = arith.addf %add3A, %get3A_11 : vector<1000x16xf32>
    %get3A_13 = arith.constant 0 : index
    %get3A_14 = arith.constant 0 : index
    %get3A_15 = vector.load %arg3[%get3A_13, %get3A_14] : memref<1000x1xf32, #tpu.memory_space<vmem>>, vector<1000x1xf32>
    %mul3A = vector.broadcast %get3A_15 : vector<1000x1xf32> to vector<1000x16xf32>
    %mul3A_16 = arith.mulf %add3A_12, %mul3A : vector<1000x16xf32>
    %get3A_17 = arith.constant 0 : index
    %get3A_18 = arith.constant 0 : index
    %get3A_19 = vector.load %arg4[%get3A_17, %get3A_18] : memref<1x16xf32, #tpu.memory_space<vmem>>, vector<1x16xf32>
    %add3A_20 = vector.broadcast %get3A_19 : vector<1x16xf32> to vector<1000x16xf32>
    %add3A_21 = arith.addf %mul3A_16, %add3A_20 : vector<1000x16xf32>
    %swap3A = arith.constant 0 : index
    %swap3A_22 = arith.constant 0 : index
    %swap3A_23 = vector.load %arg5[%swap3A, %swap3A_22] : memref<1000x16xf32, #tpu.memory_space<vmem>>, vector<1000x16xf32>
    tpu.vector_store %arg5[%swap3A, %swap3A_22], %add3A_21 {strides = array<i32>} : memref<1000x16xf32, #tpu.memory_space<vmem>>, vector<1000x16xf32>,
    return
  }
  func.func @transform_0(%arg0: i32) -> (i32, i32, i32) {
    %c0_i32 = arith.constant 0 : i32
    %c0_i32_0 = arith.constant 0 : i32
    %c0_i32_1 = arith.constant 0 : i32
    return %c0_i32, %arg0, %c0_i32_0 : i32, i32, i32
  }
  func.func @transform_1(%arg0: i32) -> (i32, i32) {
    %c0_i32 = arith.constant 0 : i32
    %c0_i32_0 = arith.constant 0 : i32
    return %arg0, %c0_i32 : i32, i32
  }
  func.func @transform_2(%arg0: i32) -> (i32, i32) {
    %c0_i32 = arith.constant 0 : i32
    %c0_i32_0 = arith.constant 0 : i32
    return %arg0, %c0_i32 : i32, i32
  }
  func.func @transform_3(%arg0: i32) -> (i32, i32) {
    %c0_i32 = arith.constant 0 : i32
    %c0_i32_0 = arith.constant 0 : i32
    %c0_i32_1 = arith.constant 0 : i32
    return %c0_i32, %c0_i32_0 : i32, i32
  }
  func.func @transform_4(%arg0: i32) -> (i32, i32) {
    %c0_i32 = arith.constant 0 : i32
    %c0_i32_0 = arith.constant 0 : i32
    return %arg0, %c0_i32 : i32, i32
  }
}

</mosaic_0001>

<sc_bundles>
// kernel: kernel.12.cloned.1.call-start
scs
__scs_entry_jumppad:
0x0: {  	(pc) =	sbr.rel $0x88, $3  }
0x1: {  	(tag) =	ssettag $0x0;
	lr =	simm.s32 $0x1  }
0x2: {  	[smem:$0x3F9B] =	sst lr;
	_ =	strace $0xD0000000  }
0x3: {  	_ = 	snop  }
0x4: {  	_ = 	snop  }
0x5: {  	_ = 	snop  }
0x6: {  	_ = 	snop  }
0x7: {  	_ = 	snop  }
__scs_overlays_trampoline_lowered:
0x8: {  	[smem:$0x3FAA] =	sst s0  }
0x9: {  	[smem:$0x3FAB] =	sst s1  }
0xa: {  	[smem:$0x3FAC] =	sst s2  }
0xb: {  	[smem:$0x3FAD] =	sst s3  }
0xc: {  	[smem:$0x3FAE] =	sst s4  }
0xd: {  	[smem:$0x3FAF] =	sst s5  }
0xe: {  	[smem:$0x3FB0] =	sst s6  }
0xf: {  	[smem:$0x3FB1] =	sst s7  }
0x10: {  	[smem:$0x3FB2] =	sst s8  }
0x11: {  	[smem:$0x3FB3] =	sst s9;
	s0 =	simm.s32 @!p0 $0x0  }
0x12: {  	s1 =	sld [smem:$0x3F99];
	s0 =	simm.s32 @p0 $0x1  }
0x13: {  	[smem:$0x3FB4] =	sst s0;
	s0 =	simm.s32 @!p1 $0x0  }
0x14: {  	s2 =	sld [smem:$0x3F98];
	s0 =	simm.s32 @p1 $0x1  }
0x15: {  	[smem:$0x3FB5] =	sst s0;
	s0 =	simm.s32 @!p2 $0x0  }
0x16: {  	s3 =	sld [smem:$0x3FDB];
	s0 =	simm.s32 @p2 $0x1  }
0x17: {  	s4 =	simm.s32 $0x1BF5;
	[smem:$0x3FB7] =	sst s0  }
0x18: {  	s0 =	sld [smem:$0x3F9A];
	_ =	swait.ge [sflag:s4], $0x0  }
0x19: {  	s7 =	sld [smem:$0x3F9B]  }
0x1a: {  	s8 =	sadd.s32 $0xFFFFE003, lr  }
0x1b: {  	s9 =	sadd.s32 $0xFFFFFEF7, lr;
	s5 =	simm.s32 $0xFFFFFFFF;
	p2 =	slt.u32 s8, $0xFFFFF086  }
0x1c: {  	p1 =	slt.u32 s9, $0xF7A;
	s5 =	simm.s32 @!p2 $0x0  }
0x1d: {  	s5 =	simm.s32 @p1 $0x1;
	p0 =	seq.s32 s7, s2  }
0x1e: {  	s7 =	smul.u32 @!p0 $0xF7A, s2;
	p2 =	seq.s32 @!p0 s5, $0x0  }
0x1f: {  	s9 =	smul.u32 $0xF7A, s1;
	s8 =	simm.s32 @!p0 $0x1BF5;
	p2 =	por !p2, p0  }
0x20: {  	[sflag:s8] =	ssyncset.s32 @!p0 $0xFFFFF086;
	s6 =	sadd.s32 @!p0 s3, s7;
	s7 =	simm.s32 @!p0 $0x108  }
0x21: {  	s3 =	sadd.s32 s3, s9;
	s6 =	sadd.s32 @!p0 $0x88, s6;
	s7 =	simm.s32 @p2 $0x1082  }
0x22: {  	[simem:s7], [sflag:s8] =	dma.local @!p0 [hbm:s6], $0xF7A  }
0x23: {  	s9 =	sor.u32 $0xD0000000, s2;
	s6 =	simm.s32 $0x108;
	_ =	swait.ge @!p0 [sflag:s8], $0x0  }
0x24: {  	s3 =	sadd.s32 $0x88, s3;
	s6 =	simm.s32 @!p1 $0x1082;
	[sflag:s4] =	ssyncset.s32 $0xFFFFF086  }
0x25: {  	[simem:s6], [sflag:s4] =	dma.local [hbm:s3], $0xF7A  }
0x26: {  	[smem:$0x3F9B] =	sst s1;
	(tag) =	ssettag s2;
	_ =	strace s9  }
0x27: {  	s1 =	sld [smem:$0x3FAB]  }
0x28: {  	s2 =	sld [smem:$0x3FAC]  }
0x29: {  	s4 =	sld [smem:$0x3FAE]  }
0x2a: {  	p0 =	seq.s32 s5, $0x0;
	s5 =	sld [smem:$0x3FAF]  }
0x2b: {  	s6 =	sld [smem:$0x3FB0]  }
0x2c: {  	s7 =	sld [smem:$0x3FB1]  }
0x2d: {  	s3 =	simm.s32 $0x108;
	s8 =	sld [smem:$0x3FB2]  }
0x2e: {  	s3 =	simm.s32 @!p0 $0x1082;
	s9 =	sld [smem:$0x3FB3]  }
0x2f: {  	lr =	sadd.s32 s0, s3;
	s0 =	sld [smem:$0x3FAA]  }
0x30: {  	s3 =	sld [smem:$0x3FAD]  }
0x31: {  	[smem:$0x3FB6] =	sst s10  }
0x32: {  	s10 =	sld [smem:$0x3FB4];
	_ =	sdelay $0x3  }
0x33: {  	p0 =	seq.s32 s10, $0x1;
	s10 =	sld [smem:$0x3FB6];
	_ =	sdelay $0x3  }
0x34: {  	[smem:$0x3FB6] =	sst s10  }
0x35: {  	s10 =	sld [smem:$0x3FB5];
	_ =	sdelay $0x3  }
0x36: {  	p1 =	seq.s32 s10, $0x1;
	s10 =	sld [smem:$0x3FB6];
	_ =	sdelay $0x3  }
0x37: {  	[smem:$0x3FB6] =	sst s10  }
0x38: {  	s10 =	sld [smem:$0x3FB7]  }
0x39: {  	_ = 	snop;
	(pc) =	sbr.ind lr, $3  }
0x3a: {  	_ = 	snop  }
0x3b: {  	_ = 	snop  }
0x3c: {  	p2 =	seq.s32 s10, $0x1;
	s10 =	sld [smem:$0x3FB6]  }
0x3d: {  	_ =	shalt  }
0x3e: {  	_ =	shalt  }
0x3f: {  	_ =	shalt  }
0x40: {  	_ =	shalt  }
0x41: {  	_ =	shalt  }
0x42: {  	_ =	shalt  }
0x43: {  	_ =	shalt  }
0x44: {  	_ =	shalt  }
0x45: {  	_ =	shalt  }
0x46: {  	_ =	shalt  }
0x47: {  	_ =	shalt  }
0x48: {  	_ =	shalt  }
0x49: {  	_ =	shalt  }
0x4a: {  	_ =	shalt  }
0x4b: {  	_ =	shalt  }
0x4c: {  	_ =	shalt  }
0x4d: {  	_ =	shalt  }
0x4e: {  	_ =	shalt  }
0x4f: {  	_ =	shalt  }
0x50: {  	_ =	shalt  }
0x51: {  	_ =	shalt  }
0x52: {  	_ =	shalt  }
0x53: {  	_ =	shalt  }
0x54: {  	_ =	shalt  }
0x55: {  	_ =	shalt  }
0x56: {  	_ =	shalt  }
0x57: {  	_ =	shalt  }
0x58: {  	_ =	shalt  }
0x59: {  	_ =	shalt  }
0x5a: {  	_ =	shalt  }
0x5b: {  	_ =	shalt  }
0x5c: {  	_ =	shalt  }
0x5d: {  	_ =	shalt  }
0x5e: {  	_ =	shalt  }
0x5f: {  	_ =	shalt  }
0x60: {  	_ =	shalt  }
0x61: {  	_ =	shalt  }
0x62: {  	_ =	shalt  }
0x63: {  	_ =	shalt  }
0x64: {  	_ =	shalt  }
0x65: {  	_ =	shalt  }
0x66: {  	_ =	shalt  }
0x67: {  	_ =	shalt  }
0x68: {  	_ =	shalt  }
0x69: {  	_ =	shalt  }
0x6a: {  	_ =	shalt  }
0x6b: {  	_ =	shalt  }
0x6c: {  	_ =	shalt  }
0x6d: {  	_ =	shalt  }
0x6e: {  	_ =	shalt  }
0x6f: {  	_ =	shalt  }
0x70: {  	_ =	shalt  }
0x71: {  	_ =	shalt  }
0x72: {  	_ =	shalt  }
0x73: {  	_ =	shalt  }
0x74: {  	_ =	shalt  }
0x75: {  	_ =	shalt  }
0x76: {  	_ =	shalt  }
0x77: {  	_ =	shalt  }
0x78: {  	_ =	shalt  }
0x79: {  	_ =	shalt  }
0x7a: {  	_ =	shalt  }
0x7b: {  	_ =	shalt  }
0x7c: {  	_ =	shalt  }
0x7d: {  	_ =	shalt  }
0x7e: {  	_ =	shalt  }
0x7f: {  	_ =	shalt  }
0x80: {  	_ =	shalt  }
0x81: {  	_ =	shalt  }
0x82: {  	_ =	shalt  }
0x83: {  	_ =	shalt  }
0x84: {  	_ =	shalt  }
0x85: {  	_ =	shalt  }
0x86: {  	_ =	shalt  }
0x87: {  	_ =	shalt  }
.Lfunc_end0:
.L_simem_size_0:
called_computation.1_lowered:
.L_overlay_start_0:
0x88: {  	s2 =	sld [smem:$0x3FD9]  }
0x89: {  	s3 =	sld [smem:$0x3FFE];
	_ =	sdelay $0x1  }
0x8a: {  	s1 =	srdreg.scid  }
0x8b: {  	s0 =	sand.u32 $0x1, s1  }
0x8c: {  	s16 =	sshll.u32 s0, $0xA;
	s2 =	sadd.s32 s3, s2  }
0x8d: {  	s2 =	sadd.s32 s2, s16  }
0x8e: {  	[smem:$0x3FC2] =	sst s2  }
0x8f: {  	_ = 	snop  }
0x90: {  	(tm) =	ssettm $0x1  }
0x91: {  	s17 =	sld [smem:$0x3FFB];
	_ =	sdelay $0x3  }
0x92: {  	_ =	strace s17  }
0x93: {  	s2 =	sld [smem:$0x3FFC];
	_ =	sdelay $0x3  }
0x94: {  	_ =	strace s2  }
0x95: {  	s2 =	sld [smem:$0x3FFD];
	_ =	sdelay $0x3  }
0x96: {  	_ =	strace s2  }
0x97: {  	_ =	strace $0x8FFFFFFF  }
0x98: {  	s18 =	sld [smem:$0x3FDB];
	_ =	sdelay $0x1  }
0x99: {  	s19 =	simm.s32 $_scs_section_size  }
0x9a: {  	s4 =	simm.s32 $_size__tile_overlayer_lowered;
	s5 =	simm.s32 $_tile_overlayer_lowered  }
0x9b: {  	s22 =	simm.s32 $0x1BFF;
	s21 =	sshll.u32 s5, $0x1;
	s2 =	sadd.s32 s19, s18  }
0x9c: {  	s6 =	simm.s32 $0x0;
	s20 =	sshll.u32 s4, $0x1;
	s4 =	sadd.s32 s21, s2  }
0x9d: {  	[timem:s6], [sflag:s22] =	dma.local [hbm:s4], s20  }
0x9e: {  	_ =	swait.ge [sflag:s22], s20  }
0x9f: {  	s3 =	ssub.s32 $0x0, s20;
	[sflag:s22] =	ssyncset.done $0x0  }
0xa0: {  	[sflag:s22] =	ssyncadd.s32 s3;
	_ =	sdelay $0x1  }
0xa1: {  	s23 =	simm.s32 $0x1B8B  }
0xa2: {  	_ =	swait.ge [sflag:s23], $0x1  }
0xa3: {  	[sflag:s23] =	ssyncset.done $0x0  }
0xa4: {  	s25 =	simm.s32 $0x1B8E;
	s24 =	sld [smem:$0x3FFE];
	[sflag:s23] =	ssyncadd.s32 $0xFFFFFFFF  }
0xa5: {  	s26 =	simm.s32 $execute0_lowered;
	[smem:$0x3FD2] =	sst s25  }
0xa6: {  	s4 =	sshll.u32 s26, $0x1;
	_ =	strace $0x80000049;
	[dreg:$0x1] =	wrdreg $0xFFFFFFFF  }
0xa7: {  	s28 =	simm.s32 $_size_execute0_lowered;
	s2 =	sadd.s32 s2, s4;
	[dreg:$0x0] =	wrdreg $0x0  }
0xa8: {  	s4 =	sshll.u32 s28, $0x1;
	[dreg:$0x2] =	wrdreg s2  }
0xa9: {  	[dreg:$0x3] =	wrdreg s4  }
0xaa: {  	[dreg:$0x4] =	wrdreg $0xC0  }
0xab: {  	_ =	task [dreg:s6], $0x5FFFF  }
0xac: {  	[dreg:$0x1] =	wrdreg $0xFFFFFFFF  }
0xad: {  	[dreg:$0x0] =	wrdreg $0x60  }
0xae: {  	[dreg:$0x2] =	wrdreg s24  }
0xaf: {  	[dreg:$0x3] =	wrdreg $0x90000  }
0xb0: {  	[dreg:$0x4] =	wrdreg $0x130000  }
0xb1: {  	[dreg:$0x5] =	wrdreg $0x9  }
0xb2: {  	_ =	task.clear_ibuf [dreg:s6], $0x6FFFF;
	_ =	strace $0x90000049  }
0xb3: {  	s29 =	simm.s32 $0x9;
	_ =	strace $0x8000004B  }
0xb4: {  	_ =	swait.ge [sflag:s29], $0x1  }
0xb5: {  	[sflag:s29] =	ssyncadd.s32 $0xFFFFFFFF  }
0xb6: {  	_ =	strace $0x9000004B  }
0xb7: {  	_ =	sfence  }
0xb8: {  	s30 =	sld [smem:$0x0];
	_ =	sdelay $0x2  }
0xb9: {  	s31 =	sshll.u32 s1, $0xD;
	s1 =	sshrl.u32 s1, $0x2  }
0xba: {  	s3 =	sand.u32 $0x4000, s31;
	s1 =	sadd.s32 s1, s30  }
0xbb: {  	s0 =	sor.u32 s3, s0;
	s1 =	sshll.u32 s1, $0x11  }
0xbc: {  	s0 =	sor.u32 s1, s0  }
0xbd: {  	s0 =	sadd.s32 $0x8F2B, s0  }
0xbe: {  	[sflag:s0] =	ssyncadd.remote.s32 $0x1  }
0xbf: {  	_ =	sfence.sel $0xFFFF  }
0xc0: {  	[dreg:$0x0] =	wrdreg $0xFFFFFFFF;
	(pc) =	sbr.abs _section_cstart, $3  }
0xc1: {  	[dreg:$0x1] =	wrdreg $0xFFFFFFFF  }
0xc2: {  	_ =	task.clear_ibuf [dreg:s6], $0x2FFFF;
	_ =	strace $0x9FFFFFFF  }
0xc3: {  	(tm) =	ssettm $0x7FFFFFFF  }
tec
execute0_lowered:
.L_overlay_start_1:
0x0: {  	(tag) =	ssettag $0x1  }
0x1: {  	s12 =	stileid.u32;
	s1 =	rddreg [dreg:$0x0]  }
0x2: {  	s0 =	srdreg.scid;
	s2 =	rddreg [dreg:$0x1];
	s13 =	simm.s32 $0x9  }
0x3: {  	s14 =	simm.s32 $0x2800;
	s17 =	simm.s32 $0x1;
	s18 =	simm.s32 $0x8  }
0x4: {  	s19 =	simm.s32 $0x10;
	s28 =	simm.s32 $0x8000;
	s5 =	smul.u32 $0x2710, s12  }
0x5: {  	s29 =	simm.s32 $0x2;
	s31 =	simm.s32 $0x5;
	s7 =	smul.u32 $0xA000, s12  }
0x6: {  	s0 =	sand.u32 $0x1, s0;
	s3 =	sshll.u32 s12, $0x1;
	s9 =	smul.u32 $0x14000, s12  }
0x7: {  	s21 =	smul.u32 $0x27100, s12;
	s30 =	sshll.u32 s12, $0x6;
	s12 =	simm.s32 $0x180  }
0x8: {  	s4 =	sor.u32 s0, s3;
	s3 =	rddreg [dreg:$0x2];
	s8 =	smul.u32 $0x140000, s0  }
0x9: {  	s0 =	ssub.s32 $0x2, s0;
	s15 =	sor.u32 $0x1C09, s30;
	s6 =	smul.u32 $0x500, s4  }
0xa: {  	s4 =	simm.s32 $0x0;
	s5 =	sadd.s32 s5, s1;
	s10 =	sshrl.u32 s7, $0x3  }
0xb: {  	s11 =	sshrl.u32 s0, $0x1;
	s22 =	sshrl.u32 s21, $0x2;
	s7 =	sadd.s32 s7, s3  }
0xc: {  	s21 =	simm.s32 $0x40;
	[smem:$0x7FF] =	sst s4;
	s8 =	sadd.s32 s9, s8  }
0xd: {  	s10 =	sadd.s32 s10, s1;
	s0 =	ssub.s32 s0, s11;
	s24 =	sadd.s32 s22, s2  }
0xe: {  	s25 =	sadd.s32 $0x1BA00, s5;
	s5 =	sadd.s32 $0x1BA08, s5;
	s20 =	sshrl.u32 s7, $0x3  }
0xf: {  	s22 =	simm.s32 $0x5000;
	s9 =	simm.s32 $0x4;
	s11 =	simm.s32 $0x7  }
0x10: {  	_ =	strace $0x8000004A;
	s6 =	sadd.s32 s6, s1;
	[dreg:$0x6] =	wrdreg s25  }
0x11: {  	s8 =	sshrl.u32 s8, $0x3;
	[dreg:$0x8] =	wrdreg s5;
	s0 =	smax.u32 s0, $0x1  }
0x12: {  	s16 =	sshrl.u32 s24, $0x3;
	s25 =	simm.s32 $0x7000;
	s24 =	simm.s32 $0x0  }
.Ltmp0:
0x13: {  	s23 =	sadd.s32 $0x2A00, s6;
	[dreg:$0xa] =	wrdreg s0;
	(pc) =	sbr.rel .LBB2_1-.Ltmp0, $4  }
0x14: {  	s1 =	sadd.s32 s8, s1;
	s6 =	sadd.s32 $0xCA00, s6;
	[dreg:$0x4] =	wrdreg s23  }
0x15: {  	s8 =	sadd.s32 $0x42C00, s10;
	[dreg:$0x5] =	wrdreg s6;
	s26 =	sadd.s32 $0x56C00, s1  }
0x16: {  	s0 =	simm.s32 $0x3;
	s1 =	sadd.s32 $0x56C08, s1;
	[dreg:$0x7] =	wrdreg s26  }
0x17: {  	s23 =	simm.s32 $0x6000;
	s6 =	simm.s32 $0x6;
	[dreg:$0x9] =	wrdreg s1  }
.LBB2_7:
0x18: {  	_ =	swait.ge [sflag:s31], $0x1000  }
0x19: {  	[sflag:s31] =	ssyncset.done $0x0  }
0x1a: {  	[sflag:s31] =	ssyncadd.s32 $0xFFFFF000  }
0x1b: {  	_ =	swait.ge [sflag:s6], $0x1000  }
0x1c: {  	[sflag:s6] =	ssyncset.done $0x0  }
0x1d: {  	[sflag:s6] =	ssyncadd.s32 $0xFFFFF000  }
0x1e: {  	_ =	swait.ge [sflag:s11], $0x1000  }
0x1f: {  	[sflag:s11] =	ssyncset.done $0x0  }
0x20: {  	[sflag:s11] =	ssyncadd.s32 $0xFFFFF000  }
0x21: {  	_ =	swait.ge [sflag:s18], $0x1000  }
0x22: {  	[sflag:s18] =	ssyncset.done $0x0  }
0x23: {  	[sflag:s18] =	ssyncadd.s32 $0xFFFFF000  }
0x24: {  	[bflag:$0x0] =	sbarrier.arrive $0xFFFF  }
0x25: {  	s1 =	rddreg [dreg:$0x9]  }
0x26: {  	[hbm:s1@s19], [sflag:s15] =	dma.strided [spmem:s20@s18], $0x1400, s17, $0x8   }
0x27: {  	_ =	swait.ge [sflag:s13], $0x1400  }
0x28: {  	s24 =	sadd.s32 $0x1, s24;
	s30 =	rddreg [dreg:$0xa]  }
0x29: {  	p0 =	sne.s32 s24, s30  }
.Ltmp1:
0x2a: {  	_ = 	snop;
	(pc) =	sbr.rel @!p0 .LBB2_8-.Ltmp1, $3  }
0x2b: {  	_ =	sdelay $0x1  }
0x2c: {  	[sflag:s13] =	ssyncset.done $0x0  }
0x2d: {  	[sflag:s13] =	ssyncadd.s32 $0xFFFFEC00  }
.LBB2_1:
0x2e: {  	s1 =	rddreg [dreg:$0x4]  }
0x2f: {  	[tilespmem:s4], [sflag:$0x9] =	stream.linear.gather [hbm4b:s1+s4], $0x2800, $0x38;
	[tilespmem:$0x1D000] =	vst v63  }
0x30: {  	_ =	swait.ge [sflag:s13], $0x2800  }
0x31: {  	[sflag:s13] =	ssyncset.done $0x0  }
0x32: {  	s7 =	rddreg [dreg:$0x5];
	[sflag:s13] =	ssyncadd.s32 $0xFFFFD800  }
0x33: {  	[tilespmem:s14], [sflag:$0x9] =	stream.linear.gather [hbm4b:s7+s4], $0x2800, $0x38;
	[tilespmem:$0x1D000] =	vst v63  }
0x34: {  	_ =	swait.ge [sflag:s13], $0x2800  }
0x35: {  	[sflag:s13] =	ssyncset.done $0x0  }
0x36: {  	s10 =	rddreg [dreg:$0x6];
	[sflag:s13] =	ssyncadd.s32 $0xFFFFD800  }
0x37: {  	[spmem:s16@s18], [sflag:s15] =	dma.strided [hbm:s10@s19], $0x1388, s17, $0x8   }
0x38: {  	_ =	swait.ge [sflag:s13], $0x1388  }
0x39: {  	[sflag:s13] =	ssyncset.done $0x0  }
0x3a: {  	[sflag:s13] =	ssyncadd.s32 $0xFFFFEC78  }
0x3b: {  	[spmem:s20], [sflag:s15] =	dma.local [hbm:s8], $0x1400  }
0x3c: {  	_ =	swait.ge [sflag:s13], $0x1400  }
0x3d: {  	[sflag:s13] =	ssyncset.done $0x0  }
0x3e: {  	[sflag:s13] =	ssyncadd.s32 $0xFFFFEC00  }
0x3f: {  	[bflag:$0x0] =	sbarrier.arrive $0xFFFF  }
0x40: {  	[tilespmem:s22], [sflag:$0x1] =	stream.indirect.gather [spmem:s2], $0x40, s4, s21, $0xb8;
	[tilespmem:$0x1D000] =	vst v63  }
0x41: {  	_ = 	snop  }
0x42: {  	[tilespmem:s23], [sflag:$0x2] =	stream.indirect.gather [spmem:s2], $0x40, s21, s21, $0xb8;
	[tilespmem:$0x1D000] =	vst v63  }
0x43: {  	s26 =	simm.s32 $0x80  }
0x44: {  	[tilespmem:s25], [sflag:$0x3] =	stream.indirect.gather [spmem:s2], $0x40, s26, s21, $0xb8;
	[tilespmem:$0x1D000] =	vst v63  }
0x45: {  	_ =	swait.ge [sflag:s17], $0x1000  }
0x46: {  	[sflag:s17] =	ssyncset.done $0x0  }
0x47: {  	[sflag:s17] =	ssyncadd.s32 $0xFFFFF000  }
0x48: {  	[spmem:s3] =	stream.indirect.scatter.add.f32 [tilespmem:s22], [sflag:$0x5], $0x40, s14, s21, $0xb8;
	[tilespmem:$0x1D000] =	vst v63  }
0x49: {  	s30 =	simm.s32 $0xC0  }
0x4a: {  	[tilespmem:s28], [sflag:$0x4] =	stream.indirect.gather [spmem:s2], $0x40, s30, s21, $0xb8;
	[tilespmem:$0x1D000] =	vst v63  }
0x4b: {  	_ =	swait.ge [sflag:s29], $0x1000  }
0x4c: {  	[sflag:s29] =	ssyncset.done $0x0  }
0x4d: {  	s5 =	simm.s32 $0x2840;
	[sflag:s29] =	ssyncadd.s32 $0xFFFFF000  }
0x4e: {  	[spmem:s3] =	stream.indirect.scatter.add.f32 [tilespmem:s23], [sflag:$0x6], $0x40, s5, s21, $0xb8;
	[tilespmem:$0x1D000] =	vst v63  }
0x4f: {  	_ =	swait.ge [sflag:s31], $0x1000  }
0x50: {  	[sflag:s31] =	ssyncset.done $0x0  }
0x51: {  	s7 =	simm.s32 $0x100;
	[sflag:s31] =	ssyncadd.s32 $0xFFFFF000  }
0x52: {  	[tilespmem:s22], [sflag:$0x1] =	stream.indirect.gather [spmem:s2], $0x40, s7, s21, $0xb8;
	[tilespmem:$0x1D000] =	vst v63  }
0x53: {  	_ =	swait.ge [sflag:s0], $0x1000  }
0x54: {  	[sflag:s0] =	ssyncset.done $0x0  }
0x55: {  	s10 =	simm.s32 $0x2880;
	[sflag:s0] =	ssyncadd.s32 $0xFFFFF000  }
0x56: {  	[spmem:s3] =	stream.indirect.scatter.add.f32 [tilespmem:s25], [sflag:$0x7], $0x40, s10, s21, $0xb8;
	[tilespmem:$0x1D000] =	vst v63  }
0x57: {  	_ =	swait.ge [sflag:s6], $0x1000  }
0x58: {  	[sflag:s6] =	ssyncset.done $0x0  }
0x59: {  	s26 =	simm.s32 $0x140;
	[sflag:s6] =	ssyncadd.s32 $0xFFFFF000  }
0x5a: {  	[tilespmem:s23], [sflag:$0x2] =	stream.indirect.gather [spmem:s2], $0x40, s26, s21, $0xb8;
	[tilespmem:$0x1D000] =	vst v63  }
0x5b: {  	_ =	swait.ge [sflag:s9], $0x1000  }
0x5c: {  	[sflag:s9] =	ssyncset.done $0x0  }
0x5d: {  	s30 =	simm.s32 $0x28C0;
	[sflag:s9] =	ssyncadd.s32 $0xFFFFF000  }
0x5e: {  	[spmem:s3] =	stream.indirect.scatter.add.f32 [tilespmem:s28], [sflag:$0x8], $0x40, s30, s21, $0xb8;
	[tilespmem:$0x1D000] =	vst v63  }
0x5f: {  	_ =	swait.ge [sflag:s11], $0x1000  }
0x60: {  	[sflag:s11] =	ssyncset.done $0x0  }
0x61: {  	s26 =	simm.s32 $0x0;
	[sflag:s11] =	ssyncadd.s32 $0xFFFFF000  }
0x62: {  	[tilespmem:s25], [sflag:$0x3] =	stream.indirect.gather [spmem:s2], $0x40, s12, s21, $0xb8;
	[tilespmem:$0x1D000] =	vst v63  }
.LBB2_2:
0x63: {  	_ =	swait.ge [sflag:s17], $0x1000  }
0x64: {  	s30 =	sshra.s32 s26, $0x2;
	[sflag:s17] =	ssyncset.done $0x0  }
0x65: {  	s1 =	sadd.s32 $0x2900, s30;
	[sflag:s17] =	ssyncadd.s32 $0xFFFFF000  }
0x66: {  	[spmem:s3] =	stream.indirect.scatter.add.f32 [tilespmem:s22], [sflag:$0x5], $0x40, s1, s21, $0xb8;
	[tilespmem:$0x1D000] =	vst v63  }
0x67: {  	_ =	swait.ge [sflag:s18], $0x1000  }
0x68: {  	[sflag:s18] =	ssyncset.done $0x0  }
0x69: {  	s5 =	sadd.s32 $0x1C0, s30;
	[sflag:s18] =	ssyncadd.s32 $0xFFFFF000  }
0x6a: {  	[tilespmem:s28], [sflag:$0x4] =	stream.indirect.gather [spmem:s2], $0x40, s5, s21, $0xb8;
	[tilespmem:$0x1D000] =	vst v63  }
0x6b: {  	_ =	swait.ge [sflag:s29], $0x1000  }
0x6c: {  	p0 =	seq.s32 s26, $0x9800;
	[sflag:s29] =	ssyncset.done $0x0  }
0x6d: {  	s7 =	sadd.s32 $0x2940, s30;
	s1 =	simm.s32 @p0 $0x3;
	[sflag:s29] =	ssyncadd.s32 $0xFFFFF000  }
0x6e: {  	[spmem:s3] =	stream.indirect.scatter.add.f32 [tilespmem:s23], [sflag:$0x6], $0x40, s7, s21, $0xb8;
	[tilespmem:$0x1D000] =	vst v63  }
0x6f: {  	_ =	swait.ge @p0 [sflag:s1], $0x1000  }
0x70: {  	[sflag:s1] =	ssyncset.done @p0 $0x0  }
0x71: {  	[sflag:s1] =	ssyncadd.s32 @p0 $0xFFFFF000;
	s1 =	sshra.s32 @p0 s26, $0x2  }
0x72: {  	s5 =	simm.s32 @p0 $0x40;
	s7 =	simm.s32 @p0 $0x7000;
	s1 =	sadd.s32 @p0 $0x2980, s1  }
0x73: {  	[spmem:s3] =	stream.indirect.scatter.add.f32 @p0 [tilespmem:s7], [sflag:$0x7], $0x40, s1, s5, $0xb8;
	[tilespmem:$0x1D000] =	vst v63  }
0x74: {  	s1 =	simm.s32 @!p0 $0x5  }
0x75: {  	_ =	swait.ge @!p0 [sflag:s1], $0x1000  }
0x76: {  	[sflag:s1] =	ssyncset.done @!p0 $0x0  }
0x77: {  	[sflag:s1] =	ssyncadd.s32 @!p0 $0xFFFFF000;
	s1 =	sshra.s32 @!p0 s26, $0x2  }
0x78: {  	s10 =	simm.s32 @!p0 $0x5000;
	s7 =	simm.s32 @!p0 $0x40;
	s5 =	sadd.s32 @!p0 $0x200, s1  }
0x79: {  	[tilespmem:s10], [sflag:$0x1] =	stream.indirect.gather @!p0 [spmem:s2], $0x40, s5, s7, $0xb8;
	[tilespmem:$0x1D000] =	vst v63  }
0x7a: {  	s5 =	simm.s32 @!p0 $0x3  }
0x7b: {  	_ =	swait.ge @!p0 [sflag:s5], $0x1000  }
0x7c: {  	[sflag:s5] =	ssyncset.done @!p0 $0x0  }
0x7d: {  	s10 =	simm.s32 @!p0 $0x7000;
	[sflag:s5] =	ssyncadd.s32 @!p0 $0xFFFFF000;
	s5 =	sadd.s32 @!p0 $0x2980, s1  }
0x7e: {  	[spmem:s3] =	stream.indirect.scatter.add.f32 @!p0 [tilespmem:s10], [sflag:$0x7], $0x40, s5, s7, $0xb8;
	[tilespmem:$0x1D000] =	vst v63  }
0x7f: {  	s5 =	simm.s32 @!p0 $0x6  }
0x80: {  	_ =	swait.ge @!p0 [sflag:s5], $0x1000  }
0x81: {  	[sflag:s5] =	ssyncset.done @!p0 $0x0  }
0x82: {  	s1 =	sadd.s32 @!p0 $0x240, s1;
	[sflag:s5] =	ssyncadd.s32 @!p0 $0xFFFFF000;
	s5 =	simm.s32 @!p0 $0x6000  }
0x83: {  	[tilespmem:s5], [sflag:$0x2] =	stream.indirect.gather @!p0 [spmem:s2], $0x40, s1, s7, $0xb8;
	[tilespmem:$0x1D000] =	vst v63  }
.Ltmp2:
0x84: {  	_ = 	snop;
	(pc) =	sbr.rel @p0 .LBB2_4-.Ltmp2, $4  }
0x85: {  	_ =	swait.ge [sflag:s9], $0x1000  }
0x86: {  	[sflag:s9] =	ssyncset.done $0x0  }
0x87: {  	s10 =	sadd.s32 $0x29C0, s30;
	[sflag:s9] =	ssyncadd.s32 $0xFFFFF000  }
0x88: {  	[spmem:s3] =	stream.indirect.scatter.add.f32 [tilespmem:s28], [sflag:$0x8], $0x40, s10, s21, $0xb8;
	[tilespmem:$0x1D000] =	vst v63  }
.Ltmp3:
0x89: {  	(pc) =	sbr.rel .LBB2_2-.Ltmp3, $4  }
0x8a: {  	_ =	swait.ge [sflag:s11], $0x1000  }
0x8b: {  	[sflag:s11] =	ssyncset.done $0x0  }
0x8c: {  	s1 =	sadd.s32 $0x280, s30;
	s26 =	sadd.s32 $0x400, s26;
	[sflag:s11] =	ssyncadd.s32 $0xFFFFF000  }
0x8d: {  	[tilespmem:s25], [sflag:$0x3] =	stream.indirect.gather [spmem:s2], $0x40, s1, s21, $0xb8;
	[tilespmem:$0x1D000] =	vst v63  }
.LBB2_4:
0x8e: {  	_ =	swait.ge [sflag:s31], $0x1000  }
0x8f: {  	[sflag:s31] =	ssyncset.done $0x0  }
0x90: {  	[sflag:s31] =	ssyncadd.s32 $0xFFFFF000  }
0x91: {  	_ =	swait.ge [sflag:s6], $0x1000  }
0x92: {  	[sflag:s6] =	ssyncset.done $0x0  }
0x93: {  	[sflag:s6] =	ssyncadd.s32 $0xFFFFF000  }
0x94: {  	_ =	swait.ge [sflag:s11], $0x1000  }
0x95: {  	[sflag:s11] =	ssyncset.done $0x0  }
0x96: {  	[sflag:s11] =	ssyncadd.s32 $0xFFFFF000  }
0x97: {  	_ =	swait.ge [sflag:s18], $0x1000  }
0x98: {  	[sflag:s18] =	ssyncset.done $0x0  }
0x99: {  	[sflag:s18] =	ssyncadd.s32 $0xFFFFF000  }
0x9a: {  	[bflag:$0x0] =	sbarrier.arrive $0xFFFF  }
0x9b: {  	s1 =	rddreg [dreg:$0x7]  }
0x9c: {  	[hbm:s1@s19], [sflag:s15] =	dma.strided [spmem:s20@s18], $0x1400, s17, $0x8   }
0x9d: {  	_ =	swait.ge [sflag:s13], $0x1400  }
0x9e: {  	[sflag:s13] =	ssyncset.done $0x0  }
0x9f: {  	s5 =	rddreg [dreg:$0x8];
	[sflag:s13] =	ssyncadd.s32 $0xFFFFEC00  }
0xa0: {  	[spmem:s16@s18], [sflag:s15] =	dma.strided [hbm:s5@s19], $0x1388, s17, $0x8   }
0xa1: {  	_ =	swait.ge [sflag:s13], $0x1388  }
0xa2: {  	[sflag:s13] =	ssyncset.done $0x0  }
0xa3: {  	[sflag:s13] =	ssyncadd.s32 $0xFFFFEC78  }
0xa4: {  	[spmem:s20], [sflag:s15] =	dma.local [hbm:s8], $0x1400  }
0xa5: {  	_ =	swait.ge [sflag:s13], $0x1400  }
0xa6: {  	[sflag:s13] =	ssyncset.done $0x0  }
0xa7: {  	[sflag:s13] =	ssyncadd.s32 $0xFFFFEC00  }
0xa8: {  	s26 =	simm.s32 $0x0;
	[bflag:$0x0] =	sbarrier.arrive $0xFFFF  }
0xa9: {  	[tilespmem:s22], [sflag:$0x1] =	stream.indirect.gather [spmem:s2], $0x40, s26, s21, $0xb8;
	[tilespmem:$0x1D000] =	vst v63  }
0xaa: {  	_ = 	snop  }
0xab: {  	[tilespmem:s23], [sflag:$0x2] =	stream.indirect.gather [spmem:s2], $0x40, s21, s21, $0xb8;
	[tilespmem:$0x1D000] =	vst v63  }
0xac: {  	s7 =	simm.s32 $0x80  }
0xad: {  	[tilespmem:s25], [sflag:$0x3] =	stream.indirect.gather [spmem:s2], $0x40, s7, s21, $0xb8;
	[tilespmem:$0x1D000] =	vst v63  }
0xae: {  	_ =	swait.ge [sflag:s17], $0x1000  }
0xaf: {  	[sflag:s17] =	ssyncset.done $0x0  }
0xb0: {  	[sflag:s17] =	ssyncadd.s32 $0xFFFFF000  }
0xb1: {  	[spmem:s3] =	stream.indirect.scatter.add.f32 [tilespmem:s22], [sflag:$0x5], $0x40, s14, s21, $0xb8;
	[tilespmem:$0x1D000] =	vst v63  }
0xb2: {  	s10 =	simm.s32 $0xC0  }
0xb3: {  	[tilespmem:s28], [sflag:$0x4] =	stream.indirect.gather [spmem:s2], $0x40, s10, s21, $0xb8;
	[tilespmem:$0x1D000] =	vst v63  }
0xb4: {  	_ =	swait.ge [sflag:s29], $0x1000  }
0xb5: {  	[sflag:s29] =	ssyncset.done $0x0  }
0xb6: {  	s30 =	simm.s32 $0x2840;
	[sflag:s29] =	ssyncadd.s32 $0xFFFFF000  }
0xb7: {  	[spmem:s3] =	stream.indirect.scatter.add.f32 [tilespmem:s23], [sflag:$0x6], $0x40, s30, s21, $0xb8;
	[tilespmem:$0x1D000] =	vst v63  }
0xb8: {  	_ =	swait.ge [sflag:s31], $0x1000  }
0xb9: {  	[sflag:s31] =	ssyncset.done $0x0  }
0xba: {  	s5 =	simm.s32 $0x100;
	[sflag:s31] =	ssyncadd.s32 $0xFFFFF000  }
0xbb: {  	[tilespmem:s22], [sflag:$0x1] =	stream.indirect.gather [spmem:s2], $0x40, s5, s21, $0xb8;
	[tilespmem:$0x1D000] =	vst v63  }
0xbc: {  	_ =	swait.ge [sflag:s0], $0x1000  }
0xbd: {  	[sflag:s0] =	ssyncset.done $0x0  }
0xbe: {  	s7 =	simm.s32 $0x2880;
	[sflag:s0] =	ssyncadd.s32 $0xFFFFF000  }
0xbf: {  	[spmem:s3] =	stream.indirect.scatter.add.f32 [tilespmem:s25], [sflag:$0x7], $0x40, s7, s21, $0xb8;
	[tilespmem:$0x1D000] =	vst v63  }
0xc0: {  	_ =	swait.ge [sflag:s6], $0x1000  }
0xc1: {  	[sflag:s6] =	ssyncset.done $0x0  }
0xc2: {  	s10 =	simm.s32 $0x140;
	[sflag:s6] =	ssyncadd.s32 $0xFFFFF000  }
0xc3: {  	[tilespmem:s23], [sflag:$0x2] =	stream.indirect.gather [spmem:s2], $0x40, s10, s21, $0xb8;
	[tilespmem:$0x1D000] =	vst v63  }
0xc4: {  	_ =	swait.ge [sflag:s9], $0x1000  }
0xc5: {  	[sflag:s9] =	ssyncset.done $0x0  }
0xc6: {  	s30 =	simm.s32 $0x28C0;
	[sflag:s9] =	ssyncadd.s32 $0xFFFFF000  }
0xc7: {  	[spmem:s3] =	stream.indirect.scatter.add.f32 [tilespmem:s28], [sflag:$0x8], $0x40, s30, s21, $0xb8;
	[tilespmem:$0x1D000] =	vst v63  }
0xc8: {  	_ =	swait.ge [sflag:s11], $0x1000  }
0xc9: {  	[sflag:s11] =	ssyncset.done $0x0  }
0xca: {  	[sflag:s11] =	ssyncadd.s32 $0xFFFFF000  }
0xcb: {  	[tilespmem:s25], [sflag:$0x3] =	stream.indirect.gather [spmem:s2], $0x40, s12, s21, $0xb8;
	[tilespmem:$0x1D000] =	vst v63  }
.LBB2_5:
0xcc: {  	_ =	swait.ge [sflag:s17], $0x1000  }
0xcd: {  	s30 =	sshra.s32 s26, $0x2;
	[sflag:s17] =	ssyncset.done $0x0  }
0xce: {  	s1 =	sadd.s32 $0x2900, s30;
	[sflag:s17] =	ssyncadd.s32 $0xFFFFF000  }
0xcf: {  	[spmem:s3] =	stream.indirect.scatter.add.f32 [tilespmem:s22], [sflag:$0x5], $0x40, s1, s21, $0xb8;
	[tilespmem:$0x1D000] =	vst v63  }
0xd0: {  	_ =	swait.ge [sflag:s18], $0x1000  }
0xd1: {  	[sflag:s18] =	ssyncset.done $0x0  }
0xd2: {  	s5 =	sadd.s32 $0x1C0, s30;
	[sflag:s18] =	ssyncadd.s32 $0xFFFFF000  }
0xd3: {  	[tilespmem:s28], [sflag:$0x4] =	stream.indirect.gather [spmem:s2], $0x40, s5, s21, $0xb8;
	[tilespmem:$0x1D000] =	vst v63  }
0xd4: {  	_ =	swait.ge [sflag:s29], $0x1000  }
0xd5: {  	p0 =	seq.s32 s26, $0x9800;
	[sflag:s29] =	ssyncset.done $0x0  }
0xd6: {  	s7 =	sadd.s32 $0x2940, s30;
	s1 =	simm.s32 @p0 $0x3;
	[sflag:s29] =	ssyncadd.s32 $0xFFFFF000  }
0xd7: {  	[spmem:s3] =	stream.indirect.scatter.add.f32 [tilespmem:s23], [sflag:$0x6], $0x40, s7, s21, $0xb8;
	[tilespmem:$0x1D000] =	vst v63  }
0xd8: {  	_ =	swait.ge @p0 [sflag:s1], $0x1000  }
0xd9: {  	[sflag:s1] =	ssyncset.done @p0 $0x0  }
0xda: {  	[sflag:s1] =	ssyncadd.s32 @p0 $0xFFFFF000;
	s1 =	sshra.s32 @p0 s26, $0x2  }
0xdb: {  	s5 =	simm.s32 @p0 $0x40;
	s7 =	simm.s32 @p0 $0x7000;
	s1 =	sadd.s32 @p0 $0x2980, s1  }
0xdc: {  	[spmem:s3] =	stream.indirect.scatter.add.f32 @p0 [tilespmem:s7], [sflag:$0x7], $0x40, s1, s5, $0xb8;
	[tilespmem:$0x1D000] =	vst v63  }
0xdd: {  	s1 =	simm.s32 @!p0 $0x5  }
0xde: {  	_ =	swait.ge @!p0 [sflag:s1], $0x1000  }
0xdf: {  	[sflag:s1] =	ssyncset.done @!p0 $0x0  }
0xe0: {  	[sflag:s1] =	ssyncadd.s32 @!p0 $0xFFFFF000;
	s1 =	sshra.s32 @!p0 s26, $0x2  }
0xe1: {  	s10 =	simm.s32 @!p0 $0x5000;
	s7 =	simm.s32 @!p0 $0x40;
	s5 =	sadd.s32 @!p0 $0x200, s1  }
0xe2: {  	[tilespmem:s10], [sflag:$0x1] =	stream.indirect.gather @!p0 [spmem:s2], $0x40, s5, s7, $0xb8;
	[tilespmem:$0x1D000] =	vst v63  }
0xe3: {  	s5 =	simm.s32 @!p0 $0x3  }
0xe4: {  	_ =	swait.ge @!p0 [sflag:s5], $0x1000  }
0xe5: {  	[sflag:s5] =	ssyncset.done @!p0 $0x0  }
0xe6: {  	s10 =	simm.s32 @!p0 $0x7000;
	[sflag:s5] =	ssyncadd.s32 @!p0 $0xFFFFF000;
	s5 =	sadd.s32 @!p0 $0x2980, s1  }
0xe7: {  	[spmem:s3] =	stream.indirect.scatter.add.f32 @!p0 [tilespmem:s10], [sflag:$0x7], $0x40, s5, s7, $0xb8;
	[tilespmem:$0x1D000] =	vst v63  }
0xe8: {  	s5 =	simm.s32 @!p0 $0x6  }
0xe9: {  	_ =	swait.ge @!p0 [sflag:s5], $0x1000  }
0xea: {  	[sflag:s5] =	ssyncset.done @!p0 $0x0  }
0xeb: {  	s1 =	sadd.s32 @!p0 $0x240, s1;
	[sflag:s5] =	ssyncadd.s32 @!p0 $0xFFFFF000;
	s5 =	simm.s32 @!p0 $0x6000  }
0xec: {  	[tilespmem:s5], [sflag:$0x2] =	stream.indirect.gather @!p0 [spmem:s2], $0x40, s1, s7, $0xb8;
	[tilespmem:$0x1D000] =	vst v63  }
.Ltmp4:
0xed: {  	_ = 	snop;
	(pc) =	sbr.rel @p0 .LBB2_7-.Ltmp4, $4  }
0xee: {  	_ =	swait.ge [sflag:s9], $0x1000  }
0xef: {  	[sflag:s9] =	ssyncset.done $0x0  }
0xf0: {  	s10 =	sadd.s32 $0x29C0, s30;
	[sflag:s9] =	ssyncadd.s32 $0xFFFFF000  }
0xf1: {  	[spmem:s3] =	stream.indirect.scatter.add.f32 [tilespmem:s28], [sflag:$0x8], $0x40, s10, s21, $0xb8;
	[tilespmem:$0x1D000] =	vst v63  }
.Ltmp5:
0xf2: {  	(pc) =	sbr.rel .LBB2_5-.Ltmp5, $4  }
0xf3: {  	_ =	swait.ge [sflag:s11], $0x1000  }
0xf4: {  	[sflag:s11] =	ssyncset.done $0x0  }
0xf5: {  	s1 =	sadd.s32 $0x280, s30;
	s26 =	sadd.s32 $0x400, s26;
	[sflag:s11] =	ssyncadd.s32 $0xFFFFF000  }
0xf6: {  	[tilespmem:s25], [sflag:$0x3] =	stream.indirect.gather [spmem:s2], $0x40, s1, s21, $0xb8;
	[tilespmem:$0x1D000] =	vst v63  }
.LBB2_8:
0xf7: {  	_ =	sfence.sel $0x180000  }
0xf8: {  	[bflag:$0x0] =	sbarrier.arrive $0xFFFF  }
0xf9: {  	_ =	strace $0x9000004A  }
0xfa: {  	s0 =	stileid.u32;
	[bflag:$0x2] =	sbarrier.arrive $0xFFFF  }
0xfb: {  	p0 =	sne.s32 s0, $0x0;
	s0 =	rddreg [dreg:$0x3]  }
0xfc: {  	s0 =	sadd.s32 @!p0 $0x100000, s0  }
0xfd: {  	[sflag:s0] =	ssyncadd.tile.s32 @!p0 $0x1;
	_ =	shalt  }
.Lfunc_end2:
_tile_overlayer_lowered:
.L_overlay_start_2:
0xfe: {  	(tag) =	ssettag $0x2  }
0xff: {  	s0 =	rddreg [dreg:$0x0];
	s2 =	stileid.u32  }
0x100: {  	s1 =	rddreg [dreg:$0x1];
	p0 =	sne.s32 s2, $0x0  }
0x101: {  	s3 =	rddreg [dreg:$0x2];
	[bflag:$0x3] =	sbarrier.arrive $0xFFFF;
	s2 =	simm.s32 @!p0 $0x1C09  }
0x102: {  	[timem:s3], [sflag:s2] =	dma.local @!p0 [hbm:s0], s1  }
0x103: {  	s0 =	simm.s32 @!p0 $0x9  }
0x104: {  	_ =	swait.ge @!p0 [sflag:s0], s1  }
0x105: {  	s1 =	ssub.s32 @!p0 $0x0, s1;
	[sflag:s0] =	ssyncset.done @!p0 $0x0  }
0x106: {  	[sflag:s0] =	ssyncadd.s32 @!p0 s1  }
0x107: {  	[bflag:$0x3] =	sbarrier.arrive $0xFFFF  }
0x108: {  	_ =	shalt  }

// kernel: kernel.15.cloned.1.call-start
scs
__scs_entry_jumppad:
0x0: {  	(pc) =	sbr.rel $0x88, $3  }
0x1: {  	(tag) =	ssettag $0x0;
	lr =	simm.s32 $0x1  }
0x2: {  	[smem:$0x3F9B] =	sst lr;
	_ =	strace $0xD0000000  }
0x3: {  	_ = 	snop  }
0x4: {  	_ = 	snop  }
0x5: {  	_ = 	snop  }
0x6: {  	_ = 	snop  }
0x7: {  	_ = 	snop  }
__scs_overlays_trampoline_lowered:
0x8: {  	[smem:$0x3FAA] =	sst s0  }
0x9: {  	[smem:$0x3FAB] =	sst s1  }
0xa: {  	[smem:$0x3FAC] =	sst s2  }
0xb: {  	[smem:$0x3FAD] =	sst s3  }
0xc: {  	[smem:$0x3FAE] =	sst s4  }
0xd: {  	[smem:$0x3FAF] =	sst s5  }
0xe: {  	[smem:$0x3FB0] =	sst s6  }
0xf: {  	[smem:$0x3FB1] =	sst s7  }
0x10: {  	[smem:$0x3FB2] =	sst s8  }
0x11: {  	[smem:$0x3FB3] =	sst s9;
	s0 =	simm.s32 @!p0 $0x0  }
0x12: {  	s1 =	sld [smem:$0x3F99];
	s0 =	simm.s32 @p0 $0x1  }
0x13: {  	[smem:$0x3FB4] =	sst s0;
	s0 =	simm.s32 @!p1 $0x0  }
0x14: {  	s2 =	sld [smem:$0x3F98];
	s0 =	simm.s32 @p1 $0x1  }
0x15: {  	[smem:$0x3FB5] =	sst s0;
	s0 =	simm.s32 @!p2 $0x0  }
0x16: {  	s3 =	sld [smem:$0x3FDB];
	s0 =	simm.s32 @p2 $0x1  }
0x17: {  	s4 =	simm.s32 $0x1BF5;
	[smem:$0x3FB7] =	sst s0  }
0x18: {  	s0 =	sld [smem:$0x3F9A];
	_ =	swait.ge [sflag:s4], $0x0  }
0x19: {  	s7 =	sld [smem:$0x3F9B]  }
0x1a: {  	s8 =	sadd.s32 $0xFFFFE003, lr  }
0x1b: {  	s9 =	sadd.s32 $0xFFFFFEF7, lr;
	s5 =	simm.s32 $0xFFFFFFFF;
	p2 =	slt.u32 s8, $0xFFFFF086  }
0x1c: {  	p1 =	slt.u32 s9, $0xF7A;
	s5 =	simm.s32 @!p2 $0x0  }
0x1d: {  	s5 =	simm.s32 @p1 $0x1;
	p0 =	seq.s32 s7, s2  }
0x1e: {  	s7 =	smul.u32 @!p0 $0xF7A, s2;
	p2 =	seq.s32 @!p0 s5, $0x0  }
0x1f: {  	s9 =	smul.u32 $0xF7A, s1;
	s8 =	simm.s32 @!p0 $0x1BF5;
	p2 =	por !p2, p0  }
0x20: {  	[sflag:s8] =	ssyncset.s32 @!p0 $0xFFFFF086;
	s6 =	sadd.s32 @!p0 s3, s7;
	s7 =	simm.s32 @!p0 $0x108  }
0x21: {  	s3 =	sadd.s32 s3, s9;
	s6 =	sadd.s32 @!p0 $0x88, s6;
	s7 =	simm.s32 @p2 $0x1082  }
0x22: {  	[simem:s7], [sflag:s8] =	dma.local @!p0 [hbm:s6], $0xF7A  }
0x23: {  	s9 =	sor.u32 $0xD0000000, s2;
	s6 =	simm.s32 $0x108;
	_ =	swait.ge @!p0 [sflag:s8], $0x0  }
0x24: {  	s3 =	sadd.s32 $0x88, s3;
	s6 =	simm.s32 @!p1 $0x1082;
	[sflag:s4] =	ssyncset.s32 $0xFFFFF086  }
0x25: {  	[simem:s6], [sflag:s4] =	dma.local [hbm:s3], $0xF7A  }
0x26: {  	[smem:$0x3F9B] =	sst s1;
	(tag) =	ssettag s2;
	_ =	strace s9  }
0x27: {  	s1 =	sld [smem:$0x3FAB]  }
0x28: {  	s2 =	sld [smem:$0x3FAC]  }
0x29: {  	s4 =	sld [smem:$0x3FAE]  }
0x2a: {  	p0 =	seq.s32 s5, $0x0;
	s5 =	sld [smem:$0x3FAF]  }
0x2b: {  	s6 =	sld [smem:$0x3FB0]  }
0x2c: {  	s7 =	sld [smem:$0x3FB1]  }
0x2d: {  	s3 =	simm.s32 $0x108;
	s8 =	sld [smem:$0x3FB2]  }
0x2e: {  	s3 =	simm.s32 @!p0 $0x1082;
	s9 =	sld [smem:$0x3FB3]  }
0x2f: {  	lr =	sadd.s32 s0, s3;
	s0 =	sld [smem:$0x3FAA]  }
0x30: {  	s3 =	sld [smem:$0x3FAD]  }
0x31: {  	[smem:$0x3FB6] =	sst s10  }
0x32: {  	s10 =	sld [smem:$0x3FB4];
	_ =	sdelay $0x3  }
0x33: {  	p0 =	seq.s32 s10, $0x1;
	s10 =	sld [smem:$0x3FB6];
	_ =	sdelay $0x3  }
0x34: {  	[smem:$0x3FB6] =	sst s10  }
0x35: {  	s10 =	sld [smem:$0x3FB5];
	_ =	sdelay $0x3  }
0x36: {  	p1 =	seq.s32 s10, $0x1;
	s10 =	sld [smem:$0x3FB6];
	_ =	sdelay $0x3  }
0x37: {  	[smem:$0x3FB6] =	sst s10  }
0x38: {  	s10 =	sld [smem:$0x3FB7]  }
0x39: {  	_ = 	snop;
	(pc) =	sbr.ind lr, $3  }
0x3a: {  	_ = 	snop  }
0x3b: {  	_ = 	snop  }
0x3c: {  	p2 =	seq.s32 s10, $0x1;
	s10 =	sld [smem:$0x3FB6]  }
0x3d: {  	_ =	shalt  }
0x3e: {  	_ =	shalt  }
0x3f: {  	_ =	shalt  }
0x40: {  	_ =	shalt  }
0x41: {  	_ =	shalt  }
0x42: {  	_ =	shalt  }
0x43: {  	_ =	shalt  }
0x44: {  	_ =	shalt  }
0x45: {  	_ =	shalt  }
0x46: {  	_ =	shalt  }
0x47: {  	_ =	shalt  }
0x48: {  	_ =	shalt  }
0x49: {  	_ =	shalt  }
0x4a: {  	_ =	shalt  }
0x4b: {  	_ =	shalt  }
0x4c: {  	_ =	shalt  }
0x4d: {  	_ =	shalt  }
0x4e: {  	_ =	shalt  }
0x4f: {  	_ =	shalt  }
0x50: {  	_ =	shalt  }
0x51: {  	_ =	shalt  }
0x52: {  	_ =	shalt  }
0x53: {  	_ =	shalt  }
0x54: {  	_ =	shalt  }
0x55: {  	_ =	shalt  }
0x56: {  	_ =	shalt  }
0x57: {  	_ =	shalt  }
0x58: {  	_ =	shalt  }
0x59: {  	_ =	shalt  }
0x5a: {  	_ =	shalt  }
0x5b: {  	_ =	shalt  }
0x5c: {  	_ =	shalt  }
0x5d: {  	_ =	shalt  }
0x5e: {  	_ =	shalt  }
0x5f: {  	_ =	shalt  }
0x60: {  	_ =	shalt  }
0x61: {  	_ =	shalt  }
0x62: {  	_ =	shalt  }
0x63: {  	_ =	shalt  }
0x64: {  	_ =	shalt  }
0x65: {  	_ =	shalt  }
0x66: {  	_ =	shalt  }
0x67: {  	_ =	shalt  }
0x68: {  	_ =	shalt  }
0x69: {  	_ =	shalt  }
0x6a: {  	_ =	shalt  }
0x6b: {  	_ =	shalt  }
0x6c: {  	_ =	shalt  }
0x6d: {  	_ =	shalt  }
0x6e: {  	_ =	shalt  }
0x6f: {  	_ =	shalt  }
0x70: {  	_ =	shalt  }
0x71: {  	_ =	shalt  }
0x72: {  	_ =	shalt  }
0x73: {  	_ =	shalt  }
0x74: {  	_ =	shalt  }
0x75: {  	_ =	shalt  }
0x76: {  	_ =	shalt  }
0x77: {  	_ =	shalt  }
0x78: {  	_ =	shalt  }
0x79: {  	_ =	shalt  }
0x7a: {  	_ =	shalt  }
0x7b: {  	_ =	shalt  }
0x7c: {  	_ =	shalt  }
0x7d: {  	_ =	shalt  }
0x7e: {  	_ =	shalt  }
0x7f: {  	_ =	shalt  }
0x80: {  	_ =	shalt  }
0x81: {  	_ =	shalt  }
0x82: {  	_ =	shalt  }
0x83: {  	_ =	shalt  }
0x84: {  	_ =	shalt  }
0x85: {  	_ =	shalt  }
0x86: {  	_ =	shalt  }
0x87: {  	_ =	shalt  }
.Lfunc_end0:
.L_simem_size_0:
called_computation.2_lowered:
.L_overlay_start_0:
0x88: {  	s2 =	sld [smem:$0x3FD9]  }
0x89: {  	s3 =	sld [smem:$0x3FFE];
	_ =	sdelay $0x1  }
0x8a: {  	s1 =	srdreg.scid  }
0x8b: {  	s0 =	sand.u32 $0x1, s1  }
0x8c: {  	s17 =	sshll.u32 s0, $0xA;
	s2 =	sadd.s32 s3, s2  }
0x8d: {  	s2 =	sadd.s32 s2, s17  }
0x8e: {  	[smem:$0x3FC2] =	sst s2  }
0x8f: {  	_ = 	snop  }
0x90: {  	s2 =	sld [smem:$0x3FD0];
	(tm) =	ssettm $0x1  }
0x91: {  	s18 =	sld [smem:$0x3FFB];
	_ =	sdelay $0x3  }
0x92: {  	_ =	strace s18  }
0x93: {  	s3 =	sld [smem:$0x3FFC];
	_ =	sdelay $0x3  }
0x94: {  	_ =	strace s3  }
0x95: {  	s3 =	sld [smem:$0x3FFD];
	_ =	sdelay $0x3  }
0x96: {  	_ =	strace s3  }
0x97: {  	_ =	strace $0x8FFFFFFF  }
0x98: {  	s19 =	sld [smem:$0x3FDB];
	_ =	sdelay $0x1  }
0x99: {  	s4 =	simm.s32 $_scs_section_size  }
0x9a: {  	s5 =	simm.s32 $_size__tile_overlayer_lowered;
	s6 =	simm.s32 $_tile_overlayer_lowered  }
0x9b: {  	s22 =	simm.s32 $0x1BFF;
	s21 =	sshll.u32 s6, $0x1;
	s3 =	sadd.s32 s4, s19  }
0x9c: {  	s7 =	simm.s32 $0x0;
	s20 =	sshll.u32 s5, $0x1;
	s5 =	sadd.s32 s21, s3  }
0x9d: {  	[timem:s7], [sflag:s22] =	dma.local [hbm:s5], s20  }
0x9e: {  	_ =	swait.ge [sflag:s22], s20  }
0x9f: {  	s4 =	ssub.s32 $0x0, s20;
	[sflag:s22] =	ssyncset.done $0x0  }
0xa0: {  	[sflag:s22] =	ssyncadd.s32 s4;
	_ =	sdelay $0x1  }
0xa1: {  	s23 =	simm.s32 $0x1B8B  }
0xa2: {  	_ =	swait.ge [sflag:s23], $0x1  }
0xa3: {  	[sflag:s23] =	ssyncset.done $0x0  }
0xa4: {  	s25 =	simm.s32 $0x1B8E;
	s24 =	sld [smem:$0x3FFE];
	[sflag:s23] =	ssyncadd.s32 $0xFFFFFFFF  }
0xa5: {  	s26 =	simm.s32 $execute0_lowered;
	[smem:$0x3FD2] =	sst s25  }
0xa6: {  	s5 =	sshll.u32 s26, $0x1;
	_ =	strace $0x8000004C;
	[dreg:$0x1] =	wrdreg $0xFFFFFFFF  }
0xa7: {  	s28 =	simm.s32 $_size_execute0_lowered;
	s3 =	sadd.s32 s3, s5;
	[dreg:$0x0] =	wrdreg $0x0  }
0xa8: {  	s5 =	sshll.u32 s28, $0x1;
	[dreg:$0x2] =	wrdreg s3  }
0xa9: {  	[dreg:$0x3] =	wrdreg s5  }
0xaa: {  	[dreg:$0x4] =	wrdreg $0xC0  }
0xab: {  	_ =	task [dreg:s7], $0x5FFFF  }
0xac: {  	[dreg:$0x1] =	wrdreg $0xFFFFFFFF  }
0xad: {  	[dreg:$0x0] =	wrdreg $0x60  }
0xae: {  	[dreg:$0x2] =	wrdreg s2  }
0xaf: {  	[dreg:$0x3] =	wrdreg s24  }
0xb0: {  	[dreg:$0x4] =	wrdreg $0x70000  }
0xb1: {  	[dreg:$0x5] =	wrdreg $0x98000  }
0xb2: {  	[dreg:$0x6] =	wrdreg $0x9  }
0xb3: {  	_ =	task.clear_ibuf [dreg:s7], $0x7FFFF;
	_ =	strace $0x9000004C  }
0xb4: {  	s29 =	simm.s32 $0x9;
	_ =	strace $0x8000004E  }
0xb5: {  	_ =	swait.ge [sflag:s29], $0x1  }
0xb6: {  	[sflag:s29] =	ssyncadd.s32 $0xFFFFFFFF  }
0xb7: {  	_ =	strace $0x9000004E  }
0xb8: {  	_ =	sfence  }
0xb9: {  	s30 =	sld [smem:$0x0];
	_ =	sdelay $0x2  }
0xba: {  	s31 =	sshll.u32 s1, $0xD;
	s1 =	sshrl.u32 s1, $0x2  }
0xbb: {  	s3 =	sand.u32 $0x4000, s31;
	s1 =	sadd.s32 s1, s30  }
0xbc: {  	s0 =	sor.u32 s3, s0;
	s1 =	sshll.u32 s1, $0x11  }
0xbd: {  	s0 =	sor.u32 s1, s0  }
0xbe: {  	s0 =	sadd.s32 $0x8F2B, s0  }
0xbf: {  	[sflag:s0] =	ssyncadd.remote.s32 $0x1  }
0xc0: {  	_ =	sfence.sel $0xFFFF  }
0xc1: {  	[dreg:$0x0] =	wrdreg $0xFFFFFFFF;
	(pc) =	sbr.abs _section_cstart, $3  }
0xc2: {  	[dreg:$0x1] =	wrdreg $0xFFFFFFFF  }
0xc3: {  	_ =	task.clear_ibuf [dreg:s7], $0x2FFFF;
	_ =	strace $0x9FFFFFFF  }
0xc4: {  	(tm) =	ssettm $0x7FFFFFFF  }
0xc5: {  	_ =	shalt  }
tec
execute0_lowered:
.L_overlay_start_1:
0x0: {  	(tag) =	ssettag $0x1  }
0x1: {  	s0 =	rddreg [dreg:$0x0];
	s1 =	srdreg.scid  }
0x2: {  	s13 =	stileid.u32;
	s5 =	rddreg [dreg:$0x1]  }
0x3: {  	s2 =	rddreg [dreg:$0x2];
	s16 =	simm.s32 $0x80;
	s17 =	simm.s32 $0x5000  }
0x4: {  	s18 =	simm.s32 $0x5800;
	s20 =	simm.s32 $0x6000;
	s21 =	simm.s32 $0x1  }
0x5: {  	s29 =	simm.s32 $0x3;
	s31 =	simm.s32 $0x6;
	s28 =	simm.s32 $0x8  }
0x6: {  	s30 =	simm.s32 $0x0;
	s1 =	sand.u32 $0x1, s1;
	s8 =	smul.u32 $0x2800, s13  }
0x7: {  	s3 =	sshll.u32 s13, $0x1;
	s11 =	smul.u32 $0x2710, s13;
	s26 =	sshll.u32 s13, $0x6  }
0x8: {  	s4 =	sor.u32 s1, s3;
	s3 =	rddreg [dreg:$0x3];
	s7 =	smul.u32 $0x28000, s1  }
0x9: {  	s1 =	ssub.s32 $0x2, s1;
	s13 =	sor.u32 $0x1C09, s26;
	s26 =	simm.s32 $0x5  }
0xa: {  	s6 =	smul.u32 $0x500, s4;
	s4 =	simm.s32 $0x0;
	s9 =	sshrl.u32 s8, $0x3  }
0xb: {  	s10 =	sshrl.u32 s1, $0x1;
	s14 =	sadd.s32 s11, s2;
	s24 =	sshrl.u32 s11, $0x3  }
0xc: {  	s25 =	sadd.s32 s8, s3;
	s11 =	simm.s32 $0x9;
	[smem:$0x7FF] =	sst s4  }
0xd: {  	s9 =	sadd.s32 s9, s5;
	s7 =	sadd.s32 s8, s7;
	s1 =	ssub.s32 s1, s10  }
0xe: {  	s0 =	sadd.s32 s0, s24;
	s14 =	sshrl.u32 s14, $0x3;
	s15 =	sshrl.u32 s25, $0x3  }
0xf: {  	s24 =	simm.s32 $0x2;
	_ =	strace $0x8000004D;
	s6 =	sadd.s32 s6, s5  }
.Ltmp0:
0x10: {  	s7 =	sshrl.u32 s7, $0x3;
	[dreg:$0x7] =	wrdreg s0;
	(pc) =	sbr.rel .LBB2_1-.Ltmp0, $4  }
0x11: {  	s8 =	sadd.s32 $0x16A00, s9;
	s10 =	smax.u32 s1, $0x1;
	s22 =	sadd.s32 $0x2A00, s6  }
0x12: {  	s12 =	sadd.s32 s7, s5;
	s23 =	sadd.s32 $0xCA00, s6;
	[dreg:$0x5] =	wrdreg s22  }
0x13: {  	s0 =	simm.s32 $0x4;
	[dreg:$0x6] =	wrdreg s23;
	s9 =	sadd.s32 $0x1BA00, s12  }
0x14: {  	s12 =	simm.s32 $0x2800;
	s23 =	simm.s32 $0x6800;
	s22 =	simm.s32 $0x7  }
.LBB2_4:
0x15: {  	_ =	swait.ge [sflag:s26], $0x800  }
0x16: {  	[sflag:s26] =	ssyncset.done $0x0  }
0x17: {  	[sflag:s26] =	ssyncadd.s32 $0xFFFFF800  }
0x18: {  	_ =	swait.ge [sflag:s31], $0x800  }
0x19: {  	[sflag:s31] =	ssyncset.done $0x0  }
0x1a: {  	[sflag:s31] =	ssyncadd.s32 $0xFFFFF800  }
0x1b: {  	_ =	swait.ge [sflag:s22], $0x800  }
0x1c: {  	[sflag:s22] =	ssyncset.done $0x0  }
0x1d: {  	[sflag:s22] =	ssyncadd.s32 $0xFFFFF800  }
0x1e: {  	_ =	swait.ge [sflag:s28], $0x800  }
0x1f: {  	s30 =	sadd.s32 $0x1, s30;
	[sflag:s28] =	ssyncset.done $0x0  }
0x20: {  	p0 =	sne.s32 s30, s10;
	[sflag:s28] =	ssyncadd.s32 $0xFFFFF800  }
.Ltmp1:
0x21: {  	[bflag:$0x0] =	sbarrier.arrive $0xFFFF;
	(pc) =	sbr.rel @!p0 .LBB2_5-.Ltmp1, $4  }
0x22: {  	[hbm:s9], [sflag:s13] =	dma.local [spmem:s15], $0x500  }
0x23: {  	_ =	swait.ge [sflag:s11], $0x500  }
0x24: {  	[sflag:s11] =	ssyncset.done $0x0  }
0x25: {  	[sflag:s11] =	ssyncadd.s32 $0xFFFFFB00  }
.LBB2_1:
0x26: {  	s1 =	rddreg [dreg:$0x5]  }
0x27: {  	[tilespmem:s4], [sflag:$0x9] =	stream.linear.gather [hbm4b:s1+s4], $0x2800, $0x38;
	[tilespmem:$0xC000] =	vst v63  }
0x28: {  	_ =	swait.ge [sflag:s11], $0x2800  }
0x29: {  	[sflag:s11] =	ssyncset.done $0x0  }
0x2a: {  	s5 =	rddreg [dreg:$0x6];
	[sflag:s11] =	ssyncadd.s32 $0xFFFFD800  }
0x2b: {  	[tilespmem:s12], [sflag:$0x9] =	stream.linear.gather [hbm4b:s5+s4], $0x2800, $0x38;
	[tilespmem:$0xC000] =	vst v63  }
0x2c: {  	_ =	swait.ge [sflag:s11], $0x2800  }
0x2d: {  	[sflag:s11] =	ssyncset.done $0x0  }
0x2e: {  	s6 =	rddreg [dreg:$0x7];
	[sflag:s11] =	ssyncadd.s32 $0xFFFFD800  }
0x2f: {  	[spmem:s14], [sflag:s13] =	dma.local [hbm:s6], $0x4E2  }
0x30: {  	_ =	swait.ge [sflag:s11], $0x4E2  }
0x31: {  	[sflag:s11] =	ssyncset.done $0x0  }
0x32: {  	[sflag:s11] =	ssyncadd.s32 $0xFFFFFB1E  }
0x33: {  	[spmem:s15], [sflag:s13] =	dma.local [hbm:s8], $0x500  }
0x34: {  	_ =	swait.ge [sflag:s11], $0x500  }
0x35: {  	[sflag:s11] =	ssyncset.done $0x0  }
0x36: {  	[sflag:s11] =	ssyncadd.s32 $0xFFFFFB00  }
0x37: {  	[bflag:$0x0] =	sbarrier.arrive $0xFFFF  }
0x38: {  	[tilespmem:s17], [sflag:$0x1] =	stream.indirect.gather [spmem:s2], $0x10, s4, s16, $0xb8;
	[tilespmem:$0xC000] =	vst v63  }
0x39: {  	_ = 	snop  }
0x3a: {  	[tilespmem:s18], [sflag:$0x2] =	stream.indirect.gather [spmem:s2], $0x10, s16, s16, $0xb8;
	[tilespmem:$0xC000] =	vst v63  }
0x3b: {  	s7 =	simm.s32 $0x100  }
0x3c: {  	[tilespmem:s20], [sflag:$0x3] =	stream.indirect.gather [spmem:s2], $0x10, s7, s16, $0xb8;
	[tilespmem:$0xC000] =	vst v63  }
0x3d: {  	_ =	swait.ge [sflag:s21], $0x800  }
0x3e: {  	[sflag:s21] =	ssyncset.done $0x0  }
0x3f: {  	[sflag:s21] =	ssyncadd.s32 $0xFFFFF800  }
0x40: {  	[spmem:s3] =	stream.indirect.scatter.add.f32 [tilespmem:s17], [sflag:$0x5], $0x10, s12, s16, $0xb8;
	[tilespmem:$0xC000] =	vst v63  }
0x41: {  	s19 =	simm.s32 $0x180  }
0x42: {  	[tilespmem:s23], [sflag:$0x4] =	stream.indirect.gather [spmem:s2], $0x10, s19, s16, $0xb8;
	[tilespmem:$0xC000] =	vst v63  }
0x43: {  	_ =	swait.ge [sflag:s24], $0x800  }
0x44: {  	[sflag:s24] =	ssyncset.done $0x0  }
0x45: {  	s25 =	simm.s32 $0x2880;
	[sflag:s24] =	ssyncadd.s32 $0xFFFFF800  }
0x46: {  	[spmem:s3] =	stream.indirect.scatter.add.f32 [tilespmem:s18], [sflag:$0x6], $0x10, s25, s16, $0xb8;
	[tilespmem:$0xC000] =	vst v63  }
0x47: {  	_ =	swait.ge [sflag:s26], $0x800  }
0x48: {  	[sflag:s26] =	ssyncset.done $0x0  }
0x49: {  	s5 =	simm.s32 $0x200;
	[sflag:s26] =	ssyncadd.s32 $0xFFFFF800  }
0x4a: {  	[tilespmem:s17], [sflag:$0x1] =	stream.indirect.gather [spmem:s2], $0x10, s5, s16, $0xb8;
	[tilespmem:$0xC000] =	vst v63  }
0x4b: {  	_ =	swait.ge [sflag:s29], $0x800  }
0x4c: {  	[sflag:s29] =	ssyncset.done $0x0  }
0x4d: {  	s6 =	simm.s32 $0x2900;
	[sflag:s29] =	ssyncadd.s32 $0xFFFFF800  }
0x4e: {  	[spmem:s3] =	stream.indirect.scatter.add.f32 [tilespmem:s20], [sflag:$0x7], $0x10, s6, s16, $0xb8;
	[tilespmem:$0xC000] =	vst v63  }
0x4f: {  	_ =	swait.ge [sflag:s31], $0x800  }
0x50: {  	[sflag:s31] =	ssyncset.done $0x0  }
0x51: {  	s7 =	simm.s32 $0x280;
	[sflag:s31] =	ssyncadd.s32 $0xFFFFF800  }
0x52: {  	[tilespmem:s18], [sflag:$0x2] =	stream.indirect.gather [spmem:s2], $0x10, s7, s16, $0xb8;
	[tilespmem:$0xC000] =	vst v63  }
0x53: {  	_ =	swait.ge [sflag:s0], $0x800  }
0x54: {  	[sflag:s0] =	ssyncset.done $0x0  }
0x55: {  	s19 =	simm.s32 $0x2980;
	[sflag:s0] =	ssyncadd.s32 $0xFFFFF800  }
0x56: {  	[spmem:s3] =	stream.indirect.scatter.add.f32 [tilespmem:s23], [sflag:$0x8], $0x10, s19, s16, $0xb8;
	[tilespmem:$0xC000] =	vst v63  }
0x57: {  	_ =	swait.ge [sflag:s22], $0x800  }
0x58: {  	[sflag:s22] =	ssyncset.done $0x0  }
0x59: {  	s1 =	simm.s32 $0x0;
	s25 =	simm.s32 $0x300;
	[sflag:s22] =	ssyncadd.s32 $0xFFFFF800  }
0x5a: {  	[tilespmem:s20], [sflag:$0x3] =	stream.indirect.gather [spmem:s2], $0x10, s25, s16, $0xb8;
	[tilespmem:$0xC000] =	vst v63  }
.LBB2_2:
0x5b: {  	_ =	swait.ge [sflag:s21], $0x800  }
0x5c: {  	s19 =	sshra.s32 s1, $0x2;
	[sflag:s21] =	ssyncset.done $0x0  }
0x5d: {  	s25 =	sadd.s32 $0x2A00, s19;
	[sflag:s21] =	ssyncadd.s32 $0xFFFFF800  }
0x5e: {  	[spmem:s3] =	stream.indirect.scatter.add.f32 [tilespmem:s17], [sflag:$0x5], $0x10, s25, s16, $0xb8;
	[tilespmem:$0xC000] =	vst v63  }
0x5f: {  	_ =	swait.ge [sflag:s28], $0x800  }
0x60: {  	[sflag:s28] =	ssyncset.done $0x0  }
0x61: {  	s6 =	sadd.s32 $0x380, s19;
	[sflag:s28] =	ssyncadd.s32 $0xFFFFF800  }
0x62: {  	[tilespmem:s23], [sflag:$0x4] =	stream.indirect.gather [spmem:s2], $0x10, s6, s16, $0xb8;
	[tilespmem:$0xC000] =	vst v63  }
0x63: {  	_ =	swait.ge [sflag:s24], $0x800  }
0x64: {  	p0 =	seq.s32 s1, $0x9000;
	[sflag:s24] =	ssyncset.done $0x0  }
0x65: {  	s7 =	sadd.s32 $0x2A80, s19;
	s25 =	simm.s32 @p0 $0x3;
	[sflag:s24] =	ssyncadd.s32 $0xFFFFF800  }
0x66: {  	[spmem:s3] =	stream.indirect.scatter.add.f32 [tilespmem:s18], [sflag:$0x6], $0x10, s7, s16, $0xb8;
	[tilespmem:$0xC000] =	vst v63  }
0x67: {  	_ =	swait.ge @p0 [sflag:s25], $0x800  }
0x68: {  	[sflag:s25] =	ssyncset.done @p0 $0x0  }
0x69: {  	[sflag:s25] =	ssyncadd.s32 @p0 $0xFFFFF800;
	s25 =	sshra.s32 @p0 s1, $0x2  }
0x6a: {  	s5 =	simm.s32 @p0 $0x80;
	s6 =	simm.s32 @p0 $0x6000;
	s25 =	sadd.s32 @p0 $0x2B00, s25  }
0x6b: {  	[spmem:s3] =	stream.indirect.scatter.add.f32 @p0 [tilespmem:s6], [sflag:$0x7], $0x10, s25, s5, $0xb8;
	[tilespmem:$0xC000] =	vst v63  }
0x6c: {  	s5 =	simm.s32 @!p0 $0x5  }
0x6d: {  	_ =	swait.ge @!p0 [sflag:s5], $0x800  }
0x6e: {  	[sflag:s5] =	ssyncset.done @!p0 $0x0  }
0x6f: {  	[sflag:s5] =	ssyncadd.s32 @!p0 $0xFFFFF800;
	s5 =	sshra.s32 @!p0 s1, $0x2  }
0x70: {  	s7 =	simm.s32 @!p0 $0x5000;
	s25 =	simm.s32 @!p0 $0x80;
	s6 =	sadd.s32 @!p0 $0x400, s5  }
0x71: {  	[tilespmem:s7], [sflag:$0x1] =	stream.indirect.gather @!p0 [spmem:s2], $0x10, s6, s25, $0xb8;
	[tilespmem:$0xC000] =	vst v63  }
0x72: {  	s6 =	simm.s32 @!p0 $0x3  }
0x73: {  	_ =	swait.ge @!p0 [sflag:s6], $0x800  }
0x74: {  	[sflag:s6] =	ssyncset.done @!p0 $0x0  }
0x75: {  	s7 =	simm.s32 @!p0 $0x6000;
	[sflag:s6] =	ssyncadd.s32 @!p0 $0xFFFFF800;
	s6 =	sadd.s32 @!p0 $0x2B00, s5  }
0x76: {  	[spmem:s3] =	stream.indirect.scatter.add.f32 @!p0 [tilespmem:s7], [sflag:$0x7], $0x10, s6, s25, $0xb8;
	[tilespmem:$0xC000] =	vst v63  }
0x77: {  	s6 =	simm.s32 @!p0 $0x6  }
0x78: {  	_ =	swait.ge @!p0 [sflag:s6], $0x800  }
0x79: {  	[sflag:s6] =	ssyncset.done @!p0 $0x0  }
0x7a: {  	s5 =	sadd.s32 @!p0 $0x480, s5;
	[sflag:s6] =	ssyncadd.s32 @!p0 $0xFFFFF800;
	s6 =	simm.s32 @!p0 $0x5800  }
0x7b: {  	[tilespmem:s6], [sflag:$0x2] =	stream.indirect.gather @!p0 [spmem:s2], $0x10, s5, s25, $0xb8;
	[tilespmem:$0xC000] =	vst v63  }
.Ltmp2:
0x7c: {  	_ = 	snop;
	(pc) =	sbr.rel @p0 .LBB2_4-.Ltmp2, $4  }
0x7d: {  	_ =	swait.ge [sflag:s0], $0x800  }
0x7e: {  	[sflag:s0] =	ssyncset.done $0x0  }
0x7f: {  	s25 =	sadd.s32 $0x2B80, s19;
	[sflag:s0] =	ssyncadd.s32 $0xFFFFF800  }
0x80: {  	[spmem:s3] =	stream.indirect.scatter.add.f32 [tilespmem:s23], [sflag:$0x8], $0x10, s25, s16, $0xb8;
	[tilespmem:$0xC000] =	vst v63  }
.Ltmp3:
0x81: {  	(pc) =	sbr.rel .LBB2_2-.Ltmp3, $4  }
0x82: {  	_ =	swait.ge [sflag:s22], $0x800  }
0x83: {  	[sflag:s22] =	ssyncset.done $0x0  }
0x84: {  	s5 =	sadd.s32 $0x500, s19;
	s1 =	sadd.s32 $0x800, s1;
	[sflag:s22] =	ssyncadd.s32 $0xFFFFF800  }
0x85: {  	[tilespmem:s20], [sflag:$0x3] =	stream.indirect.gather [spmem:s2], $0x10, s5, s16, $0xb8;
	[tilespmem:$0xC000] =	vst v63  }
.LBB2_5:
0x86: {  	_ =	sfence.sel $0x180000  }
0x87: {  	[bflag:$0x0] =	sbarrier.arrive $0xFFFF  }
0x88: {  	_ =	strace $0x9000004D  }
0x89: {  	s0 =	stileid.u32;
	[bflag:$0x2] =	sbarrier.arrive $0xFFFF  }
0x8a: {  	p0 =	sne.s32 s0, $0x0;
	s0 =	rddreg [dreg:$0x4]  }
0x8b: {  	s0 =	sadd.s32 @!p0 $0x100000, s0  }
0x8c: {  	[sflag:s0] =	ssyncadd.tile.s32 @!p0 $0x1;
	_ =	shalt  }
.Lfunc_end2:
_tile_overlayer_lowered:
.L_overlay_start_2:
0x8d: {  	(tag) =	ssettag $0x2  }
0x8e: {  	s0 =	rddreg [dreg:$0x0];
	s2 =	stileid.u32  }
0x8f: {  	s1 =	rddreg [dreg:$0x1];
	p0 =	sne.s32 s2, $0x0  }
0x90: {  	s3 =	rddreg [dreg:$0x2];
	[bflag:$0x3] =	sbarrier.arrive $0xFFFF;
	s2 =	simm.s32 @!p0 $0x1C09  }
0x91: {  	[timem:s3], [sflag:s2] =	dma.local @!p0 [hbm:s0], s1  }
0x92: {  	s0 =	simm.s32 @!p0 $0x9  }
0x93: {  	_ =	swait.ge @!p0 [sflag:s0], s1  }
0x94: {  	s1 =	ssub.s32 @!p0 $0x0, s1;
	[sflag:s0] =	ssyncset.done @!p0 $0x0  }
0x95: {  	[sflag:s0] =	ssyncadd.s32 @!p0 s1  }
0x96: {  	[bflag:$0x3] =	sbarrier.arrive $0xFFFF  }
0x97: {  	_ =	shalt  }

// kernel: kernel.9.cloned.1.call-start
scs
__scs_entry_jumppad:
0x0: {  	(pc) =	sbr.rel $0x88, $3  }
0x1: {  	(tag) =	ssettag $0x0;
	lr =	simm.s32 $0x1  }
0x2: {  	[smem:$0x3F9B] =	sst lr;
	_ =	strace $0xD0000000  }
0x3: {  	_ = 	snop  }
0x4: {  	_ = 	snop  }
0x5: {  	_ = 	snop  }
0x6: {  	_ = 	snop  }
0x7: {  	_ = 	snop  }
__scs_overlays_trampoline_lowered:
0x8: {  	[smem:$0x3FAA] =	sst s0  }
0x9: {  	[smem:$0x3FAB] =	sst s1  }
0xa: {  	[smem:$0x3FAC] =	sst s2  }
0xb: {  	[smem:$0x3FAD] =	sst s3  }
0xc: {  	[smem:$0x3FAE] =	sst s4  }
0xd: {  	[smem:$0x3FAF] =	sst s5  }
0xe: {  	[smem:$0x3FB0] =	sst s6  }
0xf: {  	[smem:$0x3FB1] =	sst s7  }
0x10: {  	[smem:$0x3FB2] =	sst s8  }
0x11: {  	[smem:$0x3FB3] =	sst s9;
	s0 =	simm.s32 @!p0 $0x0  }
0x12: {  	s1 =	sld [smem:$0x3F99];
	s0 =	simm.s32 @p0 $0x1  }
0x13: {  	[smem:$0x3FB4] =	sst s0;
	s0 =	simm.s32 @!p1 $0x0  }
0x14: {  	s2 =	sld [smem:$0x3F98];
	s0 =	simm.s32 @p1 $0x1  }
0x15: {  	[smem:$0x3FB5] =	sst s0;
	s0 =	simm.s32 @!p2 $0x0  }
0x16: {  	s3 =	sld [smem:$0x3FDB];
	s0 =	simm.s32 @p2 $0x1  }
0x17: {  	s4 =	simm.s32 $0x1BF5;
	[smem:$0x3FB7] =	sst s0  }
0x18: {  	s0 =	sld [smem:$0x3F9A];
	_ =	swait.ge [sflag:s4], $0x0  }
0x19: {  	s7 =	sld [smem:$0x3F9B]  }
0x1a: {  	s8 =	sadd.s32 $0xFFFFE003, lr  }
0x1b: {  	s9 =	sadd.s32 $0xFFFFFEF7, lr;
	s5 =	simm.s32 $0xFFFFFFFF;
	p2 =	slt.u32 s8, $0xFFFFF086  }
0x1c: {  	p1 =	slt.u32 s9, $0xF7A;
	s5 =	simm.s32 @!p2 $0x0  }
0x1d: {  	s5 =	simm.s32 @p1 $0x1;
	p0 =	seq.s32 s7, s2  }
0x1e: {  	s7 =	smul.u32 @!p0 $0xF7A, s2;
	p2 =	seq.s32 @!p0 s5, $0x0  }
0x1f: {  	s9 =	smul.u32 $0xF7A, s1;
	s8 =	simm.s32 @!p0 $0x1BF5;
	p2 =	por !p2, p0  }
0x20: {  	[sflag:s8] =	ssyncset.s32 @!p0 $0xFFFFF086;
	s6 =	sadd.s32 @!p0 s3, s7;
	s7 =	simm.s32 @!p0 $0x108  }
0x21: {  	s3 =	sadd.s32 s3, s9;
	s6 =	sadd.s32 @!p0 $0x88, s6;
	s7 =	simm.s32 @p2 $0x1082  }
0x22: {  	[simem:s7], [sflag:s8] =	dma.local @!p0 [hbm:s6], $0xF7A  }
0x23: {  	s9 =	sor.u32 $0xD0000000, s2;
	s6 =	simm.s32 $0x108;
	_ =	swait.ge @!p0 [sflag:s8], $0x0  }
0x24: {  	s3 =	sadd.s32 $0x88, s3;
	s6 =	simm.s32 @!p1 $0x1082;
	[sflag:s4] =	ssyncset.s32 $0xFFFFF086  }
0x25: {  	[simem:s6], [sflag:s4] =	dma.local [hbm:s3], $0xF7A  }
0x26: {  	[smem:$0x3F9B] =	sst s1;
	(tag) =	ssettag s2;
	_ =	strace s9  }
0x27: {  	s1 =	sld [smem:$0x3FAB]  }
0x28: {  	s2 =	sld [smem:$0x3FAC]  }
0x29: {  	s4 =	sld [smem:$0x3FAE]  }
0x2a: {  	p0 =	seq.s32 s5, $0x0;
	s5 =	sld [smem:$0x3FAF]  }
0x2b: {  	s6 =	sld [smem:$0x3FB0]  }
0x2c: {  	s7 =	sld [smem:$0x3FB1]  }
0x2d: {  	s3 =	simm.s32 $0x108;
	s8 =	sld [smem:$0x3FB2]  }
0x2e: {  	s3 =	simm.s32 @!p0 $0x1082;
	s9 =	sld [smem:$0x3FB3]  }
0x2f: {  	lr =	sadd.s32 s0, s3;
	s0 =	sld [smem:$0x3FAA]  }
0x30: {  	s3 =	sld [smem:$0x3FAD]  }
0x31: {  	[smem:$0x3FB6] =	sst s10  }
0x32: {  	s10 =	sld [smem:$0x3FB4];
	_ =	sdelay $0x3  }
0x33: {  	p0 =	seq.s32 s10, $0x1;
	s10 =	sld [smem:$0x3FB6];
	_ =	sdelay $0x3  }
0x34: {  	[smem:$0x3FB6] =	sst s10  }
0x35: {  	s10 =	sld [smem:$0x3FB5];
	_ =	sdelay $0x3  }
0x36: {  	p1 =	seq.s32 s10, $0x1;
	s10 =	sld [smem:$0x3FB6];
	_ =	sdelay $0x3  }
0x37: {  	[smem:$0x3FB6] =	sst s10  }
0x38: {  	s10 =	sld [smem:$0x3FB7]  }
0x39: {  	_ = 	snop;
	(pc) =	sbr.ind lr, $3  }
0x3a: {  	_ = 	snop  }
0x3b: {  	_ = 	snop  }
0x3c: {  	p2 =	seq.s32 s10, $0x1;
	s10 =	sld [smem:$0x3FB6]  }
0x3d: {  	_ =	shalt  }
0x3e: {  	_ =	shalt  }
0x3f: {  	_ =	shalt  }
0x40: {  	_ =	shalt  }
0x41: {  	_ =	shalt  }
0x42: {  	_ =	shalt  }
0x43: {  	_ =	shalt  }
0x44: {  	_ =	shalt  }
0x45: {  	_ =	shalt  }
0x46: {  	_ =	shalt  }
0x47: {  	_ =	shalt  }
0x48: {  	_ =	shalt  }
0x49: {  	_ =	shalt  }
0x4a: {  	_ =	shalt  }
0x4b: {  	_ =	shalt  }
0x4c: {  	_ =	shalt  }
0x4d: {  	_ =	shalt  }
0x4e: {  	_ =	shalt  }
0x4f: {  	_ =	shalt  }
0x50: {  	_ =	shalt  }
0x51: {  	_ =	shalt  }
0x52: {  	_ =	shalt  }
0x53: {  	_ =	shalt  }
0x54: {  	_ =	shalt  }
0x55: {  	_ =	shalt  }
0x56: {  	_ =	shalt  }
0x57: {  	_ =	shalt  }
0x58: {  	_ =	shalt  }
0x59: {  	_ =	shalt  }
0x5a: {  	_ =	shalt  }
0x5b: {  	_ =	shalt  }
0x5c: {  	_ =	shalt  }
0x5d: {  	_ =	shalt  }
0x5e: {  	_ =	shalt  }
0x5f: {  	_ =	shalt  }
0x60: {  	_ =	shalt  }
0x61: {  	_ =	shalt  }
0x62: {  	_ =	shalt  }
0x63: {  	_ =	shalt  }
0x64: {  	_ =	shalt  }
0x65: {  	_ =	shalt  }
0x66: {  	_ =	shalt  }
0x67: {  	_ =	shalt  }
0x68: {  	_ =	shalt  }
0x69: {  	_ =	shalt  }
0x6a: {  	_ =	shalt  }
0x6b: {  	_ =	shalt  }
0x6c: {  	_ =	shalt  }
0x6d: {  	_ =	shalt  }
0x6e: {  	_ =	shalt  }
0x6f: {  	_ =	shalt  }
0x70: {  	_ =	shalt  }
0x71: {  	_ =	shalt  }
0x72: {  	_ =	shalt  }
0x73: {  	_ =	shalt  }
0x74: {  	_ =	shalt  }
0x75: {  	_ =	shalt  }
0x76: {  	_ =	shalt  }
0x77: {  	_ =	shalt  }
0x78: {  	_ =	shalt  }
0x79: {  	_ =	shalt  }
0x7a: {  	_ =	shalt  }
0x7b: {  	_ =	shalt  }
0x7c: {  	_ =	shalt  }
0x7d: {  	_ =	shalt  }
0x7e: {  	_ =	shalt  }
0x7f: {  	_ =	shalt  }
0x80: {  	_ =	shalt  }
0x81: {  	_ =	shalt  }
0x82: {  	_ =	shalt  }
0x83: {  	_ =	shalt  }
0x84: {  	_ =	shalt  }
0x85: {  	_ =	shalt  }
0x86: {  	_ =	shalt  }
0x87: {  	_ =	shalt  }
.Lfunc_end0:
.L_simem_size_0:
called_computation_lowered:
.L_overlay_start_0:
0x88: {  	s2 =	sld [smem:$0x3FD9]  }
0x89: {  	s3 =	sld [smem:$0x3FFE];
	_ =	sdelay $0x1  }
0x8a: {  	s1 =	srdreg.scid  }
0x8b: {  	s0 =	sand.u32 $0x1, s1  }
0x8c: {  	s17 =	sshll.u32 s0, $0xA;
	s2 =	sadd.s32 s3, s2  }
0x8d: {  	s2 =	sadd.s32 s2, s17  }
0x8e: {  	[smem:$0x3FC2] =	sst s2  }
0x8f: {  	_ = 	snop  }
0x90: {  	s2 =	sld [smem:$0x3FD0];
	(tm) =	ssettm $0x1  }
0x91: {  	s18 =	sld [smem:$0x3FFB];
	_ =	sdelay $0x3  }
0x92: {  	_ =	strace s18  }
0x93: {  	s3 =	sld [smem:$0x3FFC];
	_ =	sdelay $0x3  }
0x94: {  	_ =	strace s3  }
0x95: {  	s3 =	sld [smem:$0x3FFD];
	_ =	sdelay $0x3  }
0x96: {  	_ =	strace s3  }
0x97: {  	_ =	strace $0x8FFFFFFF  }
0x98: {  	s19 =	sld [smem:$0x3FDB];
	_ =	sdelay $0x1  }
0x99: {  	s4 =	simm.s32 $_scs_section_size  }
0x9a: {  	s5 =	simm.s32 $_size__tile_overlayer_lowered;
	s6 =	simm.s32 $_tile_overlayer_lowered  }
0x9b: {  	s22 =	simm.s32 $0x1BFF;
	s21 =	sshll.u32 s6, $0x1;
	s3 =	sadd.s32 s4, s19  }
0x9c: {  	s7 =	simm.s32 $0x0;
	s20 =	sshll.u32 s5, $0x1;
	s5 =	sadd.s32 s21, s3  }
0x9d: {  	[timem:s7], [sflag:s22] =	dma.local [hbm:s5], s20  }
0x9e: {  	_ =	swait.ge [sflag:s22], s20  }
0x9f: {  	s4 =	ssub.s32 $0x0, s20;
	[sflag:s22] =	ssyncset.done $0x0  }
0xa0: {  	[sflag:s22] =	ssyncadd.s32 s4;
	_ =	sdelay $0x1  }
0xa1: {  	s23 =	simm.s32 $0x1B8B  }
0xa2: {  	_ =	swait.ge [sflag:s23], $0x1  }
0xa3: {  	[sflag:s23] =	ssyncset.done $0x0  }
0xa4: {  	s25 =	simm.s32 $0x1B8E;
	s24 =	sld [smem:$0x3FFE];
	[sflag:s23] =	ssyncadd.s32 $0xFFFFFFFF  }
0xa5: {  	s26 =	simm.s32 $execute0_lowered;
	[smem:$0x3FD2] =	sst s25  }
0xa6: {  	s5 =	sshll.u32 s26, $0x1;
	_ =	strace $0x80000046;
	[dreg:$0x1] =	wrdreg $0xFFFFFFFF  }
0xa7: {  	s28 =	simm.s32 $_size_execute0_lowered;
	s3 =	sadd.s32 s3, s5;
	[dreg:$0x0] =	wrdreg $0x0  }
0xa8: {  	s5 =	sshll.u32 s28, $0x1;
	[dreg:$0x2] =	wrdreg s3  }
0xa9: {  	[dreg:$0x3] =	wrdreg s5  }
0xaa: {  	[dreg:$0x4] =	wrdreg $0xC0  }
0xab: {  	_ =	task [dreg:s7], $0x5FFFF  }
0xac: {  	[dreg:$0x1] =	wrdreg $0xFFFFFFFF  }
0xad: {  	[dreg:$0x0] =	wrdreg $0x60  }
0xae: {  	[dreg:$0x2] =	wrdreg s2  }
0xaf: {  	[dreg:$0x3] =	wrdreg s24  }
0xb0: {  	[dreg:$0x4] =	wrdreg $0x2C000  }
0xb1: {  	[dreg:$0x5] =	wrdreg $0x9  }
0xb2: {  	_ =	task.clear_ibuf [dreg:s7], $0x6FFFF;
	_ =	strace $0x90000046  }
0xb3: {  	s29 =	simm.s32 $0x9;
	_ =	strace $0x80000048  }
0xb4: {  	_ =	swait.ge [sflag:s29], $0x1  }
0xb5: {  	[sflag:s29] =	ssyncadd.s32 $0xFFFFFFFF  }
0xb6: {  	_ =	strace $0x90000048  }
0xb7: {  	_ =	sfence  }
0xb8: {  	s30 =	sld [smem:$0x0];
	_ =	sdelay $0x2  }
0xb9: {  	s31 =	sshll.u32 s1, $0xD;
	s1 =	sshrl.u32 s1, $0x2  }
0xba: {  	s3 =	sand.u32 $0x4000, s31;
	s1 =	sadd.s32 s1, s30  }
0xbb: {  	s0 =	sor.u32 s3, s0;
	s1 =	sshll.u32 s1, $0x11  }
0xbc: {  	s0 =	sor.u32 s1, s0  }
0xbd: {  	s0 =	sadd.s32 $0x8F2B, s0  }
0xbe: {  	[sflag:s0] =	ssyncadd.remote.s32 $0x1  }
0xbf: {  	_ =	sfence.sel $0xFFFF  }
0xc0: {  	[dreg:$0x0] =	wrdreg $0xFFFFFFFF;
	(pc) =	sbr.abs _section_cstart, $3  }
0xc1: {  	[dreg:$0x1] =	wrdreg $0xFFFFFFFF  }
0xc2: {  	_ =	task.clear_ibuf [dreg:s7], $0x2FFFF;
	_ =	strace $0x9FFFFFFF  }
0xc3: {  	(tm) =	ssettm $0x7FFFFFFF  }
tec
execute0_lowered:
.L_overlay_start_1:
0x0: {  	(tag) =	ssettag $0x1  }
0x1: {  	s2 =	rddreg [dreg:$0x0]  }
0x2: {  	s1 =	srdreg.scid;
	s6 =	rddreg [dreg:$0x1]  }
0x3: {  	s0 =	stileid.u32;
	s3 =	rddreg [dreg:$0x2]  }
0x4: {  	s4 =	simm.s32 $0x0;
	s13 =	simm.s32 $0x40;
	s14 =	simm.s32 $0x1  }
0x5: {  	s15 =	simm.s32 $0x0;
	s5 =	sand.u32 $0x1, s1;
	s8 =	smul.u32 $0x2800, s0  }
0x6: {  	s28 =	sshll.u32 s0, $0x1;
	[smem:$0x7FF] =	sst s4;
	s10 =	smul.u32 $0x1400, s0  }
0x7: {  	s31 =	sshll.u32 s0, $0x6;
	s1 =	sor.u32 s5, s28;
	s9 =	smul.u32 $0x14000, s5  }
0x8: {  	s5 =	ssub.s32 $0x2, s5;
	s7 =	smul.u32 $0x500, s1;
	s1 =	rddreg [dreg:$0x3]  }
0x9: {  	_ =	strace $0x80000047;
	s11 =	sshrl.u32 s8, $0x3;
	s30 =	sshrl.u32 s5, $0x1  }
0xa: {  	s12 =	sadd.s32 s8, s3;
	s9 =	sadd.s32 s10, s9;
	s29 =	sadd.s32 s11, s6  }
0xb: {  	s11 =	ssub.s32 s5, s30;
	s10 =	sshrl.u32 s12, $0x3;
	s12 =	simm.s32 $0x2800  }
0xc: {  	s7 =	sadd.s32 s7, s6;
	s9 =	sshrl.u32 s9, $0x3;
	s5 =	sadd.s32 $0x16A00, s29  }
0xd: {  	s9 =	sadd.s32 s9, s6;
	s6 =	sor.u32 $0x1C02, s31;
	s7 =	sadd.s32 $0xCA00, s7  }
0xe: {  	s8 =	sadd.s32 $0x1BA00, s9;
	s9 =	smax.u32 s11, $0x1;
	s11 =	simm.s32 $0x2  }
.LBB2_1:
0xf: {  	[spmem:s10], [sflag:s6] =	dma.local [hbm:s5], $0x500  }
0x10: {  	_ =	swait.ge [sflag:s11], $0x500  }
0x11: {  	[sflag:s11] =	ssyncset.done $0x0  }
0x12: {  	[sflag:s11] =	ssyncadd.s32 $0xFFFFFB00  }
0x13: {  	[tilespmem:s4], [sflag:$0x2] =	stream.linear.gather [hbm4b:s7+s4], $0x2800, $0x38;
	[tilespmem:$0x5400] =	vst v63  }
0x14: {  	_ =	swait.ge [sflag:s11], $0x2800  }
0x15: {  	[sflag:s11] =	ssyncset.done $0x0  }
0x16: {  	[sflag:s11] =	ssyncadd.s32 $0xFFFFD800  }
0x17: {  	[tilespmem:s12], [sflag:$0x2] =	stream.linear.gather [hbm4b:s2+s4], $0x400, $0x38;
	[tilespmem:$0x5400] =	vst v63  }
0x18: {  	_ =	swait.ge [sflag:s11], $0x400  }
0x19: {  	[sflag:s11] =	ssyncset.done $0x0  }
0x1a: {  	[sflag:s11] =	ssyncadd.s32 $0xFFFFFC00  }
0x1b: {  	s16 =	simm.s32 $0x0;
	[bflag:$0x0] =	sbarrier.arrive $0xFFFF  }
.LBB2_2:
0x1c: {  	p0 =	sne.s32 s16, $0x9F00  }
.Ltmp0:
0x1d: {  	_ = 	snop;
	(pc) =	sbr.rel @p0 .LBB2_2-.Ltmp0, $3  }
0x1e: {  	_ =	sdelay $0x1  }
0x1f: {  	s17 =	sshra.s32 s16, $0x2;
	s16 =	sadd.s32 $0x100, s16  }
0x20: {  	[spmem:s3] =	stream.indirect.scatter.add.f32 [tilespmem:s12], [sflag:$0x1], $0x10, s17, s13, $0xb8;
	[tilespmem:$0x5400] =	vst v63  }
0x21: {  	_ =	swait.ge [sflag:s14], $0x400  }
0x22: {  	s16 =	simm.s32 $0x9F;
	[sflag:s14] =	ssyncset.done $0x0  }
.LBB2_4:
0x23: {  	p0 =	sne.s32 s16, $0x1;
	s16 =	sadd.s32 $0xFFFFFFFF, s16;
	[sflag:s14] =	ssyncadd.s32 $0xFFFFFC00  }
.Ltmp1:
0x24: {  	(pc) =	sbr.rel @p0 .LBB2_4-.Ltmp1, $3  }
0x25: {  	_ =	sdelay $0x1  }
0x26: {  	_ =	swait.ge [sflag:s14], $0x400  }
0x27: {  	[sflag:s14] =	ssyncset.done $0x0  }
0x28: {  	s15 =	sadd.s32 $0x1, s15  }
0x29: {  	[sflag:s14] =	ssyncadd.s32 $0xFFFFFC00;
	p0 =	sne.s32 s15, s9  }
.Ltmp2:
0x2a: {  	[bflag:$0x0] =	sbarrier.arrive $0xFFFF;
	(pc) =	sbr.rel @p0 .LBB2_1-.Ltmp2, $4  }
0x2b: {  	[hbm:s8@s14], [sflag:s6] =	dma.strided [spmem:s10@s11], $0x280, s14, $0x1   }
0x2c: {  	_ =	swait.ge [sflag:s11], $0x280  }
0x2d: {  	[sflag:s11] =	ssyncset.done $0x0  }
0x2e: {  	[sflag:s11] =	ssyncadd.s32 $0xFFFFFD80  }
0x2f: {  	_ =	sfence.sel $0x180000  }
0x30: {  	[bflag:$0x0] =	sbarrier.arrive $0xFFFF  }
0x31: {  	p0 =	sne.s32 s0, $0x0;
	_ =	strace $0x90000047  }
0x32: {  	s0 =	sadd.s32 @!p0 $0x100000, s1;
	[bflag:$0x2] =	sbarrier.arrive $0xFFFF  }
0x33: {  	[sflag:s0] =	ssyncadd.tile.s32 @!p0 $0x1;
	_ =	shalt  }
.Lfunc_end2:
_tile_overlayer_lowered:
.L_overlay_start_2:
0x34: {  	(tag) =	ssettag $0x2  }
0x35: {  	s0 =	rddreg [dreg:$0x0];
	s2 =	stileid.u32  }
0x36: {  	s1 =	rddreg [dreg:$0x1];
	p0 =	sne.s32 s2, $0x0  }
0x37: {  	s3 =	rddreg [dreg:$0x2];
	[bflag:$0x3] =	sbarrier.arrive $0xFFFF;
	s2 =	simm.s32 @!p0 $0x1C02  }
0x38: {  	[timem:s3], [sflag:s2] =	dma.local @!p0 [hbm:s0], s1  }
0x39: {  	s0 =	simm.s32 @!p0 $0x2  }
0x3a: {  	_ =	swait.ge @!p0 [sflag:s0], s1  }
0x3b: {  	s1 =	ssub.s32 @!p0 $0x0, s1;
	[sflag:s0] =	ssyncset.done @!p0 $0x0  }
0x3c: {  	[sflag:s0] =	ssyncadd.s32 @!p0 s1  }
0x3d: {  	[bflag:$0x3] =	sbarrier.arrive $0xFFFF  }
0x3e: {  	_ =	shalt  }

</sc_bundles>
